<compile_context>
chip_gen: v7x
topology: tpu7x:2x2x1
jax: 0.10.2.dev20260603
libtpu: 0.0.44.dev20260713+nightly
codegen_flags: <defaults>
</compile_context>

<pallas_src>
import jax
import jax.numpy as jnp
from jax import lax
from jax.experimental import pallas as pl
from jax.experimental.pallas import tpu as pltpu
from jax.experimental.pallas import tpu_sc as plsc

N_NODES = 10000
NODE_DIM = 256
HALF = 128
HID = 512
N_EDGES = 160000
N_TYPES = 5
BLK = 2000
GRID = N_NODES // BLK
EPS = 1e-5

N_SUBCORES = 16
EDGES_PER_TILE = N_EDGES // N_SUBCORES
CHUNK = 100
N_CHUNKS = EDGES_PER_TILE // CHUNK
GROUP = 20
N_GROUPS = N_CHUNKS // GROUP
NODES_PER_TILE = 624
NODES_TAIL = N_NODES - NODES_PER_TILE * N_SUBCORES



def _msg_body(x_hbm, xr_hbm, cidx_hbm, dstr_hbm, out_hbm,
              cidx_v, didx_v, rows_v, acc_sh, sem_r):
    c = lax.axis_index("c")
    s = lax.axis_index("s")
    node_base = c * N_NODES + s * NODES_PER_TILE

    pltpu.sync_copy(x_hbm.at[pl.ds(node_base, NODES_PER_TILE)],
                    acc_sh.at[pl.ds(s * NODES_PER_TILE, NODES_PER_TILE)])

    @pl.when(s == N_SUBCORES - 1)
    def _():
        tail = NODES_PER_TILE * N_SUBCORES
        pltpu.sync_copy(x_hbm.at[pl.ds(c * N_NODES + tail, NODES_TAIL)],
                        acc_sh.at[pl.ds(tail, NODES_TAIL)])

    plsc.subcore_barrier()

    def group_body(g, _):
        pltpu.sync_copy(cidx_hbm.at[c, s, g], cidx_v)
        pltpu.sync_copy(dstr_hbm.at[s, g], didx_v)
        pltpu.async_copy(xr_hbm.at[cidx_v.at[0]], rows_v.at[0], sem_r.at[0])

        def chunk_body(k, _):
            b = k % 2
            bn = (k + 1) % 2

            @pl.when(k + 1 < GROUP)
            def _():
                pltpu.async_copy(xr_hbm.at[cidx_v.at[k + 1]], rows_v.at[bn],
                                 sem_r.at[bn])

            pltpu.make_async_copy(xr_hbm.at[cidx_v.at[k]], rows_v.at[b],
                                  sem_r.at[b]).wait()
            pltpu.sync_copy(rows_v.at[b], acc_sh.at[didx_v.at[k]], add=True)
            return 0

        lax.fori_loop(0, GROUP, chunk_body, 0)
        return 0

    lax.fori_loop(0, N_GROUPS, group_body, 0)
    plsc.subcore_barrier()

    pltpu.sync_copy(acc_sh.at[pl.ds(s * NODES_PER_TILE, NODES_PER_TILE)],
                    out_hbm.at[pl.ds(node_base, NODES_PER_TILE)])

    @pl.when(s == N_SUBCORES - 1)
    def _():
        tail = NODES_PER_TILE * N_SUBCORES
        pltpu.sync_copy(acc_sh.at[pl.ds(tail, NODES_TAIL)],
                        out_hbm.at[pl.ds(c * N_NODES + tail, NODES_TAIL)])


def _msg_call(xflat, xr, cidx, dstr):
    k = pl.kernel(
        _msg_body,
        out_type=jax.ShapeDtypeStruct((2 * N_NODES, HALF), jnp.float32),
        mesh=plsc.VectorSubcoreMesh(core_axis_name="c", subcore_axis_name="s"),
        scratch_types=[
            pltpu.VMEM((GROUP, CHUNK), jnp.int32),
            pltpu.VMEM((GROUP, CHUNK), jnp.int32),
            pltpu.VMEM((2, CHUNK, HALF), jnp.float32),
            pltpu.VMEM_SHARED((N_NODES, HALF), jnp.float32),
            pltpu.SemaphoreType.DMA((2,)),
        ],
    )
    return k(xflat, xr, cidx, dstr)



def _embed_body(at_ref, aemb_ref, etab_ref, out_ref, xr_ref):
    at = at_ref[0, 0]
    onehot = (at[:, None] ==
              lax.broadcasted_iota(jnp.int32, (BLK, 128), 1)).astype(jnp.float32)
    xb = jnp.dot(onehot, aemb_ref[0], preferred_element_type=jnp.float32,
                 precision=lax.Precision.HIGHEST)
    out_ref[...] = xb
    xr = jnp.maximum(xb[:, None, :] + etab_ref[0][None, :, :], 0.0)
    xr_ref[...] = xr.reshape(BLK * N_TYPES, HALF)


def _embed_call(atype2d, aemb_pad, etab2):
    return pl.pallas_call(
        _embed_body,
        grid=(2, GRID),
        in_specs=[
            pl.BlockSpec((1, 1, BLK), lambda j, i: (i, 0, 0)),
            pl.BlockSpec((1, 128, HALF), lambda j, i: (j, 0, 0)),
            pl.BlockSpec((1, N_TYPES, HALF), lambda j, i: (j, 0, 0)),
        ],
        out_specs=[
            pl.BlockSpec((BLK, HALF), lambda j, i: (j * GRID + i, 0)),
            pl.BlockSpec((BLK * N_TYPES, HALF), lambda j, i: (j * GRID + i, 0)),
        ],
        out_shape=[
            jax.ShapeDtypeStruct((2 * N_NODES, HALF), jnp.float32),
            jax.ShapeDtypeStruct((2 * N_NODES * N_TYPES, HALF), jnp.float32),
        ],
    )(atype2d, aemb_pad, etab2)


def _mlp_body(h0lo_ref, h0hi_ref, w1_ref, b1_ref, w2_ref, b2_ref,
              h2_ref, part_ref):
    h1 = (jnp.dot(h0lo_ref[...], w1_ref[0], preferred_element_type=jnp.float32)
          + jnp.dot(h0hi_ref[...], w1_ref[1], preferred_element_type=jnp.float32)
          + b1_ref[...])
    h1 = jnp.maximum(h1, 0.0)
    h2 = jnp.dot(h1, w2_ref[...], preferred_element_type=jnp.float32) + b2_ref[...]
    h2_ref[...] = h2
    mu = jnp.sum(h2, axis=0) * (1.0 / BLK)
    d = h2 - mu
    part_ref[0, 0, :] = mu
    part_ref[0, 1, :] = jnp.sum(d * d, axis=0)


def _mlp_call(h0flat, w1r, b1, w2, b2):
    return pl.pallas_call(
        _mlp_body,
        grid=(GRID,),
        in_specs=[
            pl.BlockSpec((BLK, HALF), lambda i: (i, 0)),
            pl.BlockSpec((BLK, HALF), lambda i: (GRID + i, 0)),
            pl.BlockSpec((2, HALF, HID), lambda i: (0, 0, 0)),
            pl.BlockSpec((1, HID), lambda i: (0, 0)),
            pl.BlockSpec((HID, NODE_DIM), lambda i: (0, 0)),
            pl.BlockSpec((1, NODE_DIM), lambda i: (0, 0)),
        ],
        out_specs=[
            pl.BlockSpec((BLK, NODE_DIM), lambda i: (i, 0)),
            pl.BlockSpec((1, 2, NODE_DIM), lambda i: (i, 0, 0)),
        ],
        out_shape=[
            jax.ShapeDtypeStruct((N_NODES, NODE_DIM), jnp.float32),
            jax.ShapeDtypeStruct((GRID, 2, NODE_DIM), jnp.float32),
        ],
    )(h0flat, h0flat, w1r, b1.reshape(1, HID), w2, b2.reshape(1, NODE_DIM))


def _bn_mid_body(h2_ref, part_ref, res_ref, gamma_ref, beta_ref, etab_ref,
                 out_ref, xr_ref):
    mus = part_ref[:, 0, :]
    m2s = part_ref[:, 1, :]
    mean = jnp.sum(mus, axis=0) * (1.0 / GRID)
    dm = mus - mean
    var = (jnp.sum(m2s, axis=0) + BLK * jnp.sum(dm * dm, axis=0)) * (1.0 / N_NODES)
    rstd = lax.rsqrt(var + EPS)
    h = (h2_ref[...] - mean) * (rstd * gamma_ref[0]) + beta_ref[0]
    x_new = jnp.maximum(h, 0.0) + res_ref[...]
    out_ref[...] = x_new
    xr = jnp.maximum(x_new[:, None, :] + etab_ref[0][None, :, :], 0.0)
    xr_ref[...] = xr.reshape(BLK * N_TYPES, HALF)


def _bn_final_body(h2_ref, part_ref, res_ref, gamma_ref, beta_ref, out_ref):
    mus = part_ref[:, 0, :]
    m2s = part_ref[:, 1, :]
    mean = jnp.sum(mus, axis=0) * (1.0 / GRID)
    dm = mus - mean
    var = (jnp.sum(m2s, axis=0) + BLK * jnp.sum(dm * dm, axis=0)) * (1.0 / N_NODES)
    rstd = lax.rsqrt(var + EPS)
    h = (h2_ref[...] - mean) * (rstd * gamma_ref[0]) + beta_ref[0]
    out_ref[...] = jnp.maximum(h, 0.0) + res_ref[...]


def _bn_call(h2, part, xflat, gamma, beta, etab2, final):
    in_specs = [
        pl.BlockSpec((BLK, HALF), lambda j, i: (i, j)),
        pl.BlockSpec((GRID, 2, HALF), lambda j, i: (0, 0, j)),
        pl.BlockSpec((BLK, HALF), lambda j, i: (j * GRID + i, 0)),
        pl.BlockSpec((1, HALF), lambda j, i: (0, j)),
        pl.BlockSpec((1, HALF), lambda j, i: (0, j)),
    ]
    g2 = gamma.reshape(1, NODE_DIM)
    b2_ = beta.reshape(1, NODE_DIM)
    if final:
        return pl.pallas_call(
            _bn_final_body,
            grid=(2, GRID),
            in_specs=in_specs,
            out_specs=pl.BlockSpec((BLK, HALF), lambda j, i: (i, j)),
            out_shape=jax.ShapeDtypeStruct((N_NODES, NODE_DIM), jnp.float32),
        )(h2, part, xflat, g2, b2_)
    return pl.pallas_call(
        _bn_mid_body,
        grid=(2, GRID),
        in_specs=in_specs + [pl.BlockSpec((1, N_TYPES, HALF), lambda j, i: (j, 0, 0))],
        out_specs=[
            pl.BlockSpec((BLK, HALF), lambda j, i: (j * GRID + i, 0)),
            pl.BlockSpec((BLK * N_TYPES, HALF), lambda j, i: (j * GRID + i, 0)),
        ],
        out_shape=[
            jax.ShapeDtypeStruct((2 * N_NODES, HALF), jnp.float32),
            jax.ShapeDtypeStruct((2 * N_NODES * N_TYPES, HALF), jnp.float32),
        ],
    )(h2, part, xflat, g2, b2_, etab2)



def kernel(atom_type, edge_index, edge_type, atom_emb, edge_emb,
           W1, b1, W2, b2, gamma, beta):
    num_layers = W1.shape[0]
    src = edge_index[0].astype(jnp.int32)
    dst = edge_index[1].astype(jnp.int32)
    et = edge_type.astype(jnp.int32)

    ci = src * N_TYPES + et
    cidx = jnp.stack([ci, ci + N_NODES * N_TYPES]).reshape(
        2, N_SUBCORES, N_GROUPS, GROUP, CHUNK)
    dstr = dst.reshape(N_SUBCORES, N_GROUPS, GROUP, CHUNK)

    etab2 = edge_emb.reshape(N_TYPES, 2, HALF).transpose(1, 0, 2)
    aemb_pad = jnp.zeros((2, 128, HALF), jnp.float32)
    aemb_pad = aemb_pad.at[:, :119, :].set(
        atom_emb.reshape(119, 2, HALF).transpose(1, 0, 2))
    atype2d = atom_type.astype(jnp.int32).reshape(GRID, 1, BLK)

    xflat, xr = _embed_call(atype2d, aemb_pad, etab2)

    out = None
    for l in range(num_layers):
        h0flat = _msg_call(xflat, xr, cidx, dstr)
        w1r = W1[l].reshape(2, HALF, HID)
        h2, part = _mlp_call(h0flat, w1r, b1[l], W2[l], b2[l])
        if l == num_layers - 1:
            out = _bn_call(h2, part, xflat, gamma[l], beta[l], etab2, True)
        else:
            xflat, xr = _bn_call(h2, part, xflat, gamma[l], beta[l], etab2, False)
    return out

# --- scband reference (transcript-rebuilt; emitter-appended) ---
"""Pipeline reference for scband-molecular-graph-encoder-31791347925400 (READ-ONLY COPY).

The authoritative reference and input builder live on the scoring server;
editing this copy changes nothing except your own understanding.
"""

import jax, jax.numpy as jnp
import numpy as np

NUM_ATOM_TYPES = 119
NUM_EDGE_TYPES = 5
NODE_DIM = 256
NUM_LAYERS = 4
N_NODES = 10000
N_EDGES = 160000


def setup_inputs(seed: int = 0) -> dict:
    key = jax.random.key(seed)
    ks = jax.random.split(key, 12)
    atom_type = jax.random.randint(ks[0], (N_NODES,), 0, NUM_ATOM_TYPES, dtype=jnp.int64 if jax.config.jax_enable_x64 else jnp.int32)
    edge_index = jax.random.randint(ks[1], (2, N_EDGES), 0, N_NODES, dtype=jnp.int64 if jax.config.jax_enable_x64 else jnp.int32)
    edge_type = jax.random.randint(ks[2], (N_EDGES,), 0, NUM_EDGE_TYPES, dtype=jnp.int64 if jax.config.jax_enable_x64 else jnp.int32)
    atom_emb = jax.random.normal(ks[3], (NUM_ATOM_TYPES, NODE_DIM), dtype=jnp.float32)
    edge_emb = jax.random.normal(ks[4], (NUM_EDGE_TYPES, NODE_DIM), dtype=jnp.float32)
    s1 = 1.0 / np.sqrt(NODE_DIM)
    s2 = 1.0 / np.sqrt(NODE_DIM * 2)
    W1 = jax.random.uniform(ks[5], (NUM_LAYERS, NODE_DIM, NODE_DIM * 2), jnp.float32, -s1, s1)
    b1 = jax.random.uniform(ks[6], (NUM_LAYERS, NODE_DIM * 2), jnp.float32, -s1, s1)
    W2 = jax.random.uniform(ks[7], (NUM_LAYERS, NODE_DIM * 2, NODE_DIM), jnp.float32, -s2, s2)
    b2 = jax.random.uniform(ks[8], (NUM_LAYERS, NODE_DIM), jnp.float32, -s2, s2)
    gamma = jnp.ones((NUM_LAYERS, NODE_DIM), dtype=jnp.float32)
    beta = jnp.zeros((NUM_LAYERS, NODE_DIM), dtype=jnp.float32)
    return {
        "atom_type": atom_type,
        "edge_index": edge_index,
        "edge_type": edge_type,
        "atom_emb": atom_emb,
        "edge_emb": edge_emb,
        "W1": W1,
        "b1": b1,
        "W2": W2,
        "b2": b2,
        "gamma": gamma,
        "beta": beta,
    }


def reference(atom_type, edge_index, edge_type, atom_emb, edge_emb, W1, b1, W2, b2, gamma, beta):
    n_nodes = atom_type.shape[0]
    x = jnp.take(atom_emb, atom_type, axis=0)
    e = jnp.take(edge_emb, edge_type, axis=0)
    src = edge_index[0]
    dst = edge_index[1]
    eps = 1e-5
    for l in range(NUM_LAYERS):
        residual = x
        # GINEConv: message = relu(x_j + edge_attr), aggr='add' at dst, update = mlp(aggr + x)
        msg = jax.nn.relu(jnp.take(x, src, axis=0) + e)
        aggr = jax.ops.segment_sum(msg, dst, num_segments=n_nodes)
        h = aggr + x
        h = jnp.dot(h, W1[l]) + b1[l]
        h = jax.nn.relu(h)
        h = jnp.dot(h, W2[l]) + b2[l]
        # BatchNorm1d (training-mode batch statistics, biased variance)
        mean = jnp.mean(h, axis=0)
        var = jnp.var(h, axis=0)
        h = (h - mean) / jnp.sqrt(var + eps) * gamma[l] + beta[l]
        h = jax.nn.relu(h)
        x = h + residual
    return x

if __name__ == "__main__":
    import jax
    _d = setup_inputs()
    print(jax.jit(kernel)(*tuple(_d.values())))

</pallas_src>

<mosaic_0001>
#map = affine_map<(d0, d1) -> (0, 0)>
#map1 = affine_map<(d0, d1) -> (0, 0, 0, 0, 0)>
#map2 = affine_map<(d0, d1) -> (0, 0, 0, 0)>
module attributes {stable_mosaic.version = 14 : i64} {
  func.func @_msg_body(%arg0: i32, %arg1: i32, %arg2: memref<20000x128xf32, #tpu.memory_space<hbm>>, %arg3: memref<100000x128xf32, #tpu.memory_space<hbm>>, %arg4: memref<2x16x5x20x100xi32, #tpu.memory_space<hbm>>, %arg5: memref<16x5x20x100xi32, #tpu.memory_space<hbm>>, %arg6: memref<20000x128xf32, #tpu.memory_space<hbm>>, %arg7: memref<20x100xi32, #tpu.memory_space<vmem>>, %arg8: memref<20x100xi32, #tpu.memory_space<vmem>>, %arg9: memref<2x100x128xf32, #tpu.memory_space<vmem>>, %arg10: memref<10000x128xf32, #tpu.memory_space<vmem_shared>>, %arg11: memref<2x!tpu.dma_semaphore, #tpu.memory_space<semaphore_mem>>) attributes {dimension_semantics = [#tpu.dimension_semantics<core_parallel>, #tpu.dimension_semantics<subcore_parallel>], iteration_bounds = array<i64: 2, 16>, scalar_prefetch = 0 : i64, scratch_operands = 5 : i64, tpu.core_type = #tpu.core_type<sc_vector_subcore>, window_params = [{transform_indices = #map}, {transform_indices = #map}, {transform_indices = #map1}, {transform_indices = #map2}, {transform_indices = #map}]} {
    %mul3A = arith.constant 10000 : i32
    %mul3A_0 = arith.muli %arg0, %mul3A : i32
    %mul3A_1 = arith.constant 624 : i32
    %mul3A_2 = arith.muli %arg1, %mul3A_1 : i32
    %add3A = arith.addi %mul3A_0, %mul3A_2 : i32
    %mul3A_3 = arith.constant 624 : i32
    %mul3A_4 = arith.muli %arg1, %mul3A_3 : i32
    "tpu.region"() ({
      %run_scoped3A = tpu.sem_alloc : memref<!tpu.dma_semaphore, #tpu.memory_space<semaphore_mem>>
      %dma_start3A = arith.constant 0 : i32
      %dma_start3A_21 = tpu.memref_slice %arg10[%mul3A_4, %dma_start3A] : memref<10000x128xf32, #tpu.memory_space<vmem_shared>> -> memref<624x128xf32, #tpu.memory_space<vmem_shared>>
      %dma_start3A_22 = arith.constant 0 : i32
      %dma_start3A_23 = tpu.memref_slice %arg2[%add3A, %dma_start3A_22] : memref<20000x128xf32, #tpu.memory_space<hbm>> -> memref<624x128xf32, #tpu.memory_space<hbm>>
      tpu.enqueue_dma source(%dma_start3A_23 : memref<624x128xf32, #tpu.memory_space<hbm>>) target(%dma_start3A_21 : memref<624x128xf32, #tpu.memory_space<vmem_shared>>) target_semaphore(%run_scoped3A : memref<!tpu.dma_semaphore, #tpu.memory_space<semaphore_mem>>)
      %dma_wait3A = arith.constant 0 : i32
      %dma_wait3A_24 = tpu.memref_slice %arg10[%mul3A_4, %dma_wait3A] : memref<10000x128xf32, #tpu.memory_space<vmem_shared>> -> memref<624x128xf32, #tpu.memory_space<vmem_shared>>
      %dma_wait3A_25 = arith.constant 0 : i32
      %dma_wait3A_26 = tpu.memref_slice %arg2[%add3A, %dma_wait3A_25] : memref<20000x128xf32, #tpu.memory_space<hbm>> -> memref<624x128xf32, #tpu.memory_space<hbm>>
      tpu.wait_dma2 semaphore(%run_scoped3A : memref<!tpu.dma_semaphore, #tpu.memory_space<semaphore_mem>>) src(%dma_wait3A_26 : memref<624x128xf32, #tpu.memory_space<hbm>>) dst(%dma_wait3A_24 : memref<624x128xf32, #tpu.memory_space<vmem_shared>>)
      tpu.yield
    }) : () -> ()
    %eq3A = arith.constant 15 : i32
    %eq3A_5 = arith.cmpi eq, %arg1, %eq3A : i32
    %convert_element_type3A = arith.extui %eq3A_5 : i1 to i32
    %cond3A = arith.constant 0 : i32
    %cond3A_6 = arith.cmpi ne, %convert_element_type3A, %cond3A : i32
    scf.if %cond3A_6 {
      %mul3A_21 = arith.constant 10000 : i32
      %mul3A_22 = arith.muli %arg0, %mul3A_21 : i32
      %add3A_23 = arith.constant 9984 : i32
      %add3A_24 = arith.addi %mul3A_22, %add3A_23 : i32
      "tpu.region"() ({
        %run_scoped3A = tpu.sem_alloc : memref<!tpu.dma_semaphore, #tpu.memory_space<semaphore_mem>>
        %dma_start3A = arith.constant 9984 : i32
        %dma_start3A_25 = arith.constant 0 : i32
        %dma_start3A_26 = tpu.memref_slice %arg10[%dma_start3A, %dma_start3A_25] : memref<10000x128xf32, #tpu.memory_space<vmem_shared>> -> memref<16x128xf32, #tpu.memory_space<vmem_shared>>
        %dma_start3A_27 = arith.constant 0 : i32
        %dma_start3A_28 = tpu.memref_slice %arg2[%add3A_24, %dma_start3A_27] : memref<20000x128xf32, #tpu.memory_space<hbm>> -> memref<16x128xf32, #tpu.memory_space<hbm>>
        tpu.enqueue_dma source(%dma_start3A_28 : memref<16x128xf32, #tpu.memory_space<hbm>>) target(%dma_start3A_26 : memref<16x128xf32, #tpu.memory_space<vmem_shared>>) target_semaphore(%run_scoped3A : memref<!tpu.dma_semaphore, #tpu.memory_space<semaphore_mem>>)
        %dma_wait3A = arith.constant 9984 : i32
        %dma_wait3A_29 = arith.constant 0 : i32
        %dma_wait3A_30 = tpu.memref_slice %arg10[%dma_wait3A, %dma_wait3A_29] : memref<10000x128xf32, #tpu.memory_space<vmem_shared>> -> memref<16x128xf32, #tpu.memory_space<vmem_shared>>
        %dma_wait3A_31 = arith.constant 0 : i32
        %dma_wait3A_32 = tpu.memref_slice %arg2[%add3A_24, %dma_wait3A_31] : memref<20000x128xf32, #tpu.memory_space<hbm>> -> memref<16x128xf32, #tpu.memory_space<hbm>>
        tpu.wait_dma2 semaphore(%run_scoped3A : memref<!tpu.dma_semaphore, #tpu.memory_space<semaphore_mem>>) src(%dma_wait3A_32 : memref<16x128xf32, #tpu.memory_space<hbm>>) dst(%dma_wait3A_30 : memref<16x128xf32, #tpu.memory_space<vmem_shared>>)
        tpu.yield
      }) : () -> ()
    } else {
    }
    %barrier3A = arith.constant 0 : index
    tpu.barrier barrier_id(%barrier3A)
    %scan3A = arith.constant 0 : i32
    %scan3A_7 = arith.constant 0 : i32
    %scan3A_8 = arith.constant 5 : i32
    %scan3A_9 = arith.addi %scan3A_7, %scan3A_8 : i32
    %scan3A_10 = arith.constant 1 : i32
    %scan3A_11 = scf.for %scan3A_21 = %scan3A_7 to %scan3A_9 step %scan3A_10 iter_args(%scan3A_22 = %scan3A) -> (i32)  : i32 {
      "tpu.region"() ({
        %run_scoped3A = tpu.sem_alloc : memref<!tpu.dma_semaphore, #tpu.memory_space<semaphore_mem>>
        %dma_start3A_45 = arith.constant 0 : i32
        %dma_start3A_46 = arith.constant 0 : i32
        %dma_start3A_47 = tpu.memref_slice %arg4[%arg0, %arg1, %scan3A_21, %dma_start3A_45, %dma_start3A_46] : memref<2x16x5x20x100xi32, #tpu.memory_space<hbm>> -> memref<1x1x1x20x100xi32, #tpu.memory_space<hbm>>
        %dma_start3A_48 = tpu.memref_squeeze %dma_start3A_47 : memref<1x1x1x20x100xi32, #tpu.memory_space<hbm>> -> memref<20x100xi32, #tpu.memory_space<hbm>>
        %dma_start3A_49 = arith.constant 0 : i32
        %dma_start3A_50 = arith.constant 0 : i32
        %dma_start3A_51 = tpu.memref_slice %arg4[%arg0, %arg1, %scan3A_21, %dma_start3A_49, %dma_start3A_50] : memref<2x16x5x20x100xi32, #tpu.memory_space<hbm>> -> memref<1x1x1x20x100xi32, #tpu.memory_space<hbm>>
        %dma_start3A_52 = tpu.memref_squeeze %dma_start3A_51 : memref<1x1x1x20x100xi32, #tpu.memory_space<hbm>> -> memref<20x100xi32, #tpu.memory_space<hbm>>
        tpu.enqueue_dma source(%dma_start3A_52 : memref<20x100xi32, #tpu.memory_space<hbm>>) target(%arg7 : memref<20x100xi32, #tpu.memory_space<vmem>>) target_semaphore(%run_scoped3A : memref<!tpu.dma_semaphore, #tpu.memory_space<semaphore_mem>>)
        %dma_wait3A = arith.constant 0 : i32
        %dma_wait3A_53 = arith.constant 0 : i32
        %dma_wait3A_54 = tpu.memref_slice %arg4[%arg0, %arg1, %scan3A_21, %dma_wait3A, %dma_wait3A_53] : memref<2x16x5x20x100xi32, #tpu.memory_space<hbm>> -> memref<1x1x1x20x100xi32, #tpu.memory_space<hbm>>
        %dma_wait3A_55 = tpu.memref_squeeze %dma_wait3A_54 : memref<1x1x1x20x100xi32, #tpu.memory_space<hbm>> -> memref<20x100xi32, #tpu.memory_space<hbm>>
        %dma_wait3A_56 = arith.constant 0 : i32
        %dma_wait3A_57 = arith.constant 0 : i32
        %dma_wait3A_58 = tpu.memref_slice %arg4[%arg0, %arg1, %scan3A_21, %dma_wait3A_56, %dma_wait3A_57] : memref<2x16x5x20x100xi32, #tpu.memory_space<hbm>> -> memref<1x1x1x20x100xi32, #tpu.memory_space<hbm>>
        %dma_wait3A_59 = tpu.memref_squeeze %dma_wait3A_58 : memref<1x1x1x20x100xi32, #tpu.memory_space<hbm>> -> memref<20x100xi32, #tpu.memory_space<hbm>>
        tpu.wait_dma2 semaphore(%run_scoped3A : memref<!tpu.dma_semaphore, #tpu.memory_space<semaphore_mem>>) src(%dma_wait3A_59 : memref<20x100xi32, #tpu.memory_space<hbm>>) dst(%arg7 : memref<20x100xi32, #tpu.memory_space<vmem>>)
        tpu.yield
      }) : () -> ()
      "tpu.region"() ({
        %run_scoped3A = tpu.sem_alloc : memref<!tpu.dma_semaphore, #tpu.memory_space<semaphore_mem>>
        %dma_start3A_45 = arith.constant 0 : i32
        %dma_start3A_46 = arith.constant 0 : i32
        %dma_start3A_47 = tpu.memref_slice %arg5[%arg1, %scan3A_21, %dma_start3A_45, %dma_start3A_46] : memref<16x5x20x100xi32, #tpu.memory_space<hbm>> -> memref<1x1x20x100xi32, #tpu.memory_space<hbm>>
        %dma_start3A_48 = tpu.memref_squeeze %dma_start3A_47 : memref<1x1x20x100xi32, #tpu.memory_space<hbm>> -> memref<20x100xi32, #tpu.memory_space<hbm>>
        %dma_start3A_49 = arith.constant 0 : i32
        %dma_start3A_50 = arith.constant 0 : i32
        %dma_start3A_51 = tpu.memref_slice %arg5[%arg1, %scan3A_21, %dma_start3A_49, %dma_start3A_50] : memref<16x5x20x100xi32, #tpu.memory_space<hbm>> -> memref<1x1x20x100xi32, #tpu.memory_space<hbm>>
        %dma_start3A_52 = tpu.memref_squeeze %dma_start3A_51 : memref<1x1x20x100xi32, #tpu.memory_space<hbm>> -> memref<20x100xi32, #tpu.memory_space<hbm>>
        tpu.enqueue_dma source(%dma_start3A_52 : memref<20x100xi32, #tpu.memory_space<hbm>>) target(%arg8 : memref<20x100xi32, #tpu.memory_space<vmem>>) target_semaphore(%run_scoped3A : memref<!tpu.dma_semaphore, #tpu.memory_space<semaphore_mem>>)
        %dma_wait3A = arith.constant 0 : i32
        %dma_wait3A_53 = arith.constant 0 : i32
        %dma_wait3A_54 = tpu.memref_slice %arg5[%arg1, %scan3A_21, %dma_wait3A, %dma_wait3A_53] : memref<16x5x20x100xi32, #tpu.memory_space<hbm>> -> memref<1x1x20x100xi32, #tpu.memory_space<hbm>>
        %dma_wait3A_55 = tpu.memref_squeeze %dma_wait3A_54 : memref<1x1x20x100xi32, #tpu.memory_space<hbm>> -> memref<20x100xi32, #tpu.memory_space<hbm>>
        %dma_wait3A_56 = arith.constant 0 : i32
        %dma_wait3A_57 = arith.constant 0 : i32
        %dma_wait3A_58 = tpu.memref_slice %arg5[%arg1, %scan3A_21, %dma_wait3A_56, %dma_wait3A_57] : memref<16x5x20x100xi32, #tpu.memory_space<hbm>> -> memref<1x1x20x100xi32, #tpu.memory_space<hbm>>
        %dma_wait3A_59 = tpu.memref_squeeze %dma_wait3A_58 : memref<1x1x20x100xi32, #tpu.memory_space<hbm>> -> memref<20x100xi32, #tpu.memory_space<hbm>>
        tpu.wait_dma2 semaphore(%run_scoped3A : memref<!tpu.dma_semaphore, #tpu.memory_space<semaphore_mem>>) src(%dma_wait3A_59 : memref<20x100xi32, #tpu.memory_space<hbm>>) dst(%arg8 : memref<20x100xi32, #tpu.memory_space<vmem>>)
        tpu.yield
      }) : () -> ()
      %dma_start3A = arith.constant 0 : i32
      %dma_start3A_23 = arith.constant 0 : i32
      %dma_start3A_24 = arith.constant 0 : i32
      %dma_start3A_25 = arith.constant 0 : i32
      %dma_start3A_26 = arith.constant 0 : i32
      %dma_start3A_27 = tpu.memref_slice %arg9[%dma_start3A_23, %dma_start3A_25, %dma_start3A_26] : memref<2x100x128xf32, #tpu.memory_space<vmem>> -> memref<1x100x128xf32, #tpu.memory_space<vmem>>
      %dma_start3A_28 = tpu.memref_squeeze %dma_start3A_27 : memref<1x100x128xf32, #tpu.memory_space<vmem>> -> memref<100x128xf32, #tpu.memory_space<vmem>>
      %dma_start3A_29 = arith.constant 0 : i32
      %dma_start3A_30 = tpu.memref_slice %arg7[%dma_start3A, %dma_start3A_29] : memref<20x100xi32, #tpu.memory_space<vmem>> -> memref<1x100xi32, #tpu.memory_space<vmem>>
      %dma_start3A_31 = tpu.memref_squeeze %dma_start3A_30 : memref<1x100xi32, #tpu.memory_space<vmem>> -> memref<100xi32, #tpu.memory_space<vmem>>
      %dma_start3A_32 = arith.constant 0 : i32
      %dma_start3A_33 = arith.constant 0 : i32
      %dma_start3A_34 = tpu.memref_slice %arg3[%dma_start3A_32, %dma_start3A_33] : memref<100000x128xf32, #tpu.memory_space<hbm>> -> memref<100000x128xf32, #tpu.memory_space<hbm>>
      %dma_start3A_35 = tpu.memref_slice %arg11[%dma_start3A_24] : memref<2x!tpu.dma_semaphore, #tpu.memory_space<semaphore_mem>> -> memref<1x!tpu.dma_semaphore, #tpu.memory_space<semaphore_mem>>
      %dma_start3A_36 = tpu.memref_squeeze %dma_start3A_35 : memref<1x!tpu.dma_semaphore, #tpu.memory_space<semaphore_mem>> -> memref<!tpu.dma_semaphore, #tpu.memory_space<semaphore_mem>>
      tpu.enqueue_indirect_dma source(%dma_start3A_34 : memref<100000x128xf32, #tpu.memory_space<hbm>>) target(%dma_start3A_28 : memref<100x128xf32, #tpu.memory_space<vmem>>) offsets(%dma_start3A_31 : memref<100xi32, #tpu.memory_space<vmem>>) semaphore(%dma_start3A_36 : memref<!tpu.dma_semaphore, #tpu.memory_space<semaphore_mem>>)
      %scan3A_37 = arith.constant 0 : i32
      %scan3A_38 = arith.constant 0 : i32
      %scan3A_39 = arith.constant 20 : i32
      %scan3A_40 = arith.addi %scan3A_38, %scan3A_39 : i32
      %scan3A_41 = arith.constant 1 : i32
      %scan3A_42 = scf.for %scan3A_45 = %scan3A_38 to %scan3A_40 step %scan3A_41 iter_args(%scan3A_46 = %scan3A_37) -> (i32)  : i32 {
        %jit3A = arith.constant 2 : i32
        %eq3A_47 = arith.constant 0 : i32
        %eq3A_48 = arith.cmpi eq, %jit3A, %eq3A_47 : i32
        %jit3A_49 = arith.constant 1 : i32
        %select_n3A = arith.select %eq3A_48, %jit3A_49, %jit3A : i32
        %rem3A = arith.remsi %scan3A_45, %select_n3A : i32
        %ne3A = arith.constant 0 : i32
        %ne3A_50 = arith.cmpi ne, %rem3A, %ne3A : i32
        %lt3A = arith.constant 0 : i32
        %lt3A_51 = arith.cmpi slt, %rem3A, %lt3A : i32
        %lt3A_52 = arith.constant 0 : i32
        %lt3A_53 = arith.cmpi slt, %select_n3A, %lt3A_52 : i32
        %ne3A_54 = arith.xori %lt3A_51, %lt3A_53 : i1
        %and3A = arith.andi %ne3A_54, %ne3A_50 : i1
        %add3A_55 = arith.addi %rem3A, %select_n3A : i32
        %select_n3A_56 = arith.select %and3A, %add3A_55, %rem3A : i32
        %add3A_57 = arith.constant 1 : i32
        %add3A_58 = arith.addi %scan3A_45, %add3A_57 : i32
        %jit3A_59 = arith.constant 2 : i32
        %eq3A_60 = arith.constant 0 : i32
        %eq3A_61 = arith.cmpi eq, %jit3A_59, %eq3A_60 : i32
        %jit3A_62 = arith.constant 1 : i32
        %select_n3A_63 = arith.select %eq3A_61, %jit3A_62, %jit3A_59 : i32
        %rem3A_64 = arith.remsi %add3A_58, %select_n3A_63 : i32
        %ne3A_65 = arith.constant 0 : i32
        %ne3A_66 = arith.cmpi ne, %rem3A_64, %ne3A_65 : i32
        %lt3A_67 = arith.constant 0 : i32
        %lt3A_68 = arith.cmpi slt, %rem3A_64, %lt3A_67 : i32
        %lt3A_69 = arith.constant 0 : i32
        %lt3A_70 = arith.cmpi slt, %select_n3A_63, %lt3A_69 : i32
        %ne3A_71 = arith.xori %lt3A_68, %lt3A_70 : i1
        %and3A_72 = arith.andi %ne3A_71, %ne3A_66 : i1
        %add3A_73 = arith.addi %rem3A_64, %select_n3A_63 : i32
        %select_n3A_74 = arith.select %and3A_72, %add3A_73, %rem3A_64 : i32
        %add3A_75 = arith.constant 1 : i32
        %add3A_76 = arith.addi %scan3A_45, %add3A_75 : i32
        %lt3A_77 = arith.constant 20 : i32
        %lt3A_78 = arith.cmpi slt, %add3A_76, %lt3A_77 : i32
        %convert_element_type3A_79 = arith.extui %lt3A_78 : i1 to i32
        %cond3A_80 = arith.constant 0 : i32
        %cond3A_81 = arith.cmpi ne, %convert_element_type3A_79, %cond3A_80 : i32
        scf.if %cond3A_81 {
          %add3A_94 = arith.constant 1 : i32
          %add3A_95 = arith.addi %scan3A_45, %add3A_94 : i32
          %dma_start3A_96 = arith.constant 0 : i32
          %dma_start3A_97 = arith.constant 0 : i32
          %dma_start3A_98 = tpu.memref_slice %arg9[%select_n3A_74, %dma_start3A_96, %dma_start3A_97] : memref<2x100x128xf32, #tpu.memory_space<vmem>> -> memref<1x100x128xf32, #tpu.memory_space<vmem>>
          %dma_start3A_99 = tpu.memref_squeeze %dma_start3A_98 : memref<1x100x128xf32, #tpu.memory_space<vmem>> -> memref<100x128xf32, #tpu.memory_space<vmem>>
          %dma_start3A_100 = arith.constant 0 : i32
          %dma_start3A_101 = tpu.memref_slice %arg7[%add3A_95, %dma_start3A_100] : memref<20x100xi32, #tpu.memory_space<vmem>> -> memref<1x100xi32, #tpu.memory_space<vmem>>
          %dma_start3A_102 = tpu.memref_squeeze %dma_start3A_101 : memref<1x100xi32, #tpu.memory_space<vmem>> -> memref<100xi32, #tpu.memory_space<vmem>>
          %dma_start3A_103 = arith.constant 0 : i32
          %dma_start3A_104 = arith.constant 0 : i32
          %dma_start3A_105 = tpu.memref_slice %arg3[%dma_start3A_103, %dma_start3A_104] : memref<100000x128xf32, #tpu.memory_space<hbm>> -> memref<100000x128xf32, #tpu.memory_space<hbm>>
          %dma_start3A_106 = tpu.memref_slice %arg11[%select_n3A_74] : memref<2x!tpu.dma_semaphore, #tpu.memory_space<semaphore_mem>> -> memref<1x!tpu.dma_semaphore, #tpu.memory_space<semaphore_mem>>
          %dma_start3A_107 = tpu.memref_squeeze %dma_start3A_106 : memref<1x!tpu.dma_semaphore, #tpu.memory_space<semaphore_mem>> -> memref<!tpu.dma_semaphore, #tpu.memory_space<semaphore_mem>>
          tpu.enqueue_indirect_dma source(%dma_start3A_105 : memref<100000x128xf32, #tpu.memory_space<hbm>>) target(%dma_start3A_99 : memref<100x128xf32, #tpu.memory_space<vmem>>) offsets(%dma_start3A_102 : memref<100xi32, #tpu.memory_space<vmem>>) semaphore(%dma_start3A_107 : memref<!tpu.dma_semaphore, #tpu.memory_space<semaphore_mem>>)
        } else {
        }
        %dma_wait3A = arith.constant 0 : i32
        %dma_wait3A_82 = arith.constant 0 : i32
        %dma_wait3A_83 = tpu.memref_slice %arg9[%select_n3A_56, %dma_wait3A, %dma_wait3A_82] : memref<2x100x128xf32, #tpu.memory_space<vmem>> -> memref<1x100x128xf32, #tpu.memory_space<vmem>>
        %dma_wait3A_84 = tpu.memref_squeeze %dma_wait3A_83 : memref<1x100x128xf32, #tpu.memory_space<vmem>> -> memref<100x128xf32, #tpu.memory_space<vmem>>
        %dma_wait3A_85 = arith.constant 0 : i32
        %dma_wait3A_86 = tpu.memref_slice %arg7[%scan3A_45, %dma_wait3A_85] : memref<20x100xi32, #tpu.memory_space<vmem>> -> memref<1x100xi32, #tpu.memory_space<vmem>>
        %dma_wait3A_87 = tpu.memref_squeeze %dma_wait3A_86 : memref<1x100xi32, #tpu.memory_space<vmem>> -> memref<100xi32, #tpu.memory_space<vmem>>
        %dma_wait3A_88 = arith.constant 0 : i32
        %dma_wait3A_89 = arith.constant 0 : i32
        %dma_wait3A_90 = tpu.memref_slice %arg3[%dma_wait3A_88, %dma_wait3A_89] : memref<100000x128xf32, #tpu.memory_space<hbm>> -> memref<100000x128xf32, #tpu.memory_space<hbm>>
        %dma_wait3A_91 = tpu.memref_slice %arg11[%select_n3A_56] : memref<2x!tpu.dma_semaphore, #tpu.memory_space<semaphore_mem>> -> memref<1x!tpu.dma_semaphore, #tpu.memory_space<semaphore_mem>>
        %dma_wait3A_92 = tpu.memref_squeeze %dma_wait3A_91 : memref<1x!tpu.dma_semaphore, #tpu.memory_space<semaphore_mem>> -> memref<!tpu.dma_semaphore, #tpu.memory_space<semaphore_mem>>
        tpu.wait_indirect_dma semaphore(%dma_wait3A_92 : memref<!tpu.dma_semaphore, #tpu.memory_space<semaphore_mem>>) src(%dma_wait3A_90 : memref<100000x128xf32, #tpu.memory_space<hbm>>) dst(%dma_wait3A_84 : memref<100x128xf32, #tpu.memory_space<vmem>>)
        "tpu.region"() ({
          %run_scoped3A = tpu.sem_alloc : memref<!tpu.dma_semaphore, #tpu.memory_space<semaphore_mem>>
          %dma_start3A_94 = arith.constant 0 : i32
          %dma_start3A_95 = arith.constant 0 : i32
          %dma_start3A_96 = tpu.memref_slice %arg9[%select_n3A_56, %dma_start3A_94, %dma_start3A_95] : memref<2x100x128xf32, #tpu.memory_space<vmem>> -> memref<1x100x128xf32, #tpu.memory_space<vmem>>
          %dma_start3A_97 = tpu.memref_squeeze %dma_start3A_96 : memref<1x100x128xf32, #tpu.memory_space<vmem>> -> memref<100x128xf32, #tpu.memory_space<vmem>>
          %dma_start3A_98 = arith.constant 0 : i32
          %dma_start3A_99 = tpu.memref_slice %arg8[%scan3A_45, %dma_start3A_98] : memref<20x100xi32, #tpu.memory_space<vmem>> -> memref<1x100xi32, #tpu.memory_space<vmem>>
          %dma_start3A_100 = tpu.memref_squeeze %dma_start3A_99 : memref<1x100xi32, #tpu.memory_space<vmem>> -> memref<100xi32, #tpu.memory_space<vmem>>
          %dma_start3A_101 = arith.constant 0 : i32
          %dma_start3A_102 = arith.constant 0 : i32
          %dma_start3A_103 = tpu.memref_slice %arg10[%dma_start3A_101, %dma_start3A_102] : memref<10000x128xf32, #tpu.memory_space<vmem_shared>> -> memref<10000x128xf32, #tpu.memory_space<vmem_shared>>
          tpu.enqueue_indirect_dma source(%dma_start3A_97 : memref<100x128xf32, #tpu.memory_space<vmem>>) target(%dma_start3A_103 : memref<10000x128xf32, #tpu.memory_space<vmem_shared>>) offsets(%dma_start3A_100 : memref<100xi32, #tpu.memory_space<vmem>>) semaphore(%run_scoped3A : memref<!tpu.dma_semaphore, #tpu.memory_space<semaphore_mem>>) {add = true}
          %dma_wait3A_104 = arith.constant 0 : i32
          %dma_wait3A_105 = arith.constant 0 : i32
          %dma_wait3A_106 = tpu.memref_slice %arg9[%select_n3A_56, %dma_wait3A_104, %dma_wait3A_105] : memref<2x100x128xf32, #tpu.memory_space<vmem>> -> memref<1x100x128xf32, #tpu.memory_space<vmem>>
          %dma_wait3A_107 = tpu.memref_squeeze %dma_wait3A_106 : memref<1x100x128xf32, #tpu.memory_space<vmem>> -> memref<100x128xf32, #tpu.memory_space<vmem>>
          %dma_wait3A_108 = arith.constant 0 : i32
          %dma_wait3A_109 = tpu.memref_slice %arg8[%scan3A_45, %dma_wait3A_108] : memref<20x100xi32, #tpu.memory_space<vmem>> -> memref<1x100xi32, #tpu.memory_space<vmem>>
          %dma_wait3A_110 = tpu.memref_squeeze %dma_wait3A_109 : memref<1x100xi32, #tpu.memory_space<vmem>> -> memref<100xi32, #tpu.memory_space<vmem>>
          %dma_wait3A_111 = arith.constant 0 : i32
          %dma_wait3A_112 = arith.constant 0 : i32
          %dma_wait3A_113 = tpu.memref_slice %arg10[%dma_wait3A_111, %dma_wait3A_112] : memref<10000x128xf32, #tpu.memory_space<vmem_shared>> -> memref<10000x128xf32, #tpu.memory_space<vmem_shared>>
          tpu.wait_indirect_dma semaphore(%run_scoped3A : memref<!tpu.dma_semaphore, #tpu.memory_space<semaphore_mem>>) src(%dma_wait3A_107 : memref<100x128xf32, #tpu.memory_space<vmem>>) dst(%dma_wait3A_113 : memref<10000x128xf32, #tpu.memory_space<vmem_shared>>)
          tpu.yield
        }) : () -> ()
        %scan3A_93 = arith.constant 0 : i32
        scf.yield %scan3A_93 : i32
      }
      %scan3A_43 = arith.constant 20 : i32
      %scan3A_44 = arith.constant 0 : i32
      scf.yield %scan3A_44 : i32
    }
    %scan3A_12 = arith.constant 5 : i32
    %barrier3A_13 = arith.constant 0 : index
    tpu.barrier barrier_id(%barrier3A_13)
    %mul3A_14 = arith.constant 624 : i32
    %mul3A_15 = arith.muli %arg1, %mul3A_14 : i32
    "tpu.region"() ({
      %run_scoped3A = tpu.sem_alloc : memref<!tpu.dma_semaphore, #tpu.memory_space<semaphore_mem>>
      %dma_start3A = arith.constant 0 : i32
      %dma_start3A_21 = tpu.memref_slice %arg6[%add3A, %dma_start3A] : memref<20000x128xf32, #tpu.memory_space<hbm>> -> memref<624x128xf32, #tpu.memory_space<hbm>>
      %dma_start3A_22 = arith.constant 0 : i32
      %dma_start3A_23 = tpu.memref_slice %arg10[%mul3A_15, %dma_start3A_22] : memref<10000x128xf32, #tpu.memory_space<vmem_shared>> -> memref<624x128xf32, #tpu.memory_space<vmem_shared>>
      tpu.enqueue_dma source(%dma_start3A_23 : memref<624x128xf32, #tpu.memory_space<vmem_shared>>) target(%dma_start3A_21 : memref<624x128xf32, #tpu.memory_space<hbm>>) target_semaphore(%run_scoped3A : memref<!tpu.dma_semaphore, #tpu.memory_space<semaphore_mem>>)
      %dma_wait3A = arith.constant 0 : i32
      %dma_wait3A_24 = tpu.memref_slice %arg6[%add3A, %dma_wait3A] : memref<20000x128xf32, #tpu.memory_space<hbm>> -> memref<624x128xf32, #tpu.memory_space<hbm>>
      %dma_wait3A_25 = arith.constant 0 : i32
      %dma_wait3A_26 = tpu.memref_slice %arg10[%mul3A_15, %dma_wait3A_25] : memref<10000x128xf32, #tpu.memory_space<vmem_shared>> -> memref<624x128xf32, #tpu.memory_space<vmem_shared>>
      tpu.wait_dma2 semaphore(%run_scoped3A : memref<!tpu.dma_semaphore, #tpu.memory_space<semaphore_mem>>) src(%dma_wait3A_26 : memref<624x128xf32, #tpu.memory_space<vmem_shared>>) dst(%dma_wait3A_24 : memref<624x128xf32, #tpu.memory_space<hbm>>)
      tpu.yield
    }) : () -> ()
    %eq3A_16 = arith.constant 15 : i32
    %eq3A_17 = arith.cmpi eq, %arg1, %eq3A_16 : i32
    %convert_element_type3A_18 = arith.extui %eq3A_17 : i1 to i32
    %cond3A_19 = arith.constant 0 : i32
    %cond3A_20 = arith.cmpi ne, %convert_element_type3A_18, %cond3A_19 : i32
    scf.if %cond3A_20 {
      %mul3A_21 = arith.constant 10000 : i32
      %mul3A_22 = arith.muli %arg0, %mul3A_21 : i32
      %add3A_23 = arith.constant 9984 : i32
      %add3A_24 = arith.addi %mul3A_22, %add3A_23 : i32
      "tpu.region"() ({
        %run_scoped3A = tpu.sem_alloc : memref<!tpu.dma_semaphore, #tpu.memory_space<semaphore_mem>>
        %dma_start3A = arith.constant 0 : i32
        %dma_start3A_25 = tpu.memref_slice %arg6[%add3A_24, %dma_start3A] : memref<20000x128xf32, #tpu.memory_space<hbm>> -> memref<16x128xf32, #tpu.memory_space<hbm>>
        %dma_start3A_26 = arith.constant 9984 : i32
        %dma_start3A_27 = arith.constant 0 : i32
        %dma_start3A_28 = tpu.memref_slice %arg10[%dma_start3A_26, %dma_start3A_27] : memref<10000x128xf32, #tpu.memory_space<vmem_shared>> -> memref<16x128xf32, #tpu.memory_space<vmem_shared>>
        tpu.enqueue_dma source(%dma_start3A_28 : memref<16x128xf32, #tpu.memory_space<vmem_shared>>) target(%dma_start3A_25 : memref<16x128xf32, #tpu.memory_space<hbm>>) target_semaphore(%run_scoped3A : memref<!tpu.dma_semaphore, #tpu.memory_space<semaphore_mem>>)
        %dma_wait3A = arith.constant 0 : i32
        %dma_wait3A_29 = tpu.memref_slice %arg6[%add3A_24, %dma_wait3A] : memref<20000x128xf32, #tpu.memory_space<hbm>> -> memref<16x128xf32, #tpu.memory_space<hbm>>
        %dma_wait3A_30 = arith.constant 9984 : i32
        %dma_wait3A_31 = arith.constant 0 : i32
        %dma_wait3A_32 = tpu.memref_slice %arg10[%dma_wait3A_30, %dma_wait3A_31] : memref<10000x128xf32, #tpu.memory_space<vmem_shared>> -> memref<16x128xf32, #tpu.memory_space<vmem_shared>>
        tpu.wait_dma2 semaphore(%run_scoped3A : memref<!tpu.dma_semaphore, #tpu.memory_space<semaphore_mem>>) src(%dma_wait3A_32 : memref<16x128xf32, #tpu.memory_space<vmem_shared>>) dst(%dma_wait3A_29 : memref<16x128xf32, #tpu.memory_space<hbm>>)
        tpu.yield
      }) : () -> ()
    } else {
    }
    return
  }
}

#map = affine_map<(d0, d1) -> (0, 0)>
#map1 = affine_map<(d0, d1) -> (0, 0, 0, 0, 0)>
#map2 = affine_map<(d0, d1) -> (0, 0, 0, 0)>
module attributes {stable_mosaic.version = 14 : i64} {
  func.func @_msg_body(%arg0: i32, %arg1: i32, %arg2: memref<20000x128xf32, #tpu.memory_space<hbm>>, %arg3: memref<100000x128xf32, #tpu.memory_space<hbm>>, %arg4: memref<2x16x5x20x100xi32, #tpu.memory_space<hbm>>, %arg5: memref<16x5x20x100xi32, #tpu.memory_space<hbm>>, %arg6: memref<20000x128xf32, #tpu.memory_space<hbm>>, %arg7: memref<20x100xi32, #tpu.memory_space<vmem>>, %arg8: memref<20x100xi32, #tpu.memory_space<vmem>>, %arg9: memref<2x100x128xf32, #tpu.memory_space<vmem>>, %arg10: memref<10000x128xf32, #tpu.memory_space<vmem_shared>>, %arg11: memref<2x!tpu.dma_semaphore, #tpu.memory_space<semaphore_mem>>) attributes {dimension_semantics = [#tpu.dimension_semantics<core_parallel>, #tpu.dimension_semantics<subcore_parallel>], iteration_bounds = array<i64: 2, 16>, scalar_prefetch = 0 : i64, scratch_operands = 5 : i64, tpu.core_type = #tpu.core_type<sc_vector_subcore>, window_params = [{transform_indices = #map}, {transform_indices = #map}, {transform_indices = #map1}, {transform_indices = #map2}, {transform_indices = #map}]} {
    %mul3A = arith.constant 10000 : i32
    %mul3A_0 = arith.muli %arg0, %mul3A : i32
    %mul3A_1 = arith.constant 624 : i32
    %mul3A_2 = arith.muli %arg1, %mul3A_1 : i32
    %add3A = arith.addi %mul3A_0, %mul3A_2 : i32
    %mul3A_3 = arith.constant 624 : i32
    %mul3A_4 = arith.muli %arg1, %mul3A_3 : i32
    "tpu.region"() ({
      %run_scoped3A = tpu.sem_alloc : memref<!tpu.dma_semaphore, #tpu.memory_space<semaphore_mem>>
      %dma_start3A = arith.constant 0 : i32
      %dma_start3A_21 = tpu.memref_slice %arg10[%mul3A_4, %dma_start3A] : memref<10000x128xf32, #tpu.memory_space<vmem_shared>> -> memref<624x128xf32, #tpu.memory_space<vmem_shared>>
      %dma_start3A_22 = arith.constant 0 : i32
      %dma_start3A_23 = tpu.memref_slice %arg2[%add3A, %dma_start3A_22] : memref<20000x128xf32, #tpu.memory_space<hbm>> -> memref<624x128xf32, #tpu.memory_space<hbm>>
      tpu.enqueue_dma source(%dma_start3A_23 : memref<624x128xf32, #tpu.memory_space<hbm>>) target(%dma_start3A_21 : memref<624x128xf32, #tpu.memory_space<vmem_shared>>) target_semaphore(%run_scoped3A : memref<!tpu.dma_semaphore, #tpu.memory_space<semaphore_mem>>)
      %dma_wait3A = arith.constant 0 : i32
      %dma_wait3A_24 = tpu.memref_slice %arg10[%mul3A_4, %dma_wait3A] : memref<10000x128xf32, #tpu.memory_space<vmem_shared>> -> memref<624x128xf32, #tpu.memory_space<vmem_shared>>
      %dma_wait3A_25 = arith.constant 0 : i32
      %dma_wait3A_26 = tpu.memref_slice %arg2[%add3A, %dma_wait3A_25] : memref<20000x128xf32, #tpu.memory_space<hbm>> -> memref<624x128xf32, #tpu.memory_space<hbm>>
      tpu.wait_dma2 semaphore(%run_scoped3A : memref<!tpu.dma_semaphore, #tpu.memory_space<semaphore_mem>>) src(%dma_wait3A_26 : memref<624x128xf32, #tpu.memory_space<hbm>>) dst(%dma_wait3A_24 : memref<624x128xf32, #tpu.memory_space<vmem_shared>>)
      tpu.yield
    }) : () -> ()
    %eq3A = arith.constant 15 : i32
    %eq3A_5 = arith.cmpi eq, %arg1, %eq3A : i32
    %convert_element_type3A = arith.extui %eq3A_5 : i1 to i32
    %cond3A = arith.constant 0 : i32
    %cond3A_6 = arith.cmpi ne, %convert_element_type3A, %cond3A : i32
    scf.if %cond3A_6 {
      %mul3A_21 = arith.constant 10000 : i32
      %mul3A_22 = arith.muli %arg0, %mul3A_21 : i32
      %add3A_23 = arith.constant 9984 : i32
      %add3A_24 = arith.addi %mul3A_22, %add3A_23 : i32
      "tpu.region"() ({
        %run_scoped3A = tpu.sem_alloc : memref<!tpu.dma_semaphore, #tpu.memory_space<semaphore_mem>>
        %dma_start3A = arith.constant 9984 : i32
        %dma_start3A_25 = arith.constant 0 : i32
        %dma_start3A_26 = tpu.memref_slice %arg10[%dma_start3A, %dma_start3A_25] : memref<10000x128xf32, #tpu.memory_space<vmem_shared>> -> memref<16x128xf32, #tpu.memory_space<vmem_shared>>
        %dma_start3A_27 = arith.constant 0 : i32
        %dma_start3A_28 = tpu.memref_slice %arg2[%add3A_24, %dma_start3A_27] : memref<20000x128xf32, #tpu.memory_space<hbm>> -> memref<16x128xf32, #tpu.memory_space<hbm>>
        tpu.enqueue_dma source(%dma_start3A_28 : memref<16x128xf32, #tpu.memory_space<hbm>>) target(%dma_start3A_26 : memref<16x128xf32, #tpu.memory_space<vmem_shared>>) target_semaphore(%run_scoped3A : memref<!tpu.dma_semaphore, #tpu.memory_space<semaphore_mem>>)
        %dma_wait3A = arith.constant 9984 : i32
        %dma_wait3A_29 = arith.constant 0 : i32
        %dma_wait3A_30 = tpu.memref_slice %arg10[%dma_wait3A, %dma_wait3A_29] : memref<10000x128xf32, #tpu.memory_space<vmem_shared>> -> memref<16x128xf32, #tpu.memory_space<vmem_shared>>
        %dma_wait3A_31 = arith.constant 0 : i32
        %dma_wait3A_32 = tpu.memref_slice %arg2[%add3A_24, %dma_wait3A_31] : memref<20000x128xf32, #tpu.memory_space<hbm>> -> memref<16x128xf32, #tpu.memory_space<hbm>>
        tpu.wait_dma2 semaphore(%run_scoped3A : memref<!tpu.dma_semaphore, #tpu.memory_space<semaphore_mem>>) src(%dma_wait3A_32 : memref<16x128xf32, #tpu.memory_space<hbm>>) dst(%dma_wait3A_30 : memref<16x128xf32, #tpu.memory_space<vmem_shared>>)
        tpu.yield
      }) : () -> ()
    } else {
    }
    %barrier3A = arith.constant 0 : index
    tpu.barrier barrier_id(%barrier3A)
    %scan3A = arith.constant 0 : i32
    %scan3A_7 = arith.constant 0 : i32
    %scan3A_8 = arith.constant 5 : i32
    %scan3A_9 = arith.addi %scan3A_7, %scan3A_8 : i32
    %scan3A_10 = arith.constant 1 : i32
    %scan3A_11 = scf.for %scan3A_21 = %scan3A_7 to %scan3A_9 step %scan3A_10 iter_args(%scan3A_22 = %scan3A) -> (i32)  : i32 {
      "tpu.region"() ({
        %run_scoped3A = tpu.sem_alloc : memref<!tpu.dma_semaphore, #tpu.memory_space<semaphore_mem>>
        %dma_start3A_45 = arith.constant 0 : i32
        %dma_start3A_46 = arith.constant 0 : i32
        %dma_start3A_47 = tpu.memref_slice %arg4[%arg0, %arg1, %scan3A_21, %dma_start3A_45, %dma_start3A_46] : memref<2x16x5x20x100xi32, #tpu.memory_space<hbm>> -> memref<1x1x1x20x100xi32, #tpu.memory_space<hbm>>
        %dma_start3A_48 = tpu.memref_squeeze %dma_start3A_47 : memref<1x1x1x20x100xi32, #tpu.memory_space<hbm>> -> memref<20x100xi32, #tpu.memory_space<hbm>>
        %dma_start3A_49 = arith.constant 0 : i32
        %dma_start3A_50 = arith.constant 0 : i32
        %dma_start3A_51 = tpu.memref_slice %arg4[%arg0, %arg1, %scan3A_21, %dma_start3A_49, %dma_start3A_50] : memref<2x16x5x20x100xi32, #tpu.memory_space<hbm>> -> memref<1x1x1x20x100xi32, #tpu.memory_space<hbm>>
        %dma_start3A_52 = tpu.memref_squeeze %dma_start3A_51 : memref<1x1x1x20x100xi32, #tpu.memory_space<hbm>> -> memref<20x100xi32, #tpu.memory_space<hbm>>
        tpu.enqueue_dma source(%dma_start3A_52 : memref<20x100xi32, #tpu.memory_space<hbm>>) target(%arg7 : memref<20x100xi32, #tpu.memory_space<vmem>>) target_semaphore(%run_scoped3A : memref<!tpu.dma_semaphore, #tpu.memory_space<semaphore_mem>>)
        %dma_wait3A = arith.constant 0 : i32
        %dma_wait3A_53 = arith.constant 0 : i32
        %dma_wait3A_54 = tpu.memref_slice %arg4[%arg0, %arg1, %scan3A_21, %dma_wait3A, %dma_wait3A_53] : memref<2x16x5x20x100xi32, #tpu.memory_space<hbm>> -> memref<1x1x1x20x100xi32, #tpu.memory_space<hbm>>
        %dma_wait3A_55 = tpu.memref_squeeze %dma_wait3A_54 : memref<1x1x1x20x100xi32, #tpu.memory_space<hbm>> -> memref<20x100xi32, #tpu.memory_space<hbm>>
        %dma_wait3A_56 = arith.constant 0 : i32
        %dma_wait3A_57 = arith.constant 0 : i32
        %dma_wait3A_58 = tpu.memref_slice %arg4[%arg0, %arg1, %scan3A_21, %dma_wait3A_56, %dma_wait3A_57] : memref<2x16x5x20x100xi32, #tpu.memory_space<hbm>> -> memref<1x1x1x20x100xi32, #tpu.memory_space<hbm>>
        %dma_wait3A_59 = tpu.memref_squeeze %dma_wait3A_58 : memref<1x1x1x20x100xi32, #tpu.memory_space<hbm>> -> memref<20x100xi32, #tpu.memory_space<hbm>>
        tpu.wait_dma2 semaphore(%run_scoped3A : memref<!tpu.dma_semaphore, #tpu.memory_space<semaphore_mem>>) src(%dma_wait3A_59 : memref<20x100xi32, #tpu.memory_space<hbm>>) dst(%arg7 : memref<20x100xi32, #tpu.memory_space<vmem>>)
        tpu.yield
      }) : () -> ()
      "tpu.region"() ({
        %run_scoped3A = tpu.sem_alloc : memref<!tpu.dma_semaphore, #tpu.memory_space<semaphore_mem>>
        %dma_start3A_45 = arith.constant 0 : i32
        %dma_start3A_46 = arith.constant 0 : i32
        %dma_start3A_47 = tpu.memref_slice %arg5[%arg1, %scan3A_21, %dma_start3A_45, %dma_start3A_46] : memref<16x5x20x100xi32, #tpu.memory_space<hbm>> -> memref<1x1x20x100xi32, #tpu.memory_space<hbm>>
        %dma_start3A_48 = tpu.memref_squeeze %dma_start3A_47 : memref<1x1x20x100xi32, #tpu.memory_space<hbm>> -> memref<20x100xi32, #tpu.memory_space<hbm>>
        %dma_start3A_49 = arith.constant 0 : i32
        %dma_start3A_50 = arith.constant 0 : i32
        %dma_start3A_51 = tpu.memref_slice %arg5[%arg1, %scan3A_21, %dma_start3A_49, %dma_start3A_50] : memref<16x5x20x100xi32, #tpu.memory_space<hbm>> -> memref<1x1x20x100xi32, #tpu.memory_space<hbm>>
        %dma_start3A_52 = tpu.memref_squeeze %dma_start3A_51 : memref<1x1x20x100xi32, #tpu.memory_space<hbm>> -> memref<20x100xi32, #tpu.memory_space<hbm>>
        tpu.enqueue_dma source(%dma_start3A_52 : memref<20x100xi32, #tpu.memory_space<hbm>>) target(%arg8 : memref<20x100xi32, #tpu.memory_space<vmem>>) target_semaphore(%run_scoped3A : memref<!tpu.dma_semaphore, #tpu.memory_space<semaphore_mem>>)
        %dma_wait3A = arith.constant 0 : i32
        %dma_wait3A_53 = arith.constant 0 : i32
        %dma_wait3A_54 = tpu.memref_slice %arg5[%arg1, %scan3A_21, %dma_wait3A, %dma_wait3A_53] : memref<16x5x20x100xi32, #tpu.memory_space<hbm>> -> memref<1x1x20x100xi32, #tpu.memory_space<hbm>>
        %dma_wait3A_55 = tpu.memref_squeeze %dma_wait3A_54 : memref<1x1x20x100xi32, #tpu.memory_space<hbm>> -> memref<20x100xi32, #tpu.memory_space<hbm>>
        %dma_wait3A_56 = arith.constant 0 : i32
        %dma_wait3A_57 = arith.constant 0 : i32
        %dma_wait3A_58 = tpu.memref_slice %arg5[%arg1, %scan3A_21, %dma_wait3A_56, %dma_wait3A_57] : memref<16x5x20x100xi32, #tpu.memory_space<hbm>> -> memref<1x1x20x100xi32, #tpu.memory_space<hbm>>
        %dma_wait3A_59 = tpu.memref_squeeze %dma_wait3A_58 : memref<1x1x20x100xi32, #tpu.memory_space<hbm>> -> memref<20x100xi32, #tpu.memory_space<hbm>>
        tpu.wait_dma2 semaphore(%run_scoped3A : memref<!tpu.dma_semaphore, #tpu.memory_space<semaphore_mem>>) src(%dma_wait3A_59 : memref<20x100xi32, #tpu.memory_space<hbm>>) dst(%arg8 : memref<20x100xi32, #tpu.memory_space<vmem>>)
        tpu.yield
      }) : () -> ()
      %dma_start3A = arith.constant 0 : i32
      %dma_start3A_23 = arith.constant 0 : i32
      %dma_start3A_24 = arith.constant 0 : i32
      %dma_start3A_25 = arith.constant 0 : i32
      %dma_start3A_26 = arith.constant 0 : i32
      %dma_start3A_27 = tpu.memref_slice %arg9[%dma_start3A_23, %dma_start3A_25, %dma_start3A_26] : memref<2x100x128xf32, #tpu.memory_space<vmem>> -> memref<1x100x128xf32, #tpu.memory_space<vmem>>
      %dma_start3A_28 = tpu.memref_squeeze %dma_start3A_27 : memref<1x100x128xf32, #tpu.memory_space<vmem>> -> memref<100x128xf32, #tpu.memory_space<vmem>>
      %dma_start3A_29 = arith.constant 0 : i32
      %dma_start3A_30 = tpu.memref_slice %arg7[%dma_start3A, %dma_start3A_29] : memref<20x100xi32, #tpu.memory_space<vmem>> -> memref<1x100xi32, #tpu.memory_space<vmem>>
      %dma_start3A_31 = tpu.memref_squeeze %dma_start3A_30 : memref<1x100xi32, #tpu.memory_space<vmem>> -> memref<100xi32, #tpu.memory_space<vmem>>
      %dma_start3A_32 = arith.constant 0 : i32
      %dma_start3A_33 = arith.constant 0 : i32
      %dma_start3A_34 = tpu.memref_slice %arg3[%dma_start3A_32, %dma_start3A_33] : memref<100000x128xf32, #tpu.memory_space<hbm>> -> memref<100000x128xf32, #tpu.memory_space<hbm>>
      %dma_start3A_35 = tpu.memref_slice %arg11[%dma_start3A_24] : memref<2x!tpu.dma_semaphore, #tpu.memory_space<semaphore_mem>> -> memref<1x!tpu.dma_semaphore, #tpu.memory_space<semaphore_mem>>
      %dma_start3A_36 = tpu.memref_squeeze %dma_start3A_35 : memref<1x!tpu.dma_semaphore, #tpu.memory_space<semaphore_mem>> -> memref<!tpu.dma_semaphore, #tpu.memory_space<semaphore_mem>>
      tpu.enqueue_indirect_dma source(%dma_start3A_34 : memref<100000x128xf32, #tpu.memory_space<hbm>>) target(%dma_start3A_28 : memref<100x128xf32, #tpu.memory_space<vmem>>) offsets(%dma_start3A_31 : memref<100xi32, #tpu.memory_space<vmem>>) semaphore(%dma_start3A_36 : memref<!tpu.dma_semaphore, #tpu.memory_space<semaphore_mem>>)
      %scan3A_37 = arith.constant 0 : i32
      %scan3A_38 = arith.constant 0 : i32
      %scan3A_39 = arith.constant 20 : i32
      %scan3A_40 = arith.addi %scan3A_38, %scan3A_39 : i32
      %scan3A_41 = arith.constant 1 : i32
      %scan3A_42 = scf.for %scan3A_45 = %scan3A_38 to %scan3A_40 step %scan3A_41 iter_args(%scan3A_46 = %scan3A_37) -> (i32)  : i32 {
        %jit3A = arith.constant 2 : i32
        %eq3A_47 = arith.constant 0 : i32
        %eq3A_48 = arith.cmpi eq, %jit3A, %eq3A_47 : i32
        %jit3A_49 = arith.constant 1 : i32
        %select_n3A = arith.select %eq3A_48, %jit3A_49, %jit3A : i32
        %rem3A = arith.remsi %scan3A_45, %select_n3A : i32
        %ne3A = arith.constant 0 : i32
        %ne3A_50 = arith.cmpi ne, %rem3A, %ne3A : i32
        %lt3A = arith.constant 0 : i32
        %lt3A_51 = arith.cmpi slt, %rem3A, %lt3A : i32
        %lt3A_52 = arith.constant 0 : i32
        %lt3A_53 = arith.cmpi slt, %select_n3A, %lt3A_52 : i32
        %ne3A_54 = arith.xori %lt3A_51, %lt3A_53 : i1
        %and3A = arith.andi %ne3A_54, %ne3A_50 : i1
        %add3A_55 = arith.addi %rem3A, %select_n3A : i32
        %select_n3A_56 = arith.select %and3A, %add3A_55, %rem3A : i32
        %add3A_57 = arith.constant 1 : i32
        %add3A_58 = arith.addi %scan3A_45, %add3A_57 : i32
        %jit3A_59 = arith.constant 2 : i32
        %eq3A_60 = arith.constant 0 : i32
        %eq3A_61 = arith.cmpi eq, %jit3A_59, %eq3A_60 : i32
        %jit3A_62 = arith.constant 1 : i32
        %select_n3A_63 = arith.select %eq3A_61, %jit3A_62, %jit3A_59 : i32
        %rem3A_64 = arith.remsi %add3A_58, %select_n3A_63 : i32
        %ne3A_65 = arith.constant 0 : i32
        %ne3A_66 = arith.cmpi ne, %rem3A_64, %ne3A_65 : i32
        %lt3A_67 = arith.constant 0 : i32
        %lt3A_68 = arith.cmpi slt, %rem3A_64, %lt3A_67 : i32
        %lt3A_69 = arith.constant 0 : i32
        %lt3A_70 = arith.cmpi slt, %select_n3A_63, %lt3A_69 : i32
        %ne3A_71 = arith.xori %lt3A_68, %lt3A_70 : i1
        %and3A_72 = arith.andi %ne3A_71, %ne3A_66 : i1
        %add3A_73 = arith.addi %rem3A_64, %select_n3A_63 : i32
        %select_n3A_74 = arith.select %and3A_72, %add3A_73, %rem3A_64 : i32
        %add3A_75 = arith.constant 1 : i32
        %add3A_76 = arith.addi %scan3A_45, %add3A_75 : i32
        %lt3A_77 = arith.constant 20 : i32
        %lt3A_78 = arith.cmpi slt, %add3A_76, %lt3A_77 : i32
        %convert_element_type3A_79 = arith.extui %lt3A_78 : i1 to i32
        %cond3A_80 = arith.constant 0 : i32
        %cond3A_81 = arith.cmpi ne, %convert_element_type3A_79, %cond3A_80 : i32
        scf.if %cond3A_81 {
          %add3A_94 = arith.constant 1 : i32
          %add3A_95 = arith.addi %scan3A_45, %add3A_94 : i32
          %dma_start3A_96 = arith.constant 0 : i32
          %dma_start3A_97 = arith.constant 0 : i32
          %dma_start3A_98 = tpu.memref_slice %arg9[%select_n3A_74, %dma_start3A_96, %dma_start3A_97] : memref<2x100x128xf32, #tpu.memory_space<vmem>> -> memref<1x100x128xf32, #tpu.memory_space<vmem>>
          %dma_start3A_99 = tpu.memref_squeeze %dma_start3A_98 : memref<1x100x128xf32, #tpu.memory_space<vmem>> -> memref<100x128xf32, #tpu.memory_space<vmem>>
          %dma_start3A_100 = arith.constant 0 : i32
          %dma_start3A_101 = tpu.memref_slice %arg7[%add3A_95, %dma_start3A_100] : memref<20x100xi32, #tpu.memory_space<vmem>> -> memref<1x100xi32, #tpu.memory_space<vmem>>
          %dma_start3A_102 = tpu.memref_squeeze %dma_start3A_101 : memref<1x100xi32, #tpu.memory_space<vmem>> -> memref<100xi32, #tpu.memory_space<vmem>>
          %dma_start3A_103 = arith.constant 0 : i32
          %dma_start3A_104 = arith.constant 0 : i32
          %dma_start3A_105 = tpu.memref_slice %arg3[%dma_start3A_103, %dma_start3A_104] : memref<100000x128xf32, #tpu.memory_space<hbm>> -> memref<100000x128xf32, #tpu.memory_space<hbm>>
          %dma_start3A_106 = tpu.memref_slice %arg11[%select_n3A_74] : memref<2x!tpu.dma_semaphore, #tpu.memory_space<semaphore_mem>> -> memref<1x!tpu.dma_semaphore, #tpu.memory_space<semaphore_mem>>
          %dma_start3A_107 = tpu.memref_squeeze %dma_start3A_106 : memref<1x!tpu.dma_semaphore, #tpu.memory_space<semaphore_mem>> -> memref<!tpu.dma_semaphore, #tpu.memory_space<semaphore_mem>>
          tpu.enqueue_indirect_dma source(%dma_start3A_105 : memref<100000x128xf32, #tpu.memory_space<hbm>>) target(%dma_start3A_99 : memref<100x128xf32, #tpu.memory_space<vmem>>) offsets(%dma_start3A_102 : memref<100xi32, #tpu.memory_space<vmem>>) semaphore(%dma_start3A_107 : memref<!tpu.dma_semaphore, #tpu.memory_space<semaphore_mem>>)
        } else {
        }
        %dma_wait3A = arith.constant 0 : i32
        %dma_wait3A_82 = arith.constant 0 : i32
        %dma_wait3A_83 = tpu.memref_slice %arg9[%select_n3A_56, %dma_wait3A, %dma_wait3A_82] : memref<2x100x128xf32, #tpu.memory_space<vmem>> -> memref<1x100x128xf32, #tpu.memory_space<vmem>>
        %dma_wait3A_84 = tpu.memref_squeeze %dma_wait3A_83 : memref<1x100x128xf32, #tpu.memory_space<vmem>> -> memref<100x128xf32, #tpu.memory_space<vmem>>
        %dma_wait3A_85 = arith.constant 0 : i32
        %dma_wait3A_86 = tpu.memref_slice %arg7[%scan3A_45, %dma_wait3A_85] : memref<20x100xi32, #tpu.memory_space<vmem>> -> memref<1x100xi32, #tpu.memory_space<vmem>>
        %dma_wait3A_87 = tpu.memref_squeeze %dma_wait3A_86 : memref<1x100xi32, #tpu.memory_space<vmem>> -> memref<100xi32, #tpu.memory_space<vmem>>
        %dma_wait3A_88 = arith.constant 0 : i32
        %dma_wait3A_89 = arith.constant 0 : i32
        %dma_wait3A_90 = tpu.memref_slice %arg3[%dma_wait3A_88, %dma_wait3A_89] : memref<100000x128xf32, #tpu.memory_space<hbm>> -> memref<100000x128xf32, #tpu.memory_space<hbm>>
        %dma_wait3A_91 = tpu.memref_slice %arg11[%select_n3A_56] : memref<2x!tpu.dma_semaphore, #tpu.memory_space<semaphore_mem>> -> memref<1x!tpu.dma_semaphore, #tpu.memory_space<semaphore_mem>>
        %dma_wait3A_92 = tpu.memref_squeeze %dma_wait3A_91 : memref<1x!tpu.dma_semaphore, #tpu.memory_space<semaphore_mem>> -> memref<!tpu.dma_semaphore, #tpu.memory_space<semaphore_mem>>
        tpu.wait_indirect_dma semaphore(%dma_wait3A_92 : memref<!tpu.dma_semaphore, #tpu.memory_space<semaphore_mem>>) src(%dma_wait3A_90 : memref<100000x128xf32, #tpu.memory_space<hbm>>) dst(%dma_wait3A_84 : memref<100x128xf32, #tpu.memory_space<vmem>>)
        "tpu.region"() ({
          %run_scoped3A = tpu.sem_alloc : memref<!tpu.dma_semaphore, #tpu.memory_space<semaphore_mem>>
          %dma_start3A_94 = arith.constant 0 : i32
          %dma_start3A_95 = arith.constant 0 : i32
          %dma_start3A_96 = tpu.memref_slice %arg9[%select_n3A_56, %dma_start3A_94, %dma_start3A_95] : memref<2x100x128xf32, #tpu.memory_space<vmem>> -> memref<1x100x128xf32, #tpu.memory_space<vmem>>
          %dma_start3A_97 = tpu.memref_squeeze %dma_start3A_96 : memref<1x100x128xf32, #tpu.memory_space<vmem>> -> memref<100x128xf32, #tpu.memory_space<vmem>>
          %dma_start3A_98 = arith.constant 0 : i32
          %dma_start3A_99 = tpu.memref_slice %arg8[%scan3A_45, %dma_start3A_98] : memref<20x100xi32, #tpu.memory_space<vmem>> -> memref<1x100xi32, #tpu.memory_space<vmem>>
          %dma_start3A_100 = tpu.memref_squeeze %dma_start3A_99 : memref<1x100xi32, #tpu.memory_space<vmem>> -> memref<100xi32, #tpu.memory_space<vmem>>
          %dma_start3A_101 = arith.constant 0 : i32
          %dma_start3A_102 = arith.constant 0 : i32
          %dma_start3A_103 = tpu.memref_slice %arg10[%dma_start3A_101, %dma_start3A_102] : memref<10000x128xf32, #tpu.memory_space<vmem_shared>> -> memref<10000x128xf32, #tpu.memory_space<vmem_shared>>
          tpu.enqueue_indirect_dma source(%dma_start3A_97 : memref<100x128xf32, #tpu.memory_space<vmem>>) target(%dma_start3A_103 : memref<10000x128xf32, #tpu.memory_space<vmem_shared>>) offsets(%dma_start3A_100 : memref<100xi32, #tpu.memory_space<vmem>>) semaphore(%run_scoped3A : memref<!tpu.dma_semaphore, #tpu.memory_space<semaphore_mem>>) {add = true}
          %dma_wait3A_104 = arith.constant 0 : i32
          %dma_wait3A_105 = arith.constant 0 : i32
          %dma_wait3A_106 = tpu.memref_slice %arg9[%select_n3A_56, %dma_wait3A_104, %dma_wait3A_105] : memref<2x100x128xf32, #tpu.memory_space<vmem>> -> memref<1x100x128xf32, #tpu.memory_space<vmem>>
          %dma_wait3A_107 = tpu.memref_squeeze %dma_wait3A_106 : memref<1x100x128xf32, #tpu.memory_space<vmem>> -> memref<100x128xf32, #tpu.memory_space<vmem>>
          %dma_wait3A_108 = arith.constant 0 : i32
          %dma_wait3A_109 = tpu.memref_slice %arg8[%scan3A_45, %dma_wait3A_108] : memref<20x100xi32, #tpu.memory_space<vmem>> -> memref<1x100xi32, #tpu.memory_space<vmem>>
          %dma_wait3A_110 = tpu.memref_squeeze %dma_wait3A_109 : memref<1x100xi32, #tpu.memory_space<vmem>> -> memref<100xi32, #tpu.memory_space<vmem>>
          %dma_wait3A_111 = arith.constant 0 : i32
          %dma_wait3A_112 = arith.constant 0 : i32
          %dma_wait3A_113 = tpu.memref_slice %arg10[%dma_wait3A_111, %dma_wait3A_112] : memref<10000x128xf32, #tpu.memory_space<vmem_shared>> -> memref<10000x128xf32, #tpu.memory_space<vmem_shared>>
          tpu.wait_indirect_dma semaphore(%run_scoped3A : memref<!tpu.dma_semaphore, #tpu.memory_space<semaphore_mem>>) src(%dma_wait3A_107 : memref<100x128xf32, #tpu.memory_space<vmem>>) dst(%dma_wait3A_113 : memref<10000x128xf32, #tpu.memory_space<vmem_shared>>)
          tpu.yield
        }) : () -> ()
        %scan3A_93 = arith.constant 0 : i32
        scf.yield %scan3A_93 : i32
      }
      %scan3A_43 = arith.constant 20 : i32
      %scan3A_44 = arith.constant 0 : i32
      scf.yield %scan3A_44 : i32
    }
    %scan3A_12 = arith.constant 5 : i32
    %barrier3A_13 = arith.constant 0 : index
    tpu.barrier barrier_id(%barrier3A_13)
    %mul3A_14 = arith.constant 624 : i32
    %mul3A_15 = arith.muli %arg1, %mul3A_14 : i32
    "tpu.region"() ({
      %run_scoped3A = tpu.sem_alloc : memref<!tpu.dma_semaphore, #tpu.memory_space<semaphore_mem>>
      %dma_start3A = arith.constant 0 : i32
      %dma_start3A_21 = tpu.memref_slice %arg6[%add3A, %dma_start3A] : memref<20000x128xf32, #tpu.memory_space<hbm>> -> memref<624x128xf32, #tpu.memory_space<hbm>>
      %dma_start3A_22 = arith.constant 0 : i32
      %dma_start3A_23 = tpu.memref_slice %arg10[%mul3A_15, %dma_start3A_22] : memref<10000x128xf32, #tpu.memory_space<vmem_shared>> -> memref<624x128xf32, #tpu.memory_space<vmem_shared>>
      tpu.enqueue_dma source(%dma_start3A_23 : memref<624x128xf32, #tpu.memory_space<vmem_shared>>) target(%dma_start3A_21 : memref<624x128xf32, #tpu.memory_space<hbm>>) target_semaphore(%run_scoped3A : memref<!tpu.dma_semaphore, #tpu.memory_space<semaphore_mem>>)
      %dma_wait3A = arith.constant 0 : i32
      %dma_wait3A_24 = tpu.memref_slice %arg6[%add3A, %dma_wait3A] : memref<20000x128xf32, #tpu.memory_space<hbm>> -> memref<624x128xf32, #tpu.memory_space<hbm>>
      %dma_wait3A_25 = arith.constant 0 : i32
      %dma_wait3A_26 = tpu.memref_slice %arg10[%mul3A_15, %dma_wait3A_25] : memref<10000x128xf32, #tpu.memory_space<vmem_shared>> -> memref<624x128xf32, #tpu.memory_space<vmem_shared>>
      tpu.wait_dma2 semaphore(%run_scoped3A : memref<!tpu.dma_semaphore, #tpu.memory_space<semaphore_mem>>) src(%dma_wait3A_26 : memref<624x128xf32, #tpu.memory_space<vmem_shared>>) dst(%dma_wait3A_24 : memref<624x128xf32, #tpu.memory_space<hbm>>)
      tpu.yield
    }) : () -> ()
    %eq3A_16 = arith.constant 15 : i32
    %eq3A_17 = arith.cmpi eq, %arg1, %eq3A_16 : i32
    %convert_element_type3A_18 = arith.extui %eq3A_17 : i1 to i32
    %cond3A_19 = arith.constant 0 : i32
    %cond3A_20 = arith.cmpi ne, %convert_element_type3A_18, %cond3A_19 : i32
    scf.if %cond3A_20 {
      %mul3A_21 = arith.constant 10000 : i32
      %mul3A_22 = arith.muli %arg0, %mul3A_21 : i32
      %add3A_23 = arith.constant 9984 : i32
      %add3A_24 = arith.addi %mul3A_22, %add3A_23 : i32
      "tpu.region"() ({
        %run_scoped3A = tpu.sem_alloc : memref<!tpu.dma_semaphore, #tpu.memory_space<semaphore_mem>>
        %dma_start3A = arith.constant 0 : i32
        %dma_start3A_25 = tpu.memref_slice %arg6[%add3A_24, %dma_start3A] : memref<20000x128xf32, #tpu.memory_space<hbm>> -> memref<16x128xf32, #tpu.memory_space<hbm>>
        %dma_start3A_26 = arith.constant 9984 : i32
        %dma_start3A_27 = arith.constant 0 : i32
        %dma_start3A_28 = tpu.memref_slice %arg10[%dma_start3A_26, %dma_start3A_27] : memref<10000x128xf32, #tpu.memory_space<vmem_shared>> -> memref<16x128xf32, #tpu.memory_space<vmem_shared>>
        tpu.enqueue_dma source(%dma_start3A_28 : memref<16x128xf32, #tpu.memory_space<vmem_shared>>) target(%dma_start3A_25 : memref<16x128xf32, #tpu.memory_space<hbm>>) target_semaphore(%run_scoped3A : memref<!tpu.dma_semaphore, #tpu.memory_space<semaphore_mem>>)
        %dma_wait3A = arith.constant 0 : i32
        %dma_wait3A_29 = tpu.memref_slice %arg6[%add3A_24, %dma_wait3A] : memref<20000x128xf32, #tpu.memory_space<hbm>> -> memref<16x128xf32, #tpu.memory_space<hbm>>
        %dma_wait3A_30 = arith.constant 9984 : i32
        %dma_wait3A_31 = arith.constant 0 : i32
        %dma_wait3A_32 = tpu.memref_slice %arg10[%dma_wait3A_30, %dma_wait3A_31] : memref<10000x128xf32, #tpu.memory_space<vmem_shared>> -> memref<16x128xf32, #tpu.memory_space<vmem_shared>>
        tpu.wait_dma2 semaphore(%run_scoped3A : memref<!tpu.dma_semaphore, #tpu.memory_space<semaphore_mem>>) src(%dma_wait3A_32 : memref<16x128xf32, #tpu.memory_space<vmem_shared>>) dst(%dma_wait3A_29 : memref<16x128xf32, #tpu.memory_space<hbm>>)
        tpu.yield
      }) : () -> ()
    } else {
    }
    return
  }
}

#map = affine_map<(d0, d1) -> (0, 0)>
#map1 = affine_map<(d0, d1) -> (0, 0, 0, 0, 0)>
#map2 = affine_map<(d0, d1) -> (0, 0, 0, 0)>
module attributes {stable_mosaic.version = 14 : i64} {
  func.func @_msg_body(%arg0: i32, %arg1: i32, %arg2: memref<20000x128xf32, #tpu.memory_space<hbm>>, %arg3: memref<100000x128xf32, #tpu.memory_space<hbm>>, %arg4: memref<2x16x5x20x100xi32, #tpu.memory_space<hbm>>, %arg5: memref<16x5x20x100xi32, #tpu.memory_space<hbm>>, %arg6: memref<20000x128xf32, #tpu.memory_space<hbm>>, %arg7: memref<20x100xi32, #tpu.memory_space<vmem>>, %arg8: memref<20x100xi32, #tpu.memory_space<vmem>>, %arg9: memref<2x100x128xf32, #tpu.memory_space<vmem>>, %arg10: memref<10000x128xf32, #tpu.memory_space<vmem_shared>>, %arg11: memref<2x!tpu.dma_semaphore, #tpu.memory_space<semaphore_mem>>) attributes {dimension_semantics = [#tpu.dimension_semantics<core_parallel>, #tpu.dimension_semantics<subcore_parallel>], iteration_bounds = array<i64: 2, 16>, scalar_prefetch = 0 : i64, scratch_operands = 5 : i64, tpu.core_type = #tpu.core_type<sc_vector_subcore>, window_params = [{transform_indices = #map}, {transform_indices = #map}, {transform_indices = #map1}, {transform_indices = #map2}, {transform_indices = #map}]} {
    %mul3A = arith.constant 10000 : i32
    %mul3A_0 = arith.muli %arg0, %mul3A : i32
    %mul3A_1 = arith.constant 624 : i32
    %mul3A_2 = arith.muli %arg1, %mul3A_1 : i32
    %add3A = arith.addi %mul3A_0, %mul3A_2 : i32
    %mul3A_3 = arith.constant 624 : i32
    %mul3A_4 = arith.muli %arg1, %mul3A_3 : i32
    "tpu.region"() ({
      %run_scoped3A = tpu.sem_alloc : memref<!tpu.dma_semaphore, #tpu.memory_space<semaphore_mem>>
      %dma_start3A = arith.constant 0 : i32
      %dma_start3A_21 = tpu.memref_slice %arg10[%mul3A_4, %dma_start3A] : memref<10000x128xf32, #tpu.memory_space<vmem_shared>> -> memref<624x128xf32, #tpu.memory_space<vmem_shared>>
      %dma_start3A_22 = arith.constant 0 : i32
      %dma_start3A_23 = tpu.memref_slice %arg2[%add3A, %dma_start3A_22] : memref<20000x128xf32, #tpu.memory_space<hbm>> -> memref<624x128xf32, #tpu.memory_space<hbm>>
      tpu.enqueue_dma source(%dma_start3A_23 : memref<624x128xf32, #tpu.memory_space<hbm>>) target(%dma_start3A_21 : memref<624x128xf32, #tpu.memory_space<vmem_shared>>) target_semaphore(%run_scoped3A : memref<!tpu.dma_semaphore, #tpu.memory_space<semaphore_mem>>)
      %dma_wait3A = arith.constant 0 : i32
      %dma_wait3A_24 = tpu.memref_slice %arg10[%mul3A_4, %dma_wait3A] : memref<10000x128xf32, #tpu.memory_space<vmem_shared>> -> memref<624x128xf32, #tpu.memory_space<vmem_shared>>
      %dma_wait3A_25 = arith.constant 0 : i32
      %dma_wait3A_26 = tpu.memref_slice %arg2[%add3A, %dma_wait3A_25] : memref<20000x128xf32, #tpu.memory_space<hbm>> -> memref<624x128xf32, #tpu.memory_space<hbm>>
      tpu.wait_dma2 semaphore(%run_scoped3A : memref<!tpu.dma_semaphore, #tpu.memory_space<semaphore_mem>>) src(%dma_wait3A_26 : memref<624x128xf32, #tpu.memory_space<hbm>>) dst(%dma_wait3A_24 : memref<624x128xf32, #tpu.memory_space<vmem_shared>>)
      tpu.yield
    }) : () -> ()
    %eq3A = arith.constant 15 : i32
    %eq3A_5 = arith.cmpi eq, %arg1, %eq3A : i32
    %convert_element_type3A = arith.extui %eq3A_5 : i1 to i32
    %cond3A = arith.constant 0 : i32
    %cond3A_6 = arith.cmpi ne, %convert_element_type3A, %cond3A : i32
    scf.if %cond3A_6 {
      %mul3A_21 = arith.constant 10000 : i32
      %mul3A_22 = arith.muli %arg0, %mul3A_21 : i32
      %add3A_23 = arith.constant 9984 : i32
      %add3A_24 = arith.addi %mul3A_22, %add3A_23 : i32
      "tpu.region"() ({
        %run_scoped3A = tpu.sem_alloc : memref<!tpu.dma_semaphore, #tpu.memory_space<semaphore_mem>>
        %dma_start3A = arith.constant 9984 : i32
        %dma_start3A_25 = arith.constant 0 : i32
        %dma_start3A_26 = tpu.memref_slice %arg10[%dma_start3A, %dma_start3A_25] : memref<10000x128xf32, #tpu.memory_space<vmem_shared>> -> memref<16x128xf32, #tpu.memory_space<vmem_shared>>
        %dma_start3A_27 = arith.constant 0 : i32
        %dma_start3A_28 = tpu.memref_slice %arg2[%add3A_24, %dma_start3A_27] : memref<20000x128xf32, #tpu.memory_space<hbm>> -> memref<16x128xf32, #tpu.memory_space<hbm>>
        tpu.enqueue_dma source(%dma_start3A_28 : memref<16x128xf32, #tpu.memory_space<hbm>>) target(%dma_start3A_26 : memref<16x128xf32, #tpu.memory_space<vmem_shared>>) target_semaphore(%run_scoped3A : memref<!tpu.dma_semaphore, #tpu.memory_space<semaphore_mem>>)
        %dma_wait3A = arith.constant 9984 : i32
        %dma_wait3A_29 = arith.constant 0 : i32
        %dma_wait3A_30 = tpu.memref_slice %arg10[%dma_wait3A, %dma_wait3A_29] : memref<10000x128xf32, #tpu.memory_space<vmem_shared>> -> memref<16x128xf32, #tpu.memory_space<vmem_shared>>
        %dma_wait3A_31 = arith.constant 0 : i32
        %dma_wait3A_32 = tpu.memref_slice %arg2[%add3A_24, %dma_wait3A_31] : memref<20000x128xf32, #tpu.memory_space<hbm>> -> memref<16x128xf32, #tpu.memory_space<hbm>>
        tpu.wait_dma2 semaphore(%run_scoped3A : memref<!tpu.dma_semaphore, #tpu.memory_space<semaphore_mem>>) src(%dma_wait3A_32 : memref<16x128xf32, #tpu.memory_space<hbm>>) dst(%dma_wait3A_30 : memref<16x128xf32, #tpu.memory_space<vmem_shared>>)
        tpu.yield
      }) : () -> ()
    } else {
    }
    %barrier3A = arith.constant 0 : index
    tpu.barrier barrier_id(%barrier3A)
    %scan3A = arith.constant 0 : i32
    %scan3A_7 = arith.constant 0 : i32
    %scan3A_8 = arith.constant 5 : i32
    %scan3A_9 = arith.addi %scan3A_7, %scan3A_8 : i32
    %scan3A_10 = arith.constant 1 : i32
    %scan3A_11 = scf.for %scan3A_21 = %scan3A_7 to %scan3A_9 step %scan3A_10 iter_args(%scan3A_22 = %scan3A) -> (i32)  : i32 {
      "tpu.region"() ({
        %run_scoped3A = tpu.sem_alloc : memref<!tpu.dma_semaphore, #tpu.memory_space<semaphore_mem>>
        %dma_start3A_45 = arith.constant 0 : i32
        %dma_start3A_46 = arith.constant 0 : i32
        %dma_start3A_47 = tpu.memref_slice %arg4[%arg0, %arg1, %scan3A_21, %dma_start3A_45, %dma_start3A_46] : memref<2x16x5x20x100xi32, #tpu.memory_space<hbm>> -> memref<1x1x1x20x100xi32, #tpu.memory_space<hbm>>
        %dma_start3A_48 = tpu.memref_squeeze %dma_start3A_47 : memref<1x1x1x20x100xi32, #tpu.memory_space<hbm>> -> memref<20x100xi32, #tpu.memory_space<hbm>>
        %dma_start3A_49 = arith.constant 0 : i32
        %dma_start3A_50 = arith.constant 0 : i32
        %dma_start3A_51 = tpu.memref_slice %arg4[%arg0, %arg1, %scan3A_21, %dma_start3A_49, %dma_start3A_50] : memref<2x16x5x20x100xi32, #tpu.memory_space<hbm>> -> memref<1x1x1x20x100xi32, #tpu.memory_space<hbm>>
        %dma_start3A_52 = tpu.memref_squeeze %dma_start3A_51 : memref<1x1x1x20x100xi32, #tpu.memory_space<hbm>> -> memref<20x100xi32, #tpu.memory_space<hbm>>
        tpu.enqueue_dma source(%dma_start3A_52 : memref<20x100xi32, #tpu.memory_space<hbm>>) target(%arg7 : memref<20x100xi32, #tpu.memory_space<vmem>>) target_semaphore(%run_scoped3A : memref<!tpu.dma_semaphore, #tpu.memory_space<semaphore_mem>>)
        %dma_wait3A = arith.constant 0 : i32
        %dma_wait3A_53 = arith.constant 0 : i32
        %dma_wait3A_54 = tpu.memref_slice %arg4[%arg0, %arg1, %scan3A_21, %dma_wait3A, %dma_wait3A_53] : memref<2x16x5x20x100xi32, #tpu.memory_space<hbm>> -> memref<1x1x1x20x100xi32, #tpu.memory_space<hbm>>
        %dma_wait3A_55 = tpu.memref_squeeze %dma_wait3A_54 : memref<1x1x1x20x100xi32, #tpu.memory_space<hbm>> -> memref<20x100xi32, #tpu.memory_space<hbm>>
        %dma_wait3A_56 = arith.constant 0 : i32
        %dma_wait3A_57 = arith.constant 0 : i32
        %dma_wait3A_58 = tpu.memref_slice %arg4[%arg0, %arg1, %scan3A_21, %dma_wait3A_56, %dma_wait3A_57] : memref<2x16x5x20x100xi32, #tpu.memory_space<hbm>> -> memref<1x1x1x20x100xi32, #tpu.memory_space<hbm>>
        %dma_wait3A_59 = tpu.memref_squeeze %dma_wait3A_58 : memref<1x1x1x20x100xi32, #tpu.memory_space<hbm>> -> memref<20x100xi32, #tpu.memory_space<hbm>>
        tpu.wait_dma2 semaphore(%run_scoped3A : memref<!tpu.dma_semaphore, #tpu.memory_space<semaphore_mem>>) src(%dma_wait3A_59 : memref<20x100xi32, #tpu.memory_space<hbm>>) dst(%arg7 : memref<20x100xi32, #tpu.memory_space<vmem>>)
        tpu.yield
      }) : () -> ()
      "tpu.region"() ({
        %run_scoped3A = tpu.sem_alloc : memref<!tpu.dma_semaphore, #tpu.memory_space<semaphore_mem>>
        %dma_start3A_45 = arith.constant 0 : i32
        %dma_start3A_46 = arith.constant 0 : i32
        %dma_start3A_47 = tpu.memref_slice %arg5[%arg1, %scan3A_21, %dma_start3A_45, %dma_start3A_46] : memref<16x5x20x100xi32, #tpu.memory_space<hbm>> -> memref<1x1x20x100xi32, #tpu.memory_space<hbm>>
        %dma_start3A_48 = tpu.memref_squeeze %dma_start3A_47 : memref<1x1x20x100xi32, #tpu.memory_space<hbm>> -> memref<20x100xi32, #tpu.memory_space<hbm>>
        %dma_start3A_49 = arith.constant 0 : i32
        %dma_start3A_50 = arith.constant 0 : i32
        %dma_start3A_51 = tpu.memref_slice %arg5[%arg1, %scan3A_21, %dma_start3A_49, %dma_start3A_50] : memref<16x5x20x100xi32, #tpu.memory_space<hbm>> -> memref<1x1x20x100xi32, #tpu.memory_space<hbm>>
        %dma_start3A_52 = tpu.memref_squeeze %dma_start3A_51 : memref<1x1x20x100xi32, #tpu.memory_space<hbm>> -> memref<20x100xi32, #tpu.memory_space<hbm>>
        tpu.enqueue_dma source(%dma_start3A_52 : memref<20x100xi32, #tpu.memory_space<hbm>>) target(%arg8 : memref<20x100xi32, #tpu.memory_space<vmem>>) target_semaphore(%run_scoped3A : memref<!tpu.dma_semaphore, #tpu.memory_space<semaphore_mem>>)
        %dma_wait3A = arith.constant 0 : i32
        %dma_wait3A_53 = arith.constant 0 : i32
        %dma_wait3A_54 = tpu.memref_slice %arg5[%arg1, %scan3A_21, %dma_wait3A, %dma_wait3A_53] : memref<16x5x20x100xi32, #tpu.memory_space<hbm>> -> memref<1x1x20x100xi32, #tpu.memory_space<hbm>>
        %dma_wait3A_55 = tpu.memref_squeeze %dma_wait3A_54 : memref<1x1x20x100xi32, #tpu.memory_space<hbm>> -> memref<20x100xi32, #tpu.memory_space<hbm>>
        %dma_wait3A_56 = arith.constant 0 : i32
        %dma_wait3A_57 = arith.constant 0 : i32
        %dma_wait3A_58 = tpu.memref_slice %arg5[%arg1, %scan3A_21, %dma_wait3A_56, %dma_wait3A_57] : memref<16x5x20x100xi32, #tpu.memory_space<hbm>> -> memref<1x1x20x100xi32, #tpu.memory_space<hbm>>
        %dma_wait3A_59 = tpu.memref_squeeze %dma_wait3A_58 : memref<1x1x20x100xi32, #tpu.memory_space<hbm>> -> memref<20x100xi32, #tpu.memory_space<hbm>>
        tpu.wait_dma2 semaphore(%run_scoped3A : memref<!tpu.dma_semaphore, #tpu.memory_space<semaphore_mem>>) src(%dma_wait3A_59 : memref<20x100xi32, #tpu.memory_space<hbm>>) dst(%arg8 : memref<20x100xi32, #tpu.memory_space<vmem>>)
        tpu.yield
      }) : () -> ()
      %dma_start3A = arith.constant 0 : i32
      %dma_start3A_23 = arith.constant 0 : i32
      %dma_start3A_24 = arith.constant 0 : i32
      %dma_start3A_25 = arith.constant 0 : i32
      %dma_start3A_26 = arith.constant 0 : i32
      %dma_start3A_27 = tpu.memref_slice %arg9[%dma_start3A_23, %dma_start3A_25, %dma_start3A_26] : memref<2x100x128xf32, #tpu.memory_space<vmem>> -> memref<1x100x128xf32, #tpu.memory_space<vmem>>
      %dma_start3A_28 = tpu.memref_squeeze %dma_start3A_27 : memref<1x100x128xf32, #tpu.memory_space<vmem>> -> memref<100x128xf32, #tpu.memory_space<vmem>>
      %dma_start3A_29 = arith.constant 0 : i32
      %dma_start3A_30 = tpu.memref_slice %arg7[%dma_start3A, %dma_start3A_29] : memref<20x100xi32, #tpu.memory_space<vmem>> -> memref<1x100xi32, #tpu.memory_space<vmem>>
      %dma_start3A_31 = tpu.memref_squeeze %dma_start3A_30 : memref<1x100xi32, #tpu.memory_space<vmem>> -> memref<100xi32, #tpu.memory_space<vmem>>
      %dma_start3A_32 = arith.constant 0 : i32
      %dma_start3A_33 = arith.constant 0 : i32
      %dma_start3A_34 = tpu.memref_slice %arg3[%dma_start3A_32, %dma_start3A_33] : memref<100000x128xf32, #tpu.memory_space<hbm>> -> memref<100000x128xf32, #tpu.memory_space<hbm>>
      %dma_start3A_35 = tpu.memref_slice %arg11[%dma_start3A_24] : memref<2x!tpu.dma_semaphore, #tpu.memory_space<semaphore_mem>> -> memref<1x!tpu.dma_semaphore, #tpu.memory_space<semaphore_mem>>
      %dma_start3A_36 = tpu.memref_squeeze %dma_start3A_35 : memref<1x!tpu.dma_semaphore, #tpu.memory_space<semaphore_mem>> -> memref<!tpu.dma_semaphore, #tpu.memory_space<semaphore_mem>>
      tpu.enqueue_indirect_dma source(%dma_start3A_34 : memref<100000x128xf32, #tpu.memory_space<hbm>>) target(%dma_start3A_28 : memref<100x128xf32, #tpu.memory_space<vmem>>) offsets(%dma_start3A_31 : memref<100xi32, #tpu.memory_space<vmem>>) semaphore(%dma_start3A_36 : memref<!tpu.dma_semaphore, #tpu.memory_space<semaphore_mem>>)
      %scan3A_37 = arith.constant 0 : i32
      %scan3A_38 = arith.constant 0 : i32
      %scan3A_39 = arith.constant 20 : i32
      %scan3A_40 = arith.addi %scan3A_38, %scan3A_39 : i32
      %scan3A_41 = arith.constant 1 : i32
      %scan3A_42 = scf.for %scan3A_45 = %scan3A_38 to %scan3A_40 step %scan3A_41 iter_args(%scan3A_46 = %scan3A_37) -> (i32)  : i32 {
        %jit3A = arith.constant 2 : i32
        %eq3A_47 = arith.constant 0 : i32
        %eq3A_48 = arith.cmpi eq, %jit3A, %eq3A_47 : i32
        %jit3A_49 = arith.constant 1 : i32
        %select_n3A = arith.select %eq3A_48, %jit3A_49, %jit3A : i32
        %rem3A = arith.remsi %scan3A_45, %select_n3A : i32
        %ne3A = arith.constant 0 : i32
        %ne3A_50 = arith.cmpi ne, %rem3A, %ne3A : i32
        %lt3A = arith.constant 0 : i32
        %lt3A_51 = arith.cmpi slt, %rem3A, %lt3A : i32
        %lt3A_52 = arith.constant 0 : i32
        %lt3A_53 = arith.cmpi slt, %select_n3A, %lt3A_52 : i32
        %ne3A_54 = arith.xori %lt3A_51, %lt3A_53 : i1
        %and3A = arith.andi %ne3A_54, %ne3A_50 : i1
        %add3A_55 = arith.addi %rem3A, %select_n3A : i32
        %select_n3A_56 = arith.select %and3A, %add3A_55, %rem3A : i32
        %add3A_57 = arith.constant 1 : i32
        %add3A_58 = arith.addi %scan3A_45, %add3A_57 : i32
        %jit3A_59 = arith.constant 2 : i32
        %eq3A_60 = arith.constant 0 : i32
        %eq3A_61 = arith.cmpi eq, %jit3A_59, %eq3A_60 : i32
        %jit3A_62 = arith.constant 1 : i32
        %select_n3A_63 = arith.select %eq3A_61, %jit3A_62, %jit3A_59 : i32
        %rem3A_64 = arith.remsi %add3A_58, %select_n3A_63 : i32
        %ne3A_65 = arith.constant 0 : i32
        %ne3A_66 = arith.cmpi ne, %rem3A_64, %ne3A_65 : i32
        %lt3A_67 = arith.constant 0 : i32
        %lt3A_68 = arith.cmpi slt, %rem3A_64, %lt3A_67 : i32
        %lt3A_69 = arith.constant 0 : i32
        %lt3A_70 = arith.cmpi slt, %select_n3A_63, %lt3A_69 : i32
        %ne3A_71 = arith.xori %lt3A_68, %lt3A_70 : i1
        %and3A_72 = arith.andi %ne3A_71, %ne3A_66 : i1
        %add3A_73 = arith.addi %rem3A_64, %select_n3A_63 : i32
        %select_n3A_74 = arith.select %and3A_72, %add3A_73, %rem3A_64 : i32
        %add3A_75 = arith.constant 1 : i32
        %add3A_76 = arith.addi %scan3A_45, %add3A_75 : i32
        %lt3A_77 = arith.constant 20 : i32
        %lt3A_78 = arith.cmpi slt, %add3A_76, %lt3A_77 : i32
        %convert_element_type3A_79 = arith.extui %lt3A_78 : i1 to i32
        %cond3A_80 = arith.constant 0 : i32
        %cond3A_81 = arith.cmpi ne, %convert_element_type3A_79, %cond3A_80 : i32
        scf.if %cond3A_81 {
          %add3A_94 = arith.constant 1 : i32
          %add3A_95 = arith.addi %scan3A_45, %add3A_94 : i32
          %dma_start3A_96 = arith.constant 0 : i32
          %dma_start3A_97 = arith.constant 0 : i32
          %dma_start3A_98 = tpu.memref_slice %arg9[%select_n3A_74, %dma_start3A_96, %dma_start3A_97] : memref<2x100x128xf32, #tpu.memory_space<vmem>> -> memref<1x100x128xf32, #tpu.memory_space<vmem>>
          %dma_start3A_99 = tpu.memref_squeeze %dma_start3A_98 : memref<1x100x128xf32, #tpu.memory_space<vmem>> -> memref<100x128xf32, #tpu.memory_space<vmem>>
          %dma_start3A_100 = arith.constant 0 : i32
          %dma_start3A_101 = tpu.memref_slice %arg7[%add3A_95, %dma_start3A_100] : memref<20x100xi32, #tpu.memory_space<vmem>> -> memref<1x100xi32, #tpu.memory_space<vmem>>
          %dma_start3A_102 = tpu.memref_squeeze %dma_start3A_101 : memref<1x100xi32, #tpu.memory_space<vmem>> -> memref<100xi32, #tpu.memory_space<vmem>>
          %dma_start3A_103 = arith.constant 0 : i32
          %dma_start3A_104 = arith.constant 0 : i32
          %dma_start3A_105 = tpu.memref_slice %arg3[%dma_start3A_103, %dma_start3A_104] : memref<100000x128xf32, #tpu.memory_space<hbm>> -> memref<100000x128xf32, #tpu.memory_space<hbm>>
          %dma_start3A_106 = tpu.memref_slice %arg11[%select_n3A_74] : memref<2x!tpu.dma_semaphore, #tpu.memory_space<semaphore_mem>> -> memref<1x!tpu.dma_semaphore, #tpu.memory_space<semaphore_mem>>
          %dma_start3A_107 = tpu.memref_squeeze %dma_start3A_106 : memref<1x!tpu.dma_semaphore, #tpu.memory_space<semaphore_mem>> -> memref<!tpu.dma_semaphore, #tpu.memory_space<semaphore_mem>>
          tpu.enqueue_indirect_dma source(%dma_start3A_105 : memref<100000x128xf32, #tpu.memory_space<hbm>>) target(%dma_start3A_99 : memref<100x128xf32, #tpu.memory_space<vmem>>) offsets(%dma_start3A_102 : memref<100xi32, #tpu.memory_space<vmem>>) semaphore(%dma_start3A_107 : memref<!tpu.dma_semaphore, #tpu.memory_space<semaphore_mem>>)
        } else {
        }
        %dma_wait3A = arith.constant 0 : i32
        %dma_wait3A_82 = arith.constant 0 : i32
        %dma_wait3A_83 = tpu.memref_slice %arg9[%select_n3A_56, %dma_wait3A, %dma_wait3A_82] : memref<2x100x128xf32, #tpu.memory_space<vmem>> -> memref<1x100x128xf32, #tpu.memory_space<vmem>>
        %dma_wait3A_84 = tpu.memref_squeeze %dma_wait3A_83 : memref<1x100x128xf32, #tpu.memory_space<vmem>> -> memref<100x128xf32, #tpu.memory_space<vmem>>
        %dma_wait3A_85 = arith.constant 0 : i32
        %dma_wait3A_86 = tpu.memref_slice %arg7[%scan3A_45, %dma_wait3A_85] : memref<20x100xi32, #tpu.memory_space<vmem>> -> memref<1x100xi32, #tpu.memory_space<vmem>>
        %dma_wait3A_87 = tpu.memref_squeeze %dma_wait3A_86 : memref<1x100xi32, #tpu.memory_space<vmem>> -> memref<100xi32, #tpu.memory_space<vmem>>
        %dma_wait3A_88 = arith.constant 0 : i32
        %dma_wait3A_89 = arith.constant 0 : i32
        %dma_wait3A_90 = tpu.memref_slice %arg3[%dma_wait3A_88, %dma_wait3A_89] : memref<100000x128xf32, #tpu.memory_space<hbm>> -> memref<100000x128xf32, #tpu.memory_space<hbm>>
        %dma_wait3A_91 = tpu.memref_slice %arg11[%select_n3A_56] : memref<2x!tpu.dma_semaphore, #tpu.memory_space<semaphore_mem>> -> memref<1x!tpu.dma_semaphore, #tpu.memory_space<semaphore_mem>>
        %dma_wait3A_92 = tpu.memref_squeeze %dma_wait3A_91 : memref<1x!tpu.dma_semaphore, #tpu.memory_space<semaphore_mem>> -> memref<!tpu.dma_semaphore, #tpu.memory_space<semaphore_mem>>
        tpu.wait_indirect_dma semaphore(%dma_wait3A_92 : memref<!tpu.dma_semaphore, #tpu.memory_space<semaphore_mem>>) src(%dma_wait3A_90 : memref<100000x128xf32, #tpu.memory_space<hbm>>) dst(%dma_wait3A_84 : memref<100x128xf32, #tpu.memory_space<vmem>>)
        "tpu.region"() ({
          %run_scoped3A = tpu.sem_alloc : memref<!tpu.dma_semaphore, #tpu.memory_space<semaphore_mem>>
          %dma_start3A_94 = arith.constant 0 : i32
          %dma_start3A_95 = arith.constant 0 : i32
          %dma_start3A_96 = tpu.memref_slice %arg9[%select_n3A_56, %dma_start3A_94, %dma_start3A_95] : memref<2x100x128xf32, #tpu.memory_space<vmem>> -> memref<1x100x128xf32, #tpu.memory_space<vmem>>
          %dma_start3A_97 = tpu.memref_squeeze %dma_start3A_96 : memref<1x100x128xf32, #tpu.memory_space<vmem>> -> memref<100x128xf32, #tpu.memory_space<vmem>>
          %dma_start3A_98 = arith.constant 0 : i32
          %dma_start3A_99 = tpu.memref_slice %arg8[%scan3A_45, %dma_start3A_98] : memref<20x100xi32, #tpu.memory_space<vmem>> -> memref<1x100xi32, #tpu.memory_space<vmem>>
          %dma_start3A_100 = tpu.memref_squeeze %dma_start3A_99 : memref<1x100xi32, #tpu.memory_space<vmem>> -> memref<100xi32, #tpu.memory_space<vmem>>
          %dma_start3A_101 = arith.constant 0 : i32
          %dma_start3A_102 = arith.constant 0 : i32
          %dma_start3A_103 = tpu.memref_slice %arg10[%dma_start3A_101, %dma_start3A_102] : memref<10000x128xf32, #tpu.memory_space<vmem_shared>> -> memref<10000x128xf32, #tpu.memory_space<vmem_shared>>
          tpu.enqueue_indirect_dma source(%dma_start3A_97 : memref<100x128xf32, #tpu.memory_space<vmem>>) target(%dma_start3A_103 : memref<10000x128xf32, #tpu.memory_space<vmem_shared>>) offsets(%dma_start3A_100 : memref<100xi32, #tpu.memory_space<vmem>>) semaphore(%run_scoped3A : memref<!tpu.dma_semaphore, #tpu.memory_space<semaphore_mem>>) {add = true}
          %dma_wait3A_104 = arith.constant 0 : i32
          %dma_wait3A_105 = arith.constant 0 : i32
          %dma_wait3A_106 = tpu.memref_slice %arg9[%select_n3A_56, %dma_wait3A_104, %dma_wait3A_105] : memref<2x100x128xf32, #tpu.memory_space<vmem>> -> memref<1x100x128xf32, #tpu.memory_space<vmem>>
          %dma_wait3A_107 = tpu.memref_squeeze %dma_wait3A_106 : memref<1x100x128xf32, #tpu.memory_space<vmem>> -> memref<100x128xf32, #tpu.memory_space<vmem>>
          %dma_wait3A_108 = arith.constant 0 : i32
          %dma_wait3A_109 = tpu.memref_slice %arg8[%scan3A_45, %dma_wait3A_108] : memref<20x100xi32, #tpu.memory_space<vmem>> -> memref<1x100xi32, #tpu.memory_space<vmem>>
          %dma_wait3A_110 = tpu.memref_squeeze %dma_wait3A_109 : memref<1x100xi32, #tpu.memory_space<vmem>> -> memref<100xi32, #tpu.memory_space<vmem>>
          %dma_wait3A_111 = arith.constant 0 : i32
          %dma_wait3A_112 = arith.constant 0 : i32
          %dma_wait3A_113 = tpu.memref_slice %arg10[%dma_wait3A_111, %dma_wait3A_112] : memref<10000x128xf32, #tpu.memory_space<vmem_shared>> -> memref<10000x128xf32, #tpu.memory_space<vmem_shared>>
          tpu.wait_indirect_dma semaphore(%run_scoped3A : memref<!tpu.dma_semaphore, #tpu.memory_space<semaphore_mem>>) src(%dma_wait3A_107 : memref<100x128xf32, #tpu.memory_space<vmem>>) dst(%dma_wait3A_113 : memref<10000x128xf32, #tpu.memory_space<vmem_shared>>)
          tpu.yield
        }) : () -> ()
        %scan3A_93 = arith.constant 0 : i32
        scf.yield %scan3A_93 : i32
      }
      %scan3A_43 = arith.constant 20 : i32
      %scan3A_44 = arith.constant 0 : i32
      scf.yield %scan3A_44 : i32
    }
    %scan3A_12 = arith.constant 5 : i32
    %barrier3A_13 = arith.constant 0 : index
    tpu.barrier barrier_id(%barrier3A_13)
    %mul3A_14 = arith.constant 624 : i32
    %mul3A_15 = arith.muli %arg1, %mul3A_14 : i32
    "tpu.region"() ({
      %run_scoped3A = tpu.sem_alloc : memref<!tpu.dma_semaphore, #tpu.memory_space<semaphore_mem>>
      %dma_start3A = arith.constant 0 : i32
      %dma_start3A_21 = tpu.memref_slice %arg6[%add3A, %dma_start3A] : memref<20000x128xf32, #tpu.memory_space<hbm>> -> memref<624x128xf32, #tpu.memory_space<hbm>>
      %dma_start3A_22 = arith.constant 0 : i32
      %dma_start3A_23 = tpu.memref_slice %arg10[%mul3A_15, %dma_start3A_22] : memref<10000x128xf32, #tpu.memory_space<vmem_shared>> -> memref<624x128xf32, #tpu.memory_space<vmem_shared>>
      tpu.enqueue_dma source(%dma_start3A_23 : memref<624x128xf32, #tpu.memory_space<vmem_shared>>) target(%dma_start3A_21 : memref<624x128xf32, #tpu.memory_space<hbm>>) target_semaphore(%run_scoped3A : memref<!tpu.dma_semaphore, #tpu.memory_space<semaphore_mem>>)
      %dma_wait3A = arith.constant 0 : i32
      %dma_wait3A_24 = tpu.memref_slice %arg6[%add3A, %dma_wait3A] : memref<20000x128xf32, #tpu.memory_space<hbm>> -> memref<624x128xf32, #tpu.memory_space<hbm>>
      %dma_wait3A_25 = arith.constant 0 : i32
      %dma_wait3A_26 = tpu.memref_slice %arg10[%mul3A_15, %dma_wait3A_25] : memref<10000x128xf32, #tpu.memory_space<vmem_shared>> -> memref<624x128xf32, #tpu.memory_space<vmem_shared>>
      tpu.wait_dma2 semaphore(%run_scoped3A : memref<!tpu.dma_semaphore, #tpu.memory_space<semaphore_mem>>) src(%dma_wait3A_26 : memref<624x128xf32, #tpu.memory_space<vmem_shared>>) dst(%dma_wait3A_24 : memref<624x128xf32, #tpu.memory_space<hbm>>)
      tpu.yield
    }) : () -> ()
    %eq3A_16 = arith.constant 15 : i32
    %eq3A_17 = arith.cmpi eq, %arg1, %eq3A_16 : i32
    %convert_element_type3A_18 = arith.extui %eq3A_17 : i1 to i32
    %cond3A_19 = arith.constant 0 : i32
    %cond3A_20 = arith.cmpi ne, %convert_element_type3A_18, %cond3A_19 : i32
    scf.if %cond3A_20 {
      %mul3A_21 = arith.constant 10000 : i32
      %mul3A_22 = arith.muli %arg0, %mul3A_21 : i32
      %add3A_23 = arith.constant 9984 : i32
      %add3A_24 = arith.addi %mul3A_22, %add3A_23 : i32
      "tpu.region"() ({
        %run_scoped3A = tpu.sem_alloc : memref<!tpu.dma_semaphore, #tpu.memory_space<semaphore_mem>>
        %dma_start3A = arith.constant 0 : i32
        %dma_start3A_25 = tpu.memref_slice %arg6[%add3A_24, %dma_start3A] : memref<20000x128xf32, #tpu.memory_space<hbm>> -> memref<16x128xf32, #tpu.memory_space<hbm>>
        %dma_start3A_26 = arith.constant 9984 : i32
        %dma_start3A_27 = arith.constant 0 : i32
        %dma_start3A_28 = tpu.memref_slice %arg10[%dma_start3A_26, %dma_start3A_27] : memref<10000x128xf32, #tpu.memory_space<vmem_shared>> -> memref<16x128xf32, #tpu.memory_space<vmem_shared>>
        tpu.enqueue_dma source(%dma_start3A_28 : memref<16x128xf32, #tpu.memory_space<vmem_shared>>) target(%dma_start3A_25 : memref<16x128xf32, #tpu.memory_space<hbm>>) target_semaphore(%run_scoped3A : memref<!tpu.dma_semaphore, #tpu.memory_space<semaphore_mem>>)
        %dma_wait3A = arith.constant 0 : i32
        %dma_wait3A_29 = tpu.memref_slice %arg6[%add3A_24, %dma_wait3A] : memref<20000x128xf32, #tpu.memory_space<hbm>> -> memref<16x128xf32, #tpu.memory_space<hbm>>
        %dma_wait3A_30 = arith.constant 9984 : i32
        %dma_wait3A_31 = arith.constant 0 : i32
        %dma_wait3A_32 = tpu.memref_slice %arg10[%dma_wait3A_30, %dma_wait3A_31] : memref<10000x128xf32, #tpu.memory_space<vmem_shared>> -> memref<16x128xf32, #tpu.memory_space<vmem_shared>>
        tpu.wait_dma2 semaphore(%run_scoped3A : memref<!tpu.dma_semaphore, #tpu.memory_space<semaphore_mem>>) src(%dma_wait3A_32 : memref<16x128xf32, #tpu.memory_space<vmem_shared>>) dst(%dma_wait3A_29 : memref<16x128xf32, #tpu.memory_space<hbm>>)
        tpu.yield
      }) : () -> ()
    } else {
    }
    return
  }
}

#map = affine_map<(d0, d1) -> (0, 0)>
#map1 = affine_map<(d0, d1) -> (0, 0, 0, 0, 0)>
#map2 = affine_map<(d0, d1) -> (0, 0, 0, 0)>
module attributes {stable_mosaic.version = 14 : i64} {
  func.func @_msg_body(%arg0: i32, %arg1: i32, %arg2: memref<20000x128xf32, #tpu.memory_space<hbm>>, %arg3: memref<100000x128xf32, #tpu.memory_space<hbm>>, %arg4: memref<2x16x5x20x100xi32, #tpu.memory_space<hbm>>, %arg5: memref<16x5x20x100xi32, #tpu.memory_space<hbm>>, %arg6: memref<20000x128xf32, #tpu.memory_space<hbm>>, %arg7: memref<20x100xi32, #tpu.memory_space<vmem>>, %arg8: memref<20x100xi32, #tpu.memory_space<vmem>>, %arg9: memref<2x100x128xf32, #tpu.memory_space<vmem>>, %arg10: memref<10000x128xf32, #tpu.memory_space<vmem_shared>>, %arg11: memref<2x!tpu.dma_semaphore, #tpu.memory_space<semaphore_mem>>) attributes {dimension_semantics = [#tpu.dimension_semantics<core_parallel>, #tpu.dimension_semantics<subcore_parallel>], iteration_bounds = array<i64: 2, 16>, scalar_prefetch = 0 : i64, scratch_operands = 5 : i64, tpu.core_type = #tpu.core_type<sc_vector_subcore>, window_params = [{transform_indices = #map}, {transform_indices = #map}, {transform_indices = #map1}, {transform_indices = #map2}, {transform_indices = #map}]} {
    %mul3A = arith.constant 10000 : i32
    %mul3A_0 = arith.muli %arg0, %mul3A : i32
    %mul3A_1 = arith.constant 624 : i32
    %mul3A_2 = arith.muli %arg1, %mul3A_1 : i32
    %add3A = arith.addi %mul3A_0, %mul3A_2 : i32
    %mul3A_3 = arith.constant 624 : i32
    %mul3A_4 = arith.muli %arg1, %mul3A_3 : i32
    "tpu.region"() ({
      %run_scoped3A = tpu.sem_alloc : memref<!tpu.dma_semaphore, #tpu.memory_space<semaphore_mem>>
      %dma_start3A = arith.constant 0 : i32
      %dma_start3A_21 = tpu.memref_slice %arg10[%mul3A_4, %dma_start3A] : memref<10000x128xf32, #tpu.memory_space<vmem_shared>> -> memref<624x128xf32, #tpu.memory_space<vmem_shared>>
      %dma_start3A_22 = arith.constant 0 : i32
      %dma_start3A_23 = tpu.memref_slice %arg2[%add3A, %dma_start3A_22] : memref<20000x128xf32, #tpu.memory_space<hbm>> -> memref<624x128xf32, #tpu.memory_space<hbm>>
      tpu.enqueue_dma source(%dma_start3A_23 : memref<624x128xf32, #tpu.memory_space<hbm>>) target(%dma_start3A_21 : memref<624x128xf32, #tpu.memory_space<vmem_shared>>) target_semaphore(%run_scoped3A : memref<!tpu.dma_semaphore, #tpu.memory_space<semaphore_mem>>)
      %dma_wait3A = arith.constant 0 : i32
      %dma_wait3A_24 = tpu.memref_slice %arg10[%mul3A_4, %dma_wait3A] : memref<10000x128xf32, #tpu.memory_space<vmem_shared>> -> memref<624x128xf32, #tpu.memory_space<vmem_shared>>
      %dma_wait3A_25 = arith.constant 0 : i32
      %dma_wait3A_26 = tpu.memref_slice %arg2[%add3A, %dma_wait3A_25] : memref<20000x128xf32, #tpu.memory_space<hbm>> -> memref<624x128xf32, #tpu.memory_space<hbm>>
      tpu.wait_dma2 semaphore(%run_scoped3A : memref<!tpu.dma_semaphore, #tpu.memory_space<semaphore_mem>>) src(%dma_wait3A_26 : memref<624x128xf32, #tpu.memory_space<hbm>>) dst(%dma_wait3A_24 : memref<624x128xf32, #tpu.memory_space<vmem_shared>>)
      tpu.yield
    }) : () -> ()
    %eq3A = arith.constant 15 : i32
    %eq3A_5 = arith.cmpi eq, %arg1, %eq3A : i32
    %convert_element_type3A = arith.extui %eq3A_5 : i1 to i32
    %cond3A = arith.constant 0 : i32
    %cond3A_6 = arith.cmpi ne, %convert_element_type3A, %cond3A : i32
    scf.if %cond3A_6 {
      %mul3A_21 = arith.constant 10000 : i32
      %mul3A_22 = arith.muli %arg0, %mul3A_21 : i32
      %add3A_23 = arith.constant 9984 : i32
      %add3A_24 = arith.addi %mul3A_22, %add3A_23 : i32
      "tpu.region"() ({
        %run_scoped3A = tpu.sem_alloc : memref<!tpu.dma_semaphore, #tpu.memory_space<semaphore_mem>>
        %dma_start3A = arith.constant 9984 : i32
        %dma_start3A_25 = arith.constant 0 : i32
        %dma_start3A_26 = tpu.memref_slice %arg10[%dma_start3A, %dma_start3A_25] : memref<10000x128xf32, #tpu.memory_space<vmem_shared>> -> memref<16x128xf32, #tpu.memory_space<vmem_shared>>
        %dma_start3A_27 = arith.constant 0 : i32
        %dma_start3A_28 = tpu.memref_slice %arg2[%add3A_24, %dma_start3A_27] : memref<20000x128xf32, #tpu.memory_space<hbm>> -> memref<16x128xf32, #tpu.memory_space<hbm>>
        tpu.enqueue_dma source(%dma_start3A_28 : memref<16x128xf32, #tpu.memory_space<hbm>>) target(%dma_start3A_26 : memref<16x128xf32, #tpu.memory_space<vmem_shared>>) target_semaphore(%run_scoped3A : memref<!tpu.dma_semaphore, #tpu.memory_space<semaphore_mem>>)
        %dma_wait3A = arith.constant 9984 : i32
        %dma_wait3A_29 = arith.constant 0 : i32
        %dma_wait3A_30 = tpu.memref_slice %arg10[%dma_wait3A, %dma_wait3A_29] : memref<10000x128xf32, #tpu.memory_space<vmem_shared>> -> memref<16x128xf32, #tpu.memory_space<vmem_shared>>
        %dma_wait3A_31 = arith.constant 0 : i32
        %dma_wait3A_32 = tpu.memref_slice %arg2[%add3A_24, %dma_wait3A_31] : memref<20000x128xf32, #tpu.memory_space<hbm>> -> memref<16x128xf32, #tpu.memory_space<hbm>>
        tpu.wait_dma2 semaphore(%run_scoped3A : memref<!tpu.dma_semaphore, #tpu.memory_space<semaphore_mem>>) src(%dma_wait3A_32 : memref<16x128xf32, #tpu.memory_space<hbm>>) dst(%dma_wait3A_30 : memref<16x128xf32, #tpu.memory_space<vmem_shared>>)
        tpu.yield
      }) : () -> ()
    } else {
    }
    %barrier3A = arith.constant 0 : index
    tpu.barrier barrier_id(%barrier3A)
    %scan3A = arith.constant 0 : i32
    %scan3A_7 = arith.constant 0 : i32
    %scan3A_8 = arith.constant 5 : i32
    %scan3A_9 = arith.addi %scan3A_7, %scan3A_8 : i32
    %scan3A_10 = arith.constant 1 : i32
    %scan3A_11 = scf.for %scan3A_21 = %scan3A_7 to %scan3A_9 step %scan3A_10 iter_args(%scan3A_22 = %scan3A) -> (i32)  : i32 {
      "tpu.region"() ({
        %run_scoped3A = tpu.sem_alloc : memref<!tpu.dma_semaphore, #tpu.memory_space<semaphore_mem>>
        %dma_start3A_45 = arith.constant 0 : i32
        %dma_start3A_46 = arith.constant 0 : i32
        %dma_start3A_47 = tpu.memref_slice %arg4[%arg0, %arg1, %scan3A_21, %dma_start3A_45, %dma_start3A_46] : memref<2x16x5x20x100xi32, #tpu.memory_space<hbm>> -> memref<1x1x1x20x100xi32, #tpu.memory_space<hbm>>
        %dma_start3A_48 = tpu.memref_squeeze %dma_start3A_47 : memref<1x1x1x20x100xi32, #tpu.memory_space<hbm>> -> memref<20x100xi32, #tpu.memory_space<hbm>>
        %dma_start3A_49 = arith.constant 0 : i32
        %dma_start3A_50 = arith.constant 0 : i32
        %dma_start3A_51 = tpu.memref_slice %arg4[%arg0, %arg1, %scan3A_21, %dma_start3A_49, %dma_start3A_50] : memref<2x16x5x20x100xi32, #tpu.memory_space<hbm>> -> memref<1x1x1x20x100xi32, #tpu.memory_space<hbm>>
        %dma_start3A_52 = tpu.memref_squeeze %dma_start3A_51 : memref<1x1x1x20x100xi32, #tpu.memory_space<hbm>> -> memref<20x100xi32, #tpu.memory_space<hbm>>
        tpu.enqueue_dma source(%dma_start3A_52 : memref<20x100xi32, #tpu.memory_space<hbm>>) target(%arg7 : memref<20x100xi32, #tpu.memory_space<vmem>>) target_semaphore(%run_scoped3A : memref<!tpu.dma_semaphore, #tpu.memory_space<semaphore_mem>>)
        %dma_wait3A = arith.constant 0 : i32
        %dma_wait3A_53 = arith.constant 0 : i32
        %dma_wait3A_54 = tpu.memref_slice %arg4[%arg0, %arg1, %scan3A_21, %dma_wait3A, %dma_wait3A_53] : memref<2x16x5x20x100xi32, #tpu.memory_space<hbm>> -> memref<1x1x1x20x100xi32, #tpu.memory_space<hbm>>
        %dma_wait3A_55 = tpu.memref_squeeze %dma_wait3A_54 : memref<1x1x1x20x100xi32, #tpu.memory_space<hbm>> -> memref<20x100xi32, #tpu.memory_space<hbm>>
        %dma_wait3A_56 = arith.constant 0 : i32
        %dma_wait3A_57 = arith.constant 0 : i32
        %dma_wait3A_58 = tpu.memref_slice %arg4[%arg0, %arg1, %scan3A_21, %dma_wait3A_56, %dma_wait3A_57] : memref<2x16x5x20x100xi32, #tpu.memory_space<hbm>> -> memref<1x1x1x20x100xi32, #tpu.memory_space<hbm>>
        %dma_wait3A_59 = tpu.memref_squeeze %dma_wait3A_58 : memref<1x1x1x20x100xi32, #tpu.memory_space<hbm>> -> memref<20x100xi32, #tpu.memory_space<hbm>>
        tpu.wait_dma2 semaphore(%run_scoped3A : memref<!tpu.dma_semaphore, #tpu.memory_space<semaphore_mem>>) src(%dma_wait3A_59 : memref<20x100xi32, #tpu.memory_space<hbm>>) dst(%arg7 : memref<20x100xi32, #tpu.memory_space<vmem>>)
        tpu.yield
      }) : () -> ()
      "tpu.region"() ({
        %run_scoped3A = tpu.sem_alloc : memref<!tpu.dma_semaphore, #tpu.memory_space<semaphore_mem>>
        %dma_start3A_45 = arith.constant 0 : i32
        %dma_start3A_46 = arith.constant 0 : i32
        %dma_start3A_47 = tpu.memref_slice %arg5[%arg1, %scan3A_21, %dma_start3A_45, %dma_start3A_46] : memref<16x5x20x100xi32, #tpu.memory_space<hbm>> -> memref<1x1x20x100xi32, #tpu.memory_space<hbm>>
        %dma_start3A_48 = tpu.memref_squeeze %dma_start3A_47 : memref<1x1x20x100xi32, #tpu.memory_space<hbm>> -> memref<20x100xi32, #tpu.memory_space<hbm>>
        %dma_start3A_49 = arith.constant 0 : i32
        %dma_start3A_50 = arith.constant 0 : i32
        %dma_start3A_51 = tpu.memref_slice %arg5[%arg1, %scan3A_21, %dma_start3A_49, %dma_start3A_50] : memref<16x5x20x100xi32, #tpu.memory_space<hbm>> -> memref<1x1x20x100xi32, #tpu.memory_space<hbm>>
        %dma_start3A_52 = tpu.memref_squeeze %dma_start3A_51 : memref<1x1x20x100xi32, #tpu.memory_space<hbm>> -> memref<20x100xi32, #tpu.memory_space<hbm>>
        tpu.enqueue_dma source(%dma_start3A_52 : memref<20x100xi32, #tpu.memory_space<hbm>>) target(%arg8 : memref<20x100xi32, #tpu.memory_space<vmem>>) target_semaphore(%run_scoped3A : memref<!tpu.dma_semaphore, #tpu.memory_space<semaphore_mem>>)
        %dma_wait3A = arith.constant 0 : i32
        %dma_wait3A_53 = arith.constant 0 : i32
        %dma_wait3A_54 = tpu.memref_slice %arg5[%arg1, %scan3A_21, %dma_wait3A, %dma_wait3A_53] : memref<16x5x20x100xi32, #tpu.memory_space<hbm>> -> memref<1x1x20x100xi32, #tpu.memory_space<hbm>>
        %dma_wait3A_55 = tpu.memref_squeeze %dma_wait3A_54 : memref<1x1x20x100xi32, #tpu.memory_space<hbm>> -> memref<20x100xi32, #tpu.memory_space<hbm>>
        %dma_wait3A_56 = arith.constant 0 : i32
        %dma_wait3A_57 = arith.constant 0 : i32
        %dma_wait3A_58 = tpu.memref_slice %arg5[%arg1, %scan3A_21, %dma_wait3A_56, %dma_wait3A_57] : memref<16x5x20x100xi32, #tpu.memory_space<hbm>> -> memref<1x1x20x100xi32, #tpu.memory_space<hbm>>
        %dma_wait3A_59 = tpu.memref_squeeze %dma_wait3A_58 : memref<1x1x20x100xi32, #tpu.memory_space<hbm>> -> memref<20x100xi32, #tpu.memory_space<hbm>>
        tpu.wait_dma2 semaphore(%run_scoped3A : memref<!tpu.dma_semaphore, #tpu.memory_space<semaphore_mem>>) src(%dma_wait3A_59 : memref<20x100xi32, #tpu.memory_space<hbm>>) dst(%arg8 : memref<20x100xi32, #tpu.memory_space<vmem>>)
        tpu.yield
      }) : () -> ()
      %dma_start3A = arith.constant 0 : i32
      %dma_start3A_23 = arith.constant 0 : i32
      %dma_start3A_24 = arith.constant 0 : i32
      %dma_start3A_25 = arith.constant 0 : i32
      %dma_start3A_26 = arith.constant 0 : i32
      %dma_start3A_27 = tpu.memref_slice %arg9[%dma_start3A_23, %dma_start3A_25, %dma_start3A_26] : memref<2x100x128xf32, #tpu.memory_space<vmem>> -> memref<1x100x128xf32, #tpu.memory_space<vmem>>
      %dma_start3A_28 = tpu.memref_squeeze %dma_start3A_27 : memref<1x100x128xf32, #tpu.memory_space<vmem>> -> memref<100x128xf32, #tpu.memory_space<vmem>>
      %dma_start3A_29 = arith.constant 0 : i32
      %dma_start3A_30 = tpu.memref_slice %arg7[%dma_start3A, %dma_start3A_29] : memref<20x100xi32, #tpu.memory_space<vmem>> -> memref<1x100xi32, #tpu.memory_space<vmem>>
      %dma_start3A_31 = tpu.memref_squeeze %dma_start3A_30 : memref<1x100xi32, #tpu.memory_space<vmem>> -> memref<100xi32, #tpu.memory_space<vmem>>
      %dma_start3A_32 = arith.constant 0 : i32
      %dma_start3A_33 = arith.constant 0 : i32
      %dma_start3A_34 = tpu.memref_slice %arg3[%dma_start3A_32, %dma_start3A_33] : memref<100000x128xf32, #tpu.memory_space<hbm>> -> memref<100000x128xf32, #tpu.memory_space<hbm>>
      %dma_start3A_35 = tpu.memref_slice %arg11[%dma_start3A_24] : memref<2x!tpu.dma_semaphore, #tpu.memory_space<semaphore_mem>> -> memref<1x!tpu.dma_semaphore, #tpu.memory_space<semaphore_mem>>
      %dma_start3A_36 = tpu.memref_squeeze %dma_start3A_35 : memref<1x!tpu.dma_semaphore, #tpu.memory_space<semaphore_mem>> -> memref<!tpu.dma_semaphore, #tpu.memory_space<semaphore_mem>>
      tpu.enqueue_indirect_dma source(%dma_start3A_34 : memref<100000x128xf32, #tpu.memory_space<hbm>>) target(%dma_start3A_28 : memref<100x128xf32, #tpu.memory_space<vmem>>) offsets(%dma_start3A_31 : memref<100xi32, #tpu.memory_space<vmem>>) semaphore(%dma_start3A_36 : memref<!tpu.dma_semaphore, #tpu.memory_space<semaphore_mem>>)
      %scan3A_37 = arith.constant 0 : i32
      %scan3A_38 = arith.constant 0 : i32
      %scan3A_39 = arith.constant 20 : i32
      %scan3A_40 = arith.addi %scan3A_38, %scan3A_39 : i32
      %scan3A_41 = arith.constant 1 : i32
      %scan3A_42 = scf.for %scan3A_45 = %scan3A_38 to %scan3A_40 step %scan3A_41 iter_args(%scan3A_46 = %scan3A_37) -> (i32)  : i32 {
        %jit3A = arith.constant 2 : i32
        %eq3A_47 = arith.constant 0 : i32
        %eq3A_48 = arith.cmpi eq, %jit3A, %eq3A_47 : i32
        %jit3A_49 = arith.constant 1 : i32
        %select_n3A = arith.select %eq3A_48, %jit3A_49, %jit3A : i32
        %rem3A = arith.remsi %scan3A_45, %select_n3A : i32
        %ne3A = arith.constant 0 : i32
        %ne3A_50 = arith.cmpi ne, %rem3A, %ne3A : i32
        %lt3A = arith.constant 0 : i32
        %lt3A_51 = arith.cmpi slt, %rem3A, %lt3A : i32
        %lt3A_52 = arith.constant 0 : i32
        %lt3A_53 = arith.cmpi slt, %select_n3A, %lt3A_52 : i32
        %ne3A_54 = arith.xori %lt3A_51, %lt3A_53 : i1
        %and3A = arith.andi %ne3A_54, %ne3A_50 : i1
        %add3A_55 = arith.addi %rem3A, %select_n3A : i32
        %select_n3A_56 = arith.select %and3A, %add3A_55, %rem3A : i32
        %add3A_57 = arith.constant 1 : i32
        %add3A_58 = arith.addi %scan3A_45, %add3A_57 : i32
        %jit3A_59 = arith.constant 2 : i32
        %eq3A_60 = arith.constant 0 : i32
        %eq3A_61 = arith.cmpi eq, %jit3A_59, %eq3A_60 : i32
        %jit3A_62 = arith.constant 1 : i32
        %select_n3A_63 = arith.select %eq3A_61, %jit3A_62, %jit3A_59 : i32
        %rem3A_64 = arith.remsi %add3A_58, %select_n3A_63 : i32
        %ne3A_65 = arith.constant 0 : i32
        %ne3A_66 = arith.cmpi ne, %rem3A_64, %ne3A_65 : i32
        %lt3A_67 = arith.constant 0 : i32
        %lt3A_68 = arith.cmpi slt, %rem3A_64, %lt3A_67 : i32
        %lt3A_69 = arith.constant 0 : i32
        %lt3A_70 = arith.cmpi slt, %select_n3A_63, %lt3A_69 : i32
        %ne3A_71 = arith.xori %lt3A_68, %lt3A_70 : i1
        %and3A_72 = arith.andi %ne3A_71, %ne3A_66 : i1
        %add3A_73 = arith.addi %rem3A_64, %select_n3A_63 : i32
        %select_n3A_74 = arith.select %and3A_72, %add3A_73, %rem3A_64 : i32
        %add3A_75 = arith.constant 1 : i32
        %add3A_76 = arith.addi %scan3A_45, %add3A_75 : i32
        %lt3A_77 = arith.constant 20 : i32
        %lt3A_78 = arith.cmpi slt, %add3A_76, %lt3A_77 : i32
        %convert_element_type3A_79 = arith.extui %lt3A_78 : i1 to i32
        %cond3A_80 = arith.constant 0 : i32
        %cond3A_81 = arith.cmpi ne, %convert_element_type3A_79, %cond3A_80 : i32
        scf.if %cond3A_81 {
          %add3A_94 = arith.constant 1 : i32
          %add3A_95 = arith.addi %scan3A_45, %add3A_94 : i32
          %dma_start3A_96 = arith.constant 0 : i32
          %dma_start3A_97 = arith.constant 0 : i32
          %dma_start3A_98 = tpu.memref_slice %arg9[%select_n3A_74, %dma_start3A_96, %dma_start3A_97] : memref<2x100x128xf32, #tpu.memory_space<vmem>> -> memref<1x100x128xf32, #tpu.memory_space<vmem>>
          %dma_start3A_99 = tpu.memref_squeeze %dma_start3A_98 : memref<1x100x128xf32, #tpu.memory_space<vmem>> -> memref<100x128xf32, #tpu.memory_space<vmem>>
          %dma_start3A_100 = arith.constant 0 : i32
          %dma_start3A_101 = tpu.memref_slice %arg7[%add3A_95, %dma_start3A_100] : memref<20x100xi32, #tpu.memory_space<vmem>> -> memref<1x100xi32, #tpu.memory_space<vmem>>
          %dma_start3A_102 = tpu.memref_squeeze %dma_start3A_101 : memref<1x100xi32, #tpu.memory_space<vmem>> -> memref<100xi32, #tpu.memory_space<vmem>>
          %dma_start3A_103 = arith.constant 0 : i32
          %dma_start3A_104 = arith.constant 0 : i32
          %dma_start3A_105 = tpu.memref_slice %arg3[%dma_start3A_103, %dma_start3A_104] : memref<100000x128xf32, #tpu.memory_space<hbm>> -> memref<100000x128xf32, #tpu.memory_space<hbm>>
          %dma_start3A_106 = tpu.memref_slice %arg11[%select_n3A_74] : memref<2x!tpu.dma_semaphore, #tpu.memory_space<semaphore_mem>> -> memref<1x!tpu.dma_semaphore, #tpu.memory_space<semaphore_mem>>
          %dma_start3A_107 = tpu.memref_squeeze %dma_start3A_106 : memref<1x!tpu.dma_semaphore, #tpu.memory_space<semaphore_mem>> -> memref<!tpu.dma_semaphore, #tpu.memory_space<semaphore_mem>>
          tpu.enqueue_indirect_dma source(%dma_start3A_105 : memref<100000x128xf32, #tpu.memory_space<hbm>>) target(%dma_start3A_99 : memref<100x128xf32, #tpu.memory_space<vmem>>) offsets(%dma_start3A_102 : memref<100xi32, #tpu.memory_space<vmem>>) semaphore(%dma_start3A_107 : memref<!tpu.dma_semaphore, #tpu.memory_space<semaphore_mem>>)
        } else {
        }
        %dma_wait3A = arith.constant 0 : i32
        %dma_wait3A_82 = arith.constant 0 : i32
        %dma_wait3A_83 = tpu.memref_slice %arg9[%select_n3A_56, %dma_wait3A, %dma_wait3A_82] : memref<2x100x128xf32, #tpu.memory_space<vmem>> -> memref<1x100x128xf32, #tpu.memory_space<vmem>>
        %dma_wait3A_84 = tpu.memref_squeeze %dma_wait3A_83 : memref<1x100x128xf32, #tpu.memory_space<vmem>> -> memref<100x128xf32, #tpu.memory_space<vmem>>
        %dma_wait3A_85 = arith.constant 0 : i32
        %dma_wait3A_86 = tpu.memref_slice %arg7[%scan3A_45, %dma_wait3A_85] : memref<20x100xi32, #tpu.memory_space<vmem>> -> memref<1x100xi32, #tpu.memory_space<vmem>>
        %dma_wait3A_87 = tpu.memref_squeeze %dma_wait3A_86 : memref<1x100xi32, #tpu.memory_space<vmem>> -> memref<100xi32, #tpu.memory_space<vmem>>
        %dma_wait3A_88 = arith.constant 0 : i32
        %dma_wait3A_89 = arith.constant 0 : i32
        %dma_wait3A_90 = tpu.memref_slice %arg3[%dma_wait3A_88, %dma_wait3A_89] : memref<100000x128xf32, #tpu.memory_space<hbm>> -> memref<100000x128xf32, #tpu.memory_space<hbm>>
        %dma_wait3A_91 = tpu.memref_slice %arg11[%select_n3A_56] : memref<2x!tpu.dma_semaphore, #tpu.memory_space<semaphore_mem>> -> memref<1x!tpu.dma_semaphore, #tpu.memory_space<semaphore_mem>>
        %dma_wait3A_92 = tpu.memref_squeeze %dma_wait3A_91 : memref<1x!tpu.dma_semaphore, #tpu.memory_space<semaphore_mem>> -> memref<!tpu.dma_semaphore, #tpu.memory_space<semaphore_mem>>
        tpu.wait_indirect_dma semaphore(%dma_wait3A_92 : memref<!tpu.dma_semaphore, #tpu.memory_space<semaphore_mem>>) src(%dma_wait3A_90 : memref<100000x128xf32, #tpu.memory_space<hbm>>) dst(%dma_wait3A_84 : memref<100x128xf32, #tpu.memory_space<vmem>>)
        "tpu.region"() ({
          %run_scoped3A = tpu.sem_alloc : memref<!tpu.dma_semaphore, #tpu.memory_space<semaphore_mem>>
          %dma_start3A_94 = arith.constant 0 : i32
          %dma_start3A_95 = arith.constant 0 : i32
          %dma_start3A_96 = tpu.memref_slice %arg9[%select_n3A_56, %dma_start3A_94, %dma_start3A_95] : memref<2x100x128xf32, #tpu.memory_space<vmem>> -> memref<1x100x128xf32, #tpu.memory_space<vmem>>
          %dma_start3A_97 = tpu.memref_squeeze %dma_start3A_96 : memref<1x100x128xf32, #tpu.memory_space<vmem>> -> memref<100x128xf32, #tpu.memory_space<vmem>>
          %dma_start3A_98 = arith.constant 0 : i32
          %dma_start3A_99 = tpu.memref_slice %arg8[%scan3A_45, %dma_start3A_98] : memref<20x100xi32, #tpu.memory_space<vmem>> -> memref<1x100xi32, #tpu.memory_space<vmem>>
          %dma_start3A_100 = tpu.memref_squeeze %dma_start3A_99 : memref<1x100xi32, #tpu.memory_space<vmem>> -> memref<100xi32, #tpu.memory_space<vmem>>
          %dma_start3A_101 = arith.constant 0 : i32
          %dma_start3A_102 = arith.constant 0 : i32
          %dma_start3A_103 = tpu.memref_slice %arg10[%dma_start3A_101, %dma_start3A_102] : memref<10000x128xf32, #tpu.memory_space<vmem_shared>> -> memref<10000x128xf32, #tpu.memory_space<vmem_shared>>
          tpu.enqueue_indirect_dma source(%dma_start3A_97 : memref<100x128xf32, #tpu.memory_space<vmem>>) target(%dma_start3A_103 : memref<10000x128xf32, #tpu.memory_space<vmem_shared>>) offsets(%dma_start3A_100 : memref<100xi32, #tpu.memory_space<vmem>>) semaphore(%run_scoped3A : memref<!tpu.dma_semaphore, #tpu.memory_space<semaphore_mem>>) {add = true}
          %dma_wait3A_104 = arith.constant 0 : i32
          %dma_wait3A_105 = arith.constant 0 : i32
          %dma_wait3A_106 = tpu.memref_slice %arg9[%select_n3A_56, %dma_wait3A_104, %dma_wait3A_105] : memref<2x100x128xf32, #tpu.memory_space<vmem>> -> memref<1x100x128xf32, #tpu.memory_space<vmem>>
          %dma_wait3A_107 = tpu.memref_squeeze %dma_wait3A_106 : memref<1x100x128xf32, #tpu.memory_space<vmem>> -> memref<100x128xf32, #tpu.memory_space<vmem>>
          %dma_wait3A_108 = arith.constant 0 : i32
          %dma_wait3A_109 = tpu.memref_slice %arg8[%scan3A_45, %dma_wait3A_108] : memref<20x100xi32, #tpu.memory_space<vmem>> -> memref<1x100xi32, #tpu.memory_space<vmem>>
          %dma_wait3A_110 = tpu.memref_squeeze %dma_wait3A_109 : memref<1x100xi32, #tpu.memory_space<vmem>> -> memref<100xi32, #tpu.memory_space<vmem>>
          %dma_wait3A_111 = arith.constant 0 : i32
          %dma_wait3A_112 = arith.constant 0 : i32
          %dma_wait3A_113 = tpu.memref_slice %arg10[%dma_wait3A_111, %dma_wait3A_112] : memref<10000x128xf32, #tpu.memory_space<vmem_shared>> -> memref<10000x128xf32, #tpu.memory_space<vmem_shared>>
          tpu.wait_indirect_dma semaphore(%run_scoped3A : memref<!tpu.dma_semaphore, #tpu.memory_space<semaphore_mem>>) src(%dma_wait3A_107 : memref<100x128xf32, #tpu.memory_space<vmem>>) dst(%dma_wait3A_113 : memref<10000x128xf32, #tpu.memory_space<vmem_shared>>)
          tpu.yield
        }) : () -> ()
        %scan3A_93 = arith.constant 0 : i32
        scf.yield %scan3A_93 : i32
      }
      %scan3A_43 = arith.constant 20 : i32
      %scan3A_44 = arith.constant 0 : i32
      scf.yield %scan3A_44 : i32
    }
    %scan3A_12 = arith.constant 5 : i32
    %barrier3A_13 = arith.constant 0 : index
    tpu.barrier barrier_id(%barrier3A_13)
    %mul3A_14 = arith.constant 624 : i32
    %mul3A_15 = arith.muli %arg1, %mul3A_14 : i32
    "tpu.region"() ({
      %run_scoped3A = tpu.sem_alloc : memref<!tpu.dma_semaphore, #tpu.memory_space<semaphore_mem>>
      %dma_start3A = arith.constant 0 : i32
      %dma_start3A_21 = tpu.memref_slice %arg6[%add3A, %dma_start3A] : memref<20000x128xf32, #tpu.memory_space<hbm>> -> memref<624x128xf32, #tpu.memory_space<hbm>>
      %dma_start3A_22 = arith.constant 0 : i32
      %dma_start3A_23 = tpu.memref_slice %arg10[%mul3A_15, %dma_start3A_22] : memref<10000x128xf32, #tpu.memory_space<vmem_shared>> -> memref<624x128xf32, #tpu.memory_space<vmem_shared>>
      tpu.enqueue_dma source(%dma_start3A_23 : memref<624x128xf32, #tpu.memory_space<vmem_shared>>) target(%dma_start3A_21 : memref<624x128xf32, #tpu.memory_space<hbm>>) target_semaphore(%run_scoped3A : memref<!tpu.dma_semaphore, #tpu.memory_space<semaphore_mem>>)
      %dma_wait3A = arith.constant 0 : i32
      %dma_wait3A_24 = tpu.memref_slice %arg6[%add3A, %dma_wait3A] : memref<20000x128xf32, #tpu.memory_space<hbm>> -> memref<624x128xf32, #tpu.memory_space<hbm>>
      %dma_wait3A_25 = arith.constant 0 : i32
      %dma_wait3A_26 = tpu.memref_slice %arg10[%mul3A_15, %dma_wait3A_25] : memref<10000x128xf32, #tpu.memory_space<vmem_shared>> -> memref<624x128xf32, #tpu.memory_space<vmem_shared>>
      tpu.wait_dma2 semaphore(%run_scoped3A : memref<!tpu.dma_semaphore, #tpu.memory_space<semaphore_mem>>) src(%dma_wait3A_26 : memref<624x128xf32, #tpu.memory_space<vmem_shared>>) dst(%dma_wait3A_24 : memref<624x128xf32, #tpu.memory_space<hbm>>)
      tpu.yield
    }) : () -> ()
    %eq3A_16 = arith.constant 15 : i32
    %eq3A_17 = arith.cmpi eq, %arg1, %eq3A_16 : i32
    %convert_element_type3A_18 = arith.extui %eq3A_17 : i1 to i32
    %cond3A_19 = arith.constant 0 : i32
    %cond3A_20 = arith.cmpi ne, %convert_element_type3A_18, %cond3A_19 : i32
    scf.if %cond3A_20 {
      %mul3A_21 = arith.constant 10000 : i32
      %mul3A_22 = arith.muli %arg0, %mul3A_21 : i32
      %add3A_23 = arith.constant 9984 : i32
      %add3A_24 = arith.addi %mul3A_22, %add3A_23 : i32
      "tpu.region"() ({
        %run_scoped3A = tpu.sem_alloc : memref<!tpu.dma_semaphore, #tpu.memory_space<semaphore_mem>>
        %dma_start3A = arith.constant 0 : i32
        %dma_start3A_25 = tpu.memref_slice %arg6[%add3A_24, %dma_start3A] : memref<20000x128xf32, #tpu.memory_space<hbm>> -> memref<16x128xf32, #tpu.memory_space<hbm>>
        %dma_start3A_26 = arith.constant 9984 : i32
        %dma_start3A_27 = arith.constant 0 : i32
        %dma_start3A_28 = tpu.memref_slice %arg10[%dma_start3A_26, %dma_start3A_27] : memref<10000x128xf32, #tpu.memory_space<vmem_shared>> -> memref<16x128xf32, #tpu.memory_space<vmem_shared>>
        tpu.enqueue_dma source(%dma_start3A_28 : memref<16x128xf32, #tpu.memory_space<vmem_shared>>) target(%dma_start3A_25 : memref<16x128xf32, #tpu.memory_space<hbm>>) target_semaphore(%run_scoped3A : memref<!tpu.dma_semaphore, #tpu.memory_space<semaphore_mem>>)
        %dma_wait3A = arith.constant 0 : i32
        %dma_wait3A_29 = tpu.memref_slice %arg6[%add3A_24, %dma_wait3A] : memref<20000x128xf32, #tpu.memory_space<hbm>> -> memref<16x128xf32, #tpu.memory_space<hbm>>
        %dma_wait3A_30 = arith.constant 9984 : i32
        %dma_wait3A_31 = arith.constant 0 : i32
        %dma_wait3A_32 = tpu.memref_slice %arg10[%dma_wait3A_30, %dma_wait3A_31] : memref<10000x128xf32, #tpu.memory_space<vmem_shared>> -> memref<16x128xf32, #tpu.memory_space<vmem_shared>>
        tpu.wait_dma2 semaphore(%run_scoped3A : memref<!tpu.dma_semaphore, #tpu.memory_space<semaphore_mem>>) src(%dma_wait3A_32 : memref<16x128xf32, #tpu.memory_space<vmem_shared>>) dst(%dma_wait3A_29 : memref<16x128xf32, #tpu.memory_space<hbm>>)
        tpu.yield
      }) : () -> ()
    } else {
    }
    return
  }
}

module attributes {stable_mosaic.version = 14 : i64} {
  func.func @_embed_body(%arg0: i32, %arg1: i32, %arg2: memref<1x1x2000xi32, #tpu.memory_space<vmem>>, %arg3: memref<1x128x128xf32, #tpu.memory_space<vmem>>, %arg4: memref<1x5x128xf32, #tpu.memory_space<vmem>>, %arg5: memref<2000x128xf32, #tpu.memory_space<vmem>>, %arg6: memref<10000x128xf32, #tpu.memory_space<vmem>>) attributes {dimension_semantics = [#tpu.dimension_semantics<arbitrary>, #tpu.dimension_semantics<arbitrary>], iteration_bounds = array<i64: 2, 5>, scalar_prefetch = 0 : i64, scratch_operands = 0 : i64, tpu.core_type = #tpu.core_type<tc>, window_params = [{transform_indices = @transform_0, window_bounds = array<i64: 1, 1, 2000>}, {transform_indices = @transform_1, window_bounds = array<i64: 1, 128, 128>}, {transform_indices = @transform_2, window_bounds = array<i64: 1, 5, 128>}, {transform_indices = @transform_3, window_bounds = array<i64: 2000, 128>}, {transform_indices = @transform_4, window_bounds = array<i64: 10000, 128>}]} {
    %get3A = arith.constant 0 : index
    %get3A_0 = arith.constant 0 : index
    %get3A_1 = arith.constant 0 : index
    %get3A_2 = vector.load %arg2[%get3A, %get3A_0, %get3A_1] : memref<1x1x2000xi32, #tpu.memory_space<vmem>>, vector<1x1x2000xi32>
    %get3A_3 = vector.shape_cast %get3A_2 : vector<1x1x2000xi32> to vector<2000xi32>
    %broadcast_in_dim3A = vector.shape_cast %get3A_3 : vector<2000xi32> to vector<2000x1xi32>
    %iota3A = tpu.iota {dimensions = array<i32: 1>} : vector<2000x128xi32>
    %eq3A = vector.broadcast %broadcast_in_dim3A : vector<2000x1xi32> to vector<2000x128xi32>
    %eq3A_4 = arith.cmpi eq, %eq3A, %iota3A : vector<2000x128xi32>
    %convert_element_type3A = arith.extui %eq3A_4 : vector<2000x128xi1> to vector<2000x128xi32>
    %convert_element_type3A_5 = arith.sitofp %convert_element_type3A : vector<2000x128xi32> to vector<2000x128xf32>
    %get3A_6 = arith.constant 0 : index
    %get3A_7 = arith.constant 0 : index
    %get3A_8 = arith.constant 0 : index
    %get3A_9 = vector.load %arg3[%get3A_6, %get3A_7, %get3A_8] : memref<1x128x128xf32, #tpu.memory_space<vmem>>, vector<1x128x128xf32>
    %get3A_10 = vector.shape_cast %get3A_9 : vector<1x128x128xf32> to vector<128x128xf32>
    %dot_general3A = arith.constant dense<0.000000e+00> : vector<2000x128xf32>
    %dot_general3A_11 = tpu.matmul %convert_element_type3A_5, %get3A_10, %dot_general3A {dimension_numbers = #tpu.dot_dimension_numbers<[1], [0], [0], [1], [0, 0, 1, 1], [], []>, precision = #tpu.contract_precision<fp32>, transpose_lhs_hint = false} : vector<2000x128xf32>, vector<128x128xf32>, vector<2000x128xf32> -> vector<2000x128xf32>
    %swap3A = arith.constant 0 : index
    %swap3A_12 = arith.constant 0 : index
    %swap3A_13 = vector.load %arg5[%swap3A, %swap3A_12] : memref<2000x128xf32, #tpu.memory_space<vmem>>, vector<2000x128xf32>
    tpu.vector_store %arg5[%swap3A, %swap3A_12], %dot_general3A_11 {strides = array<i32>} : memref<2000x128xf32, #tpu.memory_space<vmem>>, vector<2000x128xf32>,
    %broadcast_in_dim3A_14 = vector.shape_cast %dot_general3A_11 : vector<2000x128xf32> to vector<2000x1x128xf32>
    %get3A_15 = arith.constant 0 : index
    %get3A_16 = arith.constant 0 : index
    %get3A_17 = arith.constant 0 : index
    %get3A_18 = vector.load %arg4[%get3A_15, %get3A_16, %get3A_17] : memref<1x5x128xf32, #tpu.memory_space<vmem>>, vector<1x5x128xf32>
    %get3A_19 = vector.shape_cast %get3A_18 : vector<1x5x128xf32> to vector<5x128xf32>
    %broadcast_in_dim3A_20 = vector.shape_cast %get3A_19 : vector<5x128xf32> to vector<1x5x128xf32>
    %add3A = vector.broadcast %broadcast_in_dim3A_14 : vector<2000x1x128xf32> to vector<2000x5x128xf32>
    %add3A_21 = vector.broadcast %broadcast_in_dim3A_20 : vector<1x5x128xf32> to vector<2000x5x128xf32>
    %add3A_22 = arith.addf %add3A, %add3A_21 : vector<2000x5x128xf32>
    %max3A = arith.constant 0.000000e+00 : f32
    %max3A_23 = vector.broadcast %max3A : f32 to vector<2000x5x128xf32>
    %max3A_24 = arith.maximumf %add3A_22, %max3A_23 : vector<2000x5x128xf32>
    %reshape3A = vector.shape_cast %max3A_24 : vector<2000x5x128xf32> to vector<10000x128xf32>
    %swap3A_25 = arith.constant 0 : index
    %swap3A_26 = arith.constant 0 : index
    %swap3A_27 = vector.load %arg6[%swap3A_25, %swap3A_26] : memref<10000x128xf32, #tpu.memory_space<vmem>>, vector<10000x128xf32>
    tpu.vector_store %arg6[%swap3A_25, %swap3A_26], %reshape3A {strides = array<i32>} : memref<10000x128xf32, #tpu.memory_space<vmem>>, vector<10000x128xf32>,
    return
  }
  func.func @transform_0(%arg0: i32, %arg1: i32) -> (i32, i32, i32) {
    %c0_i32 = arith.constant 0 : i32
    %c0_i32_0 = arith.constant 0 : i32
    %c0_i32_1 = arith.constant 0 : i32
    return %arg1, %c0_i32, %c0_i32_0 : i32, i32, i32
  }
  func.func @transform_1(%arg0: i32, %arg1: i32) -> (i32, i32, i32) {
    %c0_i32 = arith.constant 0 : i32
    %c0_i32_0 = arith.constant 0 : i32
    %c0_i32_1 = arith.constant 0 : i32
    return %arg0, %c0_i32, %c0_i32_0 : i32, i32, i32
  }
  func.func @transform_2(%arg0: i32, %arg1: i32) -> (i32, i32, i32) {
    %c0_i32 = arith.constant 0 : i32
    %c0_i32_0 = arith.constant 0 : i32
    %c0_i32_1 = arith.constant 0 : i32
    return %arg0, %c0_i32, %c0_i32_0 : i32, i32, i32
  }
  func.func @transform_3(%arg0: i32, %arg1: i32) -> (i32, i32) {
    %mul3A = arith.constant 5 : i32
    %mul3A_0 = arith.muli %arg0, %mul3A : i32
    %add3A = arith.addi %mul3A_0, %arg1 : i32
    %c0_i32 = arith.constant 0 : i32
    %c0_i32_1 = arith.constant 0 : i32
    return %add3A, %c0_i32 : i32, i32
  }
  func.func @transform_4(%arg0: i32, %arg1: i32) -> (i32, i32) {
    %mul3A = arith.constant 5 : i32
    %mul3A_0 = arith.muli %arg0, %mul3A : i32
    %add3A = arith.addi %mul3A_0, %arg1 : i32
    %c0_i32 = arith.constant 0 : i32
    %c0_i32_1 = arith.constant 0 : i32
    return %add3A, %c0_i32 : i32, i32
  }
}

module attributes {stable_mosaic.version = 14 : i64} {
  func.func @_mlp_body(%arg0: i32, %arg1: memref<2000x128xf32, #tpu.memory_space<vmem>>, %arg2: memref<2000x128xf32, #tpu.memory_space<vmem>>, %arg3: memref<2x128x512xf32, #tpu.memory_space<vmem>>, %arg4: memref<1x512xf32, #tpu.memory_space<vmem>>, %arg5: memref<512x256xf32, #tpu.memory_space<vmem>>, %arg6: memref<1x256xf32, #tpu.memory_space<vmem>>, %arg7: memref<2000x256xf32, #tpu.memory_space<vmem>>, %arg8: memref<1x2x256xf32, #tpu.memory_space<vmem>>) attributes {dimension_semantics = [#tpu.dimension_semantics<arbitrary>], iteration_bounds = array<i64: 5>, scalar_prefetch = 0 : i64, scratch_operands = 0 : i64, tpu.core_type = #tpu.core_type<tc>, window_params = [{transform_indices = @transform_0, window_bounds = array<i64: 2000, 128>}, {transform_indices = @transform_1, window_bounds = array<i64: 2000, 128>}, {pipeline_mode = #tpu.pipeline_mode<synchronous>, transform_indices = @transform_2, window_bounds = array<i64: 2, 128, 512>}, {pipeline_mode = #tpu.pipeline_mode<synchronous>, transform_indices = @transform_3, window_bounds = array<i64: 1, 512>}, {pipeline_mode = #tpu.pipeline_mode<synchronous>, transform_indices = @transform_4, window_bounds = array<i64: 512, 256>}, {pipeline_mode = #tpu.pipeline_mode<synchronous>, transform_indices = @transform_5, window_bounds = array<i64: 1, 256>}, {transform_indices = @transform_6, window_bounds = array<i64: 2000, 256>}, {transform_indices = @transform_7, window_bounds = array<i64: 1, 2, 256>}]} {
    %get3A = arith.constant 0 : index
    %get3A_0 = arith.constant 0 : index
    %get3A_1 = vector.load %arg1[%get3A, %get3A_0] : memref<2000x128xf32, #tpu.memory_space<vmem>>, vector<2000x128xf32>
    %get3A_2 = arith.constant 0 : index
    %get3A_3 = arith.constant 0 : index
    %get3A_4 = arith.constant 0 : index
    %get3A_5 = vector.load %arg3[%get3A_2, %get3A_3, %get3A_4] : memref<2x128x512xf32, #tpu.memory_space<vmem>>, vector<1x128x512xf32>
    %get3A_6 = vector.shape_cast %get3A_5 : vector<1x128x512xf32> to vector<128x512xf32>
    %dot_general3A = arith.constant dense<0.000000e+00> : vector<2000x512xf32>
    %dot_general3A_7 = tpu.matmul %get3A_1, %get3A_6, %dot_general3A {dimension_numbers = #tpu.dot_dimension_numbers<[1], [0], [0], [1], [0, 0, 1, 1], [], []>, transpose_lhs_hint = false} : vector<2000x128xf32>, vector<128x512xf32>, vector<2000x512xf32> -> vector<2000x512xf32>
    %get3A_8 = arith.constant 0 : index
    %get3A_9 = arith.constant 0 : index
    %get3A_10 = vector.load %arg2[%get3A_8, %get3A_9] : memref<2000x128xf32, #tpu.memory_space<vmem>>, vector<2000x128xf32>
    %get3A_11 = arith.constant 1 : index
    %get3A_12 = arith.constant 0 : index
    %get3A_13 = arith.constant 0 : index
    %get3A_14 = vector.load %arg3[%get3A_11, %get3A_12, %get3A_13] : memref<2x128x512xf32, #tpu.memory_space<vmem>>, vector<1x128x512xf32>
    %get3A_15 = vector.shape_cast %get3A_14 : vector<1x128x512xf32> to vector<128x512xf32>
    %dot_general3A_16 = arith.constant dense<0.000000e+00> : vector<2000x512xf32>
    %dot_general3A_17 = tpu.matmul %get3A_10, %get3A_15, %dot_general3A_16 {dimension_numbers = #tpu.dot_dimension_numbers<[1], [0], [0], [1], [0, 0, 1, 1], [], []>, transpose_lhs_hint = false} : vector<2000x128xf32>, vector<128x512xf32>, vector<2000x512xf32> -> vector<2000x512xf32>
    %add3A = arith.addf %dot_general3A_7, %dot_general3A_17 : vector<2000x512xf32>
    %get3A_18 = arith.constant 0 : index
    %get3A_19 = arith.constant 0 : index
    %get3A_20 = vector.load %arg4[%get3A_18, %get3A_19] : memref<1x512xf32, #tpu.memory_space<vmem>>, vector<1x512xf32>
    %add3A_21 = vector.broadcast %get3A_20 : vector<1x512xf32> to vector<2000x512xf32>
    %add3A_22 = arith.addf %add3A, %add3A_21 : vector<2000x512xf32>
    %max3A = arith.constant 0.000000e+00 : f32
    %max3A_23 = vector.broadcast %max3A : f32 to vector<2000x512xf32>
    %max3A_24 = arith.maximumf %add3A_22, %max3A_23 : vector<2000x512xf32>
    %get3A_25 = arith.constant 0 : index
    %get3A_26 = arith.constant 0 : index
    %get3A_27 = vector.load %arg5[%get3A_25, %get3A_26] : memref<512x256xf32, #tpu.memory_space<vmem>>, vector<512x256xf32>
    %dot_general3A_28 = arith.constant dense<0.000000e+00> : vector<2000x256xf32>
    %dot_general3A_29 = tpu.matmul %max3A_24, %get3A_27, %dot_general3A_28 {dimension_numbers = #tpu.dot_dimension_numbers<[1], [0], [0], [1], [0, 0, 1, 1], [], []>, transpose_lhs_hint = false} : vector<2000x512xf32>, vector<512x256xf32>, vector<2000x256xf32> -> vector<2000x256xf32>
    %get3A_30 = arith.constant 0 : index
    %get3A_31 = arith.constant 0 : index
    %get3A_32 = vector.load %arg6[%get3A_30, %get3A_31] : memref<1x256xf32, #tpu.memory_space<vmem>>, vector<1x256xf32>
    %add3A_33 = vector.broadcast %get3A_32 : vector<1x256xf32> to vector<2000x256xf32>
    %add3A_34 = arith.addf %dot_general3A_29, %add3A_33 : vector<2000x256xf32>
    %swap3A = arith.constant 0 : index
    %swap3A_35 = arith.constant 0 : index
    %swap3A_36 = vector.load %arg7[%swap3A, %swap3A_35] : memref<2000x256xf32, #tpu.memory_space<vmem>>, vector<2000x256xf32>
    tpu.vector_store %arg7[%swap3A, %swap3A_35], %add3A_34 {strides = array<i32>} : memref<2000x256xf32, #tpu.memory_space<vmem>>, vector<2000x256xf32>,
    %reduce_sum3A = arith.constant dense<0.000000e+00> : vector<256xf32>
    %reduce_sum3A_37 = vector.multi_reduction <add>, %add3A_34, %reduce_sum3A [0] : vector<2000x256xf32> to vector<256xf32>
    %mul3A = arith.constant 5.000000e-04 : f32
    %mul3A_38 = vector.broadcast %mul3A : f32 to vector<256xf32>
    %mul3A_39 = arith.mulf %reduce_sum3A_37, %mul3A_38 : vector<256xf32>
    %broadcast_in_dim3A = vector.shape_cast %mul3A_39 : vector<256xf32> to vector<1x256xf32>
    %sub3A = vector.broadcast %broadcast_in_dim3A : vector<1x256xf32> to vector<2000x256xf32>
    %sub3A_40 = arith.subf %add3A_34, %sub3A : vector<2000x256xf32>
    %swap3A_41 = arith.constant 0 : index
    %swap3A_42 = arith.constant 0 : index
    %swap3A_43 = arith.constant 0 : index
    %swap3A_44 = vector.load %arg8[%swap3A_41, %swap3A_42, %swap3A_43] : memref<1x2x256xf32, #tpu.memory_space<vmem>>, vector<1x1x256xf32>
    %swap3A_45 = vector.shape_cast %swap3A_44 : vector<1x1x256xf32> to vector<256xf32>
    %swap3A_46 = vector.shape_cast %mul3A_39 : vector<256xf32> to vector<1x1x256xf32>
    tpu.vector_store %arg8[%swap3A_41, %swap3A_42, %swap3A_43], %swap3A_46 {strides = array<i32>} : memref<1x2x256xf32, #tpu.memory_space<vmem>>, vector<1x1x256xf32>,
    %mul3A_47 = arith.mulf %sub3A_40, %sub3A_40 : vector<2000x256xf32>
    %reduce_sum3A_48 = arith.constant dense<0.000000e+00> : vector<256xf32>
    %reduce_sum3A_49 = vector.multi_reduction <add>, %mul3A_47, %reduce_sum3A_48 [0] : vector<2000x256xf32> to vector<256xf32>
    %swap3A_50 = arith.constant 0 : index
    %swap3A_51 = arith.constant 1 : index
    %swap3A_52 = arith.constant 0 : index
    %swap3A_53 = vector.load %arg8[%swap3A_50, %swap3A_51, %swap3A_52] : memref<1x2x256xf32, #tpu.memory_space<vmem>>, vector<1x1x256xf32>
    %swap3A_54 = vector.shape_cast %swap3A_53 : vector<1x1x256xf32> to vector<256xf32>
    %swap3A_55 = vector.shape_cast %reduce_sum3A_49 : vector<256xf32> to vector<1x1x256xf32>
    tpu.vector_store %arg8[%swap3A_50, %swap3A_51, %swap3A_52], %swap3A_55 {strides = array<i32>} : memref<1x2x256xf32, #tpu.memory_space<vmem>>, vector<1x1x256xf32>,
    return
  }
  func.func @transform_0(%arg0: i32) -> (i32, i32) {
    %c0_i32 = arith.constant 0 : i32
    %c0_i32_0 = arith.constant 0 : i32
    return %arg0, %c0_i32 : i32, i32
  }
  func.func @transform_1(%arg0: i32) -> (i32, i32) {
    %add3A = arith.constant 5 : i32
    %add3A_0 = arith.addi %add3A, %arg0 : i32
    %c0_i32 = arith.constant 0 : i32
    %c0_i32_1 = arith.constant 0 : i32
    return %add3A_0, %c0_i32 : i32, i32
  }
  func.func @transform_2(%arg0: i32) -> (i32, i32, i32) {
    %c0_i32 = arith.constant 0 : i32
    %c0_i32_0 = arith.constant 0 : i32
    %c0_i32_1 = arith.constant 0 : i32
    %c0_i32_2 = arith.constant 0 : i32
    return %c0_i32, %c0_i32_0, %c0_i32_1 : i32, i32, i32
  }
  func.func @transform_3(%arg0: i32) -> (i32, i32) {
    %c0_i32 = arith.constant 0 : i32
    %c0_i32_0 = arith.constant 0 : i32
    %c0_i32_1 = arith.constant 0 : i32
    return %c0_i32, %c0_i32_0 : i32, i32
  }
  func.func @transform_4(%arg0: i32) -> (i32, i32) {
    %c0_i32 = arith.constant 0 : i32
    %c0_i32_0 = arith.constant 0 : i32
    %c0_i32_1 = arith.constant 0 : i32
    return %c0_i32, %c0_i32_0 : i32, i32
  }
  func.func @transform_5(%arg0: i32) -> (i32, i32) {
    %c0_i32 = arith.constant 0 : i32
    %c0_i32_0 = arith.constant 0 : i32
    %c0_i32_1 = arith.constant 0 : i32
    return %c0_i32, %c0_i32_0 : i32, i32
  }
  func.func @transform_6(%arg0: i32) -> (i32, i32) {
    %c0_i32 = arith.constant 0 : i32
    %c0_i32_0 = arith.constant 0 : i32
    return %arg0, %c0_i32 : i32, i32
  }
  func.func @transform_7(%arg0: i32) -> (i32, i32, i32) {
    %c0_i32 = arith.constant 0 : i32
    %c0_i32_0 = arith.constant 0 : i32
    %c0_i32_1 = arith.constant 0 : i32
    return %arg0, %c0_i32, %c0_i32_0 : i32, i32, i32
  }
}

module attributes {stable_mosaic.version = 14 : i64} {
  func.func @_bn_mid_body(%arg0: i32, %arg1: i32, %arg2: memref<2000x128xf32, #tpu.memory_space<vmem>>, %arg3: memref<5x2x128xf32, #tpu.memory_space<vmem>>, %arg4: memref<2000x128xf32, #tpu.memory_space<vmem>>, %arg5: memref<1x128xf32, #tpu.memory_space<vmem>>, %arg6: memref<1x128xf32, #tpu.memory_space<vmem>>, %arg7: memref<1x5x128xf32, #tpu.memory_space<vmem>>, %arg8: memref<2000x128xf32, #tpu.memory_space<vmem>>, %arg9: memref<10000x128xf32, #tpu.memory_space<vmem>>) attributes {dimension_semantics = [#tpu.dimension_semantics<arbitrary>, #tpu.dimension_semantics<arbitrary>], iteration_bounds = array<i64: 2, 5>, scalar_prefetch = 0 : i64, scratch_operands = 0 : i64, tpu.core_type = #tpu.core_type<tc>, window_params = [{transform_indices = @transform_0, window_bounds = array<i64: 2000, 128>}, {transform_indices = @transform_1, window_bounds = array<i64: 5, 2, 128>}, {transform_indices = @transform_2, window_bounds = array<i64: 2000, 128>}, {transform_indices = @transform_3, window_bounds = array<i64: 1, 128>}, {transform_indices = @transform_4, window_bounds = array<i64: 1, 128>}, {transform_indices = @transform_5, window_bounds = array<i64: 1, 5, 128>}, {transform_indices = @transform_6, window_bounds = array<i64: 2000, 128>}, {transform_indices = @transform_7, window_bounds = array<i64: 10000, 128>}]} {
    %get3A = arith.constant 0 : index
    %get3A_0 = arith.constant 0 : index
    %get3A_1 = arith.constant 0 : index
    %get3A_2 = vector.load %arg3[%get3A, %get3A_0, %get3A_1] : memref<5x2x128xf32, #tpu.memory_space<vmem>>, vector<5x1x128xf32>
    %get3A_3 = vector.shape_cast %get3A_2 : vector<5x1x128xf32> to vector<5x128xf32>
    %get3A_4 = arith.constant 0 : index
    %get3A_5 = arith.constant 1 : index
    %get3A_6 = arith.constant 0 : index
    %get3A_7 = vector.load %arg3[%get3A_4, %get3A_5, %get3A_6] : memref<5x2x128xf32, #tpu.memory_space<vmem>>, vector<5x1x128xf32>
    %get3A_8 = vector.shape_cast %get3A_7 : vector<5x1x128xf32> to vector<5x128xf32>
    %reduce_sum3A = arith.constant dense<0.000000e+00> : vector<128xf32>
    %reduce_sum3A_9 = vector.multi_reduction <add>, %get3A_3, %reduce_sum3A [0] : vector<5x128xf32> to vector<128xf32>
    %mul3A = arith.constant 2.000000e-01 : f32
    %mul3A_10 = vector.broadcast %mul3A : f32 to vector<128xf32>
    %mul3A_11 = arith.mulf %reduce_sum3A_9, %mul3A_10 : vector<128xf32>
    %broadcast_in_dim3A = vector.shape_cast %mul3A_11 : vector<128xf32> to vector<1x128xf32>
    %sub3A = vector.broadcast %broadcast_in_dim3A : vector<1x128xf32> to vector<5x128xf32>
    %sub3A_12 = arith.subf %get3A_3, %sub3A : vector<5x128xf32>
    %reduce_sum3A_13 = arith.constant dense<0.000000e+00> : vector<128xf32>
    %reduce_sum3A_14 = vector.multi_reduction <add>, %get3A_8, %reduce_sum3A_13 [0] : vector<5x128xf32> to vector<128xf32>
    %mul3A_15 = arith.mulf %sub3A_12, %sub3A_12 : vector<5x128xf32>
    %reduce_sum3A_16 = arith.constant dense<0.000000e+00> : vector<128xf32>
    %reduce_sum3A_17 = vector.multi_reduction <add>, %mul3A_15, %reduce_sum3A_16 [0] : vector<5x128xf32> to vector<128xf32>
    %mul3A_18 = arith.constant 2.000000e+03 : f32
    %mul3A_19 = vector.broadcast %mul3A_18 : f32 to vector<128xf32>
    %mul3A_20 = arith.mulf %mul3A_19, %reduce_sum3A_17 : vector<128xf32>
    %add3A = arith.addf %reduce_sum3A_14, %mul3A_20 : vector<128xf32>
    %mul3A_21 = arith.constant 9.99999974E-5 : f32
    %mul3A_22 = vector.broadcast %mul3A_21 : f32 to vector<128xf32>
    %mul3A_23 = arith.mulf %add3A, %mul3A_22 : vector<128xf32>
    %add3A_24 = arith.constant 9.99999974E-6 : f32
    %add3A_25 = vector.broadcast %add3A_24 : f32 to vector<128xf32>
    %add3A_26 = arith.addf %mul3A_23, %add3A_25 : vector<128xf32>
    %rsqrt3A = math.rsqrt %add3A_26 : vector<128xf32>
    %get3A_27 = arith.constant 0 : index
    %get3A_28 = arith.constant 0 : index
    %get3A_29 = vector.load %arg2[%get3A_27, %get3A_28] : memref<2000x128xf32, #tpu.memory_space<vmem>>, vector<2000x128xf32>
    %broadcast_in_dim3A_30 = vector.shape_cast %mul3A_11 : vector<128xf32> to vector<1x128xf32>
    %sub3A_31 = vector.broadcast %broadcast_in_dim3A_30 : vector<1x128xf32> to vector<2000x128xf32>
    %sub3A_32 = arith.subf %get3A_29, %sub3A_31 : vector<2000x128xf32>
    %get3A_33 = arith.constant 0 : index
    %get3A_34 = arith.constant 0 : index
    %get3A_35 = vector.load %arg5[%get3A_33, %get3A_34] : memref<1x128xf32, #tpu.memory_space<vmem>>, vector<1x128xf32>
    %get3A_36 = vector.shape_cast %get3A_35 : vector<1x128xf32> to vector<128xf32>
    %mul3A_37 = arith.mulf %rsqrt3A, %get3A_36 : vector<128xf32>
    %broadcast_in_dim3A_38 = vector.shape_cast %mul3A_37 : vector<128xf32> to vector<1x128xf32>
    %mul3A_39 = vector.broadcast %broadcast_in_dim3A_38 : vector<1x128xf32> to vector<2000x128xf32>
    %mul3A_40 = arith.mulf %sub3A_32, %mul3A_39 : vector<2000x128xf32>
    %get3A_41 = arith.constant 0 : index
    %get3A_42 = arith.constant 0 : index
    %get3A_43 = vector.load %arg6[%get3A_41, %get3A_42] : memref<1x128xf32, #tpu.memory_space<vmem>>, vector<1x128xf32>
    %get3A_44 = vector.shape_cast %get3A_43 : vector<1x128xf32> to vector<128xf32>
    %broadcast_in_dim3A_45 = vector.shape_cast %get3A_44 : vector<128xf32> to vector<1x128xf32>
    %add3A_46 = vector.broadcast %broadcast_in_dim3A_45 : vector<1x128xf32> to vector<2000x128xf32>
    %add3A_47 = arith.addf %mul3A_40, %add3A_46 : vector<2000x128xf32>
    %max3A = arith.constant 0.000000e+00 : f32
    %max3A_48 = vector.broadcast %max3A : f32 to vector<2000x128xf32>
    %max3A_49 = arith.maximumf %add3A_47, %max3A_48 : vector<2000x128xf32>
    %get3A_50 = arith.constant 0 : index
    %get3A_51 = arith.constant 0 : index
    %get3A_52 = vector.load %arg4[%get3A_50, %get3A_51] : memref<2000x128xf32, #tpu.memory_space<vmem>>, vector<2000x128xf32>
    %add3A_53 = arith.addf %max3A_49, %get3A_52 : vector<2000x128xf32>
    %swap3A = arith.constant 0 : index
    %swap3A_54 = arith.constant 0 : index
    %swap3A_55 = vector.load %arg8[%swap3A, %swap3A_54] : memref<2000x128xf32, #tpu.memory_space<vmem>>, vector<2000x128xf32>
    tpu.vector_store %arg8[%swap3A, %swap3A_54], %add3A_53 {strides = array<i32>} : memref<2000x128xf32, #tpu.memory_space<vmem>>, vector<2000x128xf32>,
    %broadcast_in_dim3A_56 = vector.shape_cast %add3A_53 : vector<2000x128xf32> to vector<2000x1x128xf32>
    %get3A_57 = arith.constant 0 : index
    %get3A_58 = arith.constant 0 : index
    %get3A_59 = arith.constant 0 : index
    %get3A_60 = vector.load %arg7[%get3A_57, %get3A_58, %get3A_59] : memref<1x5x128xf32, #tpu.memory_space<vmem>>, vector<1x5x128xf32>
    %get3A_61 = vector.shape_cast %get3A_60 : vector<1x5x128xf32> to vector<5x128xf32>
    %broadcast_in_dim3A_62 = vector.shape_cast %get3A_61 : vector<5x128xf32> to vector<1x5x128xf32>
    %add3A_63 = vector.broadcast %broadcast_in_dim3A_56 : vector<2000x1x128xf32> to vector<2000x5x128xf32>
    %add3A_64 = vector.broadcast %broadcast_in_dim3A_62 : vector<1x5x128xf32> to vector<2000x5x128xf32>
    %add3A_65 = arith.addf %add3A_63, %add3A_64 : vector<2000x5x128xf32>
    %max3A_66 = arith.constant 0.000000e+00 : f32
    %max3A_67 = vector.broadcast %max3A_66 : f32 to vector<2000x5x128xf32>
    %max3A_68 = arith.maximumf %add3A_65, %max3A_67 : vector<2000x5x128xf32>
    %reshape3A = vector.shape_cast %max3A_68 : vector<2000x5x128xf32> to vector<10000x128xf32>
    %swap3A_69 = arith.constant 0 : index
    %swap3A_70 = arith.constant 0 : index
    %swap3A_71 = vector.load %arg9[%swap3A_69, %swap3A_70] : memref<10000x128xf32, #tpu.memory_space<vmem>>, vector<10000x128xf32>
    tpu.vector_store %arg9[%swap3A_69, %swap3A_70], %reshape3A {strides = array<i32>} : memref<10000x128xf32, #tpu.memory_space<vmem>>, vector<10000x128xf32>,
    return
  }
  func.func @transform_0(%arg0: i32, %arg1: i32) -> (i32, i32) {
    %c0_i32 = arith.constant 0 : i32
    return %arg1, %arg0 : i32, i32
  }
  func.func @transform_1(%arg0: i32, %arg1: i32) -> (i32, i32, i32) {
    %c0_i32 = arith.constant 0 : i32
    %c0_i32_0 = arith.constant 0 : i32
    %c0_i32_1 = arith.constant 0 : i32
    return %c0_i32, %c0_i32_0, %arg0 : i32, i32, i32
  }
  func.func @transform_2(%arg0: i32, %arg1: i32) -> (i32, i32) {
    %mul3A = arith.constant 5 : i32
    %mul3A_0 = arith.muli %arg0, %mul3A : i32
    %add3A = arith.addi %mul3A_0, %arg1 : i32
    %c0_i32 = arith.constant 0 : i32
    %c0_i32_1 = arith.constant 0 : i32
    return %add3A, %c0_i32 : i32, i32
  }
  func.func @transform_3(%arg0: i32, %arg1: i32) -> (i32, i32) {
    %c0_i32 = arith.constant 0 : i32
    %c0_i32_0 = arith.constant 0 : i32
    return %c0_i32, %arg0 : i32, i32
  }
  func.func @transform_4(%arg0: i32, %arg1: i32) -> (i32, i32) {
    %c0_i32 = arith.constant 0 : i32
    %c0_i32_0 = arith.constant 0 : i32
    return %c0_i32, %arg0 : i32, i32
  }
  func.func @transform_5(%arg0: i32, %arg1: i32) -> (i32, i32, i32) {
    %c0_i32 = arith.constant 0 : i32
    %c0_i32_0 = arith.constant 0 : i32
    %c0_i32_1 = arith.constant 0 : i32
    return %arg0, %c0_i32, %c0_i32_0 : i32, i32, i32
  }
  func.func @transform_6(%arg0: i32, %arg1: i32) -> (i32, i32) {
    %mul3A = arith.constant 5 : i32
    %mul3A_0 = arith.muli %arg0, %mul3A : i32
    %add3A = arith.addi %mul3A_0, %arg1 : i32
    %c0_i32 = arith.constant 0 : i32
    %c0_i32_1 = arith.constant 0 : i32
    return %add3A, %c0_i32 : i32, i32
  }
  func.func @transform_7(%arg0: i32, %arg1: i32) -> (i32, i32) {
    %mul3A = arith.constant 5 : i32
    %mul3A_0 = arith.muli %arg0, %mul3A : i32
    %add3A = arith.addi %mul3A_0, %arg1 : i32
    %c0_i32 = arith.constant 0 : i32
    %c0_i32_1 = arith.constant 0 : i32
    return %add3A, %c0_i32 : i32, i32
  }
}

module attributes {stable_mosaic.version = 14 : i64} {
  func.func @_bn_final_body(%arg0: i32, %arg1: i32, %arg2: memref<2000x128xf32, #tpu.memory_space<vmem>>, %arg3: memref<5x2x128xf32, #tpu.memory_space<vmem>>, %arg4: memref<2000x128xf32, #tpu.memory_space<vmem>>, %arg5: memref<1x128xf32, #tpu.memory_space<vmem>>, %arg6: memref<1x128xf32, #tpu.memory_space<vmem>>, %arg7: memref<2000x128xf32, #tpu.memory_space<vmem>>) attributes {dimension_semantics = [#tpu.dimension_semantics<arbitrary>, #tpu.dimension_semantics<arbitrary>], iteration_bounds = array<i64: 2, 5>, scalar_prefetch = 0 : i64, scratch_operands = 0 : i64, tpu.core_type = #tpu.core_type<tc>, window_params = [{transform_indices = @transform_0, window_bounds = array<i64: 2000, 128>}, {transform_indices = @transform_1, window_bounds = array<i64: 5, 2, 128>}, {transform_indices = @transform_2, window_bounds = array<i64: 2000, 128>}, {transform_indices = @transform_3, window_bounds = array<i64: 1, 128>}, {transform_indices = @transform_4, window_bounds = array<i64: 1, 128>}, {transform_indices = @transform_5, window_bounds = array<i64: 2000, 128>}]} {
    %get3A = arith.constant 0 : index
    %get3A_0 = arith.constant 0 : index
    %get3A_1 = arith.constant 0 : index
    %get3A_2 = vector.load %arg3[%get3A, %get3A_0, %get3A_1] : memref<5x2x128xf32, #tpu.memory_space<vmem>>, vector<5x1x128xf32>
    %get3A_3 = vector.shape_cast %get3A_2 : vector<5x1x128xf32> to vector<5x128xf32>
    %get3A_4 = arith.constant 0 : index
    %get3A_5 = arith.constant 1 : index
    %get3A_6 = arith.constant 0 : index
    %get3A_7 = vector.load %arg3[%get3A_4, %get3A_5, %get3A_6] : memref<5x2x128xf32, #tpu.memory_space<vmem>>, vector<5x1x128xf32>
    %get3A_8 = vector.shape_cast %get3A_7 : vector<5x1x128xf32> to vector<5x128xf32>
    %reduce_sum3A = arith.constant dense<0.000000e+00> : vector<128xf32>
    %reduce_sum3A_9 = vector.multi_reduction <add>, %get3A_3, %reduce_sum3A [0] : vector<5x128xf32> to vector<128xf32>
    %mul3A = arith.constant 2.000000e-01 : f32
    %mul3A_10 = vector.broadcast %mul3A : f32 to vector<128xf32>
    %mul3A_11 = arith.mulf %reduce_sum3A_9, %mul3A_10 : vector<128xf32>
    %broadcast_in_dim3A = vector.shape_cast %mul3A_11 : vector<128xf32> to vector<1x128xf32>
    %sub3A = vector.broadcast %broadcast_in_dim3A : vector<1x128xf32> to vector<5x128xf32>
    %sub3A_12 = arith.subf %get3A_3, %sub3A : vector<5x128xf32>
    %reduce_sum3A_13 = arith.constant dense<0.000000e+00> : vector<128xf32>
    %reduce_sum3A_14 = vector.multi_reduction <add>, %get3A_8, %reduce_sum3A_13 [0] : vector<5x128xf32> to vector<128xf32>
    %mul3A_15 = arith.mulf %sub3A_12, %sub3A_12 : vector<5x128xf32>
    %reduce_sum3A_16 = arith.constant dense<0.000000e+00> : vector<128xf32>
    %reduce_sum3A_17 = vector.multi_reduction <add>, %mul3A_15, %reduce_sum3A_16 [0] : vector<5x128xf32> to vector<128xf32>
    %mul3A_18 = arith.constant 2.000000e+03 : f32
    %mul3A_19 = vector.broadcast %mul3A_18 : f32 to vector<128xf32>
    %mul3A_20 = arith.mulf %mul3A_19, %reduce_sum3A_17 : vector<128xf32>
    %add3A = arith.addf %reduce_sum3A_14, %mul3A_20 : vector<128xf32>
    %mul3A_21 = arith.constant 9.99999974E-5 : f32
    %mul3A_22 = vector.broadcast %mul3A_21 : f32 to vector<128xf32>
    %mul3A_23 = arith.mulf %add3A, %mul3A_22 : vector<128xf32>
    %add3A_24 = arith.constant 9.99999974E-6 : f32
    %add3A_25 = vector.broadcast %add3A_24 : f32 to vector<128xf32>
    %add3A_26 = arith.addf %mul3A_23, %add3A_25 : vector<128xf32>
    %rsqrt3A = math.rsqrt %add3A_26 : vector<128xf32>
    %get3A_27 = arith.constant 0 : index
    %get3A_28 = arith.constant 0 : index
    %get3A_29 = vector.load %arg2[%get3A_27, %get3A_28] : memref<2000x128xf32, #tpu.memory_space<vmem>>, vector<2000x128xf32>
    %broadcast_in_dim3A_30 = vector.shape_cast %mul3A_11 : vector<128xf32> to vector<1x128xf32>
    %sub3A_31 = vector.broadcast %broadcast_in_dim3A_30 : vector<1x128xf32> to vector<2000x128xf32>
    %sub3A_32 = arith.subf %get3A_29, %sub3A_31 : vector<2000x128xf32>
    %get3A_33 = arith.constant 0 : index
    %get3A_34 = arith.constant 0 : index
    %get3A_35 = vector.load %arg5[%get3A_33, %get3A_34] : memref<1x128xf32, #tpu.memory_space<vmem>>, vector<1x128xf32>
    %get3A_36 = vector.shape_cast %get3A_35 : vector<1x128xf32> to vector<128xf32>
    %mul3A_37 = arith.mulf %rsqrt3A, %get3A_36 : vector<128xf32>
    %broadcast_in_dim3A_38 = vector.shape_cast %mul3A_37 : vector<128xf32> to vector<1x128xf32>
    %mul3A_39 = vector.broadcast %broadcast_in_dim3A_38 : vector<1x128xf32> to vector<2000x128xf32>
    %mul3A_40 = arith.mulf %sub3A_32, %mul3A_39 : vector<2000x128xf32>
    %get3A_41 = arith.constant 0 : index
    %get3A_42 = arith.constant 0 : index
    %get3A_43 = vector.load %arg6[%get3A_41, %get3A_42] : memref<1x128xf32, #tpu.memory_space<vmem>>, vector<1x128xf32>
    %get3A_44 = vector.shape_cast %get3A_43 : vector<1x128xf32> to vector<128xf32>
    %broadcast_in_dim3A_45 = vector.shape_cast %get3A_44 : vector<128xf32> to vector<1x128xf32>
    %add3A_46 = vector.broadcast %broadcast_in_dim3A_45 : vector<1x128xf32> to vector<2000x128xf32>
    %add3A_47 = arith.addf %mul3A_40, %add3A_46 : vector<2000x128xf32>
    %max3A = arith.constant 0.000000e+00 : f32
    %max3A_48 = vector.broadcast %max3A : f32 to vector<2000x128xf32>
    %max3A_49 = arith.maximumf %add3A_47, %max3A_48 : vector<2000x128xf32>
    %get3A_50 = arith.constant 0 : index
    %get3A_51 = arith.constant 0 : index
    %get3A_52 = vector.load %arg4[%get3A_50, %get3A_51] : memref<2000x128xf32, #tpu.memory_space<vmem>>, vector<2000x128xf32>
    %add3A_53 = arith.addf %max3A_49, %get3A_52 : vector<2000x128xf32>
    %swap3A = arith.constant 0 : index
    %swap3A_54 = arith.constant 0 : index
    %swap3A_55 = vector.load %arg7[%swap3A, %swap3A_54] : memref<2000x128xf32, #tpu.memory_space<vmem>>, vector<2000x128xf32>
    tpu.vector_store %arg7[%swap3A, %swap3A_54], %add3A_53 {strides = array<i32>} : memref<2000x128xf32, #tpu.memory_space<vmem>>, vector<2000x128xf32>,
    return
  }
  func.func @transform_0(%arg0: i32, %arg1: i32) -> (i32, i32) {
    %c0_i32 = arith.constant 0 : i32
    return %arg1, %arg0 : i32, i32
  }
  func.func @transform_1(%arg0: i32, %arg1: i32) -> (i32, i32, i32) {
    %c0_i32 = arith.constant 0 : i32
    %c0_i32_0 = arith.constant 0 : i32
    %c0_i32_1 = arith.constant 0 : i32
    return %c0_i32, %c0_i32_0, %arg0 : i32, i32, i32
  }
  func.func @transform_2(%arg0: i32, %arg1: i32) -> (i32, i32) {
    %mul3A = arith.constant 5 : i32
    %mul3A_0 = arith.muli %arg0, %mul3A : i32
    %add3A = arith.addi %mul3A_0, %arg1 : i32
    %c0_i32 = arith.constant 0 : i32
    %c0_i32_1 = arith.constant 0 : i32
    return %add3A, %c0_i32 : i32, i32
  }
  func.func @transform_3(%arg0: i32, %arg1: i32) -> (i32, i32) {
    %c0_i32 = arith.constant 0 : i32
    %c0_i32_0 = arith.constant 0 : i32
    return %c0_i32, %arg0 : i32, i32
  }
  func.func @transform_4(%arg0: i32, %arg1: i32) -> (i32, i32) {
    %c0_i32 = arith.constant 0 : i32
    %c0_i32_0 = arith.constant 0 : i32
    return %c0_i32, %arg0 : i32, i32
  }
  func.func @transform_5(%arg0: i32, %arg1: i32) -> (i32, i32) {
    %c0_i32 = arith.constant 0 : i32
    return %arg1, %arg0 : i32, i32
  }
}

</mosaic_0001>

<sc_bundles>
// kernel: kernel.15.cloned.1.call-start
scs
__scs_entry_jumppad:
0x0: {  	(pc) =	sbr.rel $0x88, $3  }
0x1: {  	(tag) =	ssettag $0x0;
	lr =	simm.s32 $0x1  }
0x2: {  	[smem:$0x3F96] =	sst lr;
	_ =	strace $0xD0000000  }
0x3: {  	_ = 	snop  }
0x4: {  	_ = 	snop  }
0x5: {  	_ = 	snop  }
0x6: {  	_ = 	snop  }
0x7: {  	_ = 	snop  }
__scs_overlays_trampoline_lowered:
0x8: {  	[smem:$0x3FA5] =	sst s0  }
0x9: {  	[smem:$0x3FA6] =	sst s1  }
0xa: {  	[smem:$0x3FA7] =	sst s2  }
0xb: {  	[smem:$0x3FA8] =	sst s3  }
0xc: {  	[smem:$0x3FA9] =	sst s4  }
0xd: {  	[smem:$0x3FAA] =	sst s5  }
0xe: {  	[smem:$0x3FAB] =	sst s6  }
0xf: {  	[smem:$0x3FAC] =	sst s7  }
0x10: {  	[smem:$0x3FAD] =	sst s8  }
0x11: {  	[smem:$0x3FAE] =	sst s9;
	s0 =	simm.s32 @!p0 $0x0  }
0x12: {  	s1 =	sld [smem:$0x3F94];
	s0 =	simm.s32 @p0 $0x1  }
0x13: {  	[smem:$0x3FAF] =	sst s0;
	s0 =	simm.s32 @!p1 $0x0  }
0x14: {  	s2 =	sld [smem:$0x3F93];
	s0 =	simm.s32 @p1 $0x1  }
0x15: {  	[smem:$0x3FB0] =	sst s0;
	s0 =	simm.s32 @!p2 $0x0  }
0x16: {  	s3 =	sld [smem:$0x3FDB];
	s0 =	simm.s32 @p2 $0x1  }
0x17: {  	s4 =	simm.s32 $0x1BF5;
	[smem:$0x3FB2] =	sst s0  }
0x18: {  	s0 =	sld [smem:$0x3F95];
	_ =	swait.ge [sflag:s4], $0x0  }
0x19: {  	s7 =	sld [smem:$0x3F96]  }
0x1a: {  	s8 =	sadd.s32 $0xFFFFE003, lr  }
0x1b: {  	s9 =	sadd.s32 $0xFFFFFEF7, lr;
	s5 =	simm.s32 $0xFFFFFFFF;
	p2 =	slt.u32 s8, $0xFFFFF086  }
0x1c: {  	p1 =	slt.u32 s9, $0xF7A;
	s5 =	simm.s32 @!p2 $0x0  }
0x1d: {  	s5 =	simm.s32 @p1 $0x1;
	p0 =	seq.s32 s7, s2  }
0x1e: {  	s7 =	smul.u32 @!p0 $0xF7A, s2;
	p2 =	seq.s32 @!p0 s5, $0x0  }
0x1f: {  	s9 =	smul.u32 $0xF7A, s1;
	s8 =	simm.s32 @!p0 $0x1BF5;
	p2 =	por !p2, p0  }
0x20: {  	[sflag:s8] =	ssyncset.s32 @!p0 $0xFFFFF086;
	s6 =	sadd.s32 @!p0 s3, s7;
	s7 =	simm.s32 @!p0 $0x108  }
0x21: {  	s3 =	sadd.s32 s3, s9;
	s6 =	sadd.s32 @!p0 $0x88, s6;
	s7 =	simm.s32 @p2 $0x1082  }
0x22: {  	[simem:s7], [sflag:s8] =	dma.local @!p0 [hbm:s6], $0xF7A  }
0x23: {  	s9 =	sor.u32 $0xD0000000, s2;
	s6 =	simm.s32 $0x108;
	_ =	swait.ge @!p0 [sflag:s8], $0x0  }
0x24: {  	s3 =	sadd.s32 $0x88, s3;
	s6 =	simm.s32 @!p1 $0x1082;
	[sflag:s4] =	ssyncset.s32 $0xFFFFF086  }
0x25: {  	[simem:s6], [sflag:s4] =	dma.local [hbm:s3], $0xF7A  }
0x26: {  	[smem:$0x3F96] =	sst s1;
	(tag) =	ssettag s2;
	_ =	strace s9  }
0x27: {  	s1 =	sld [smem:$0x3FA6]  }
0x28: {  	s2 =	sld [smem:$0x3FA7]  }
0x29: {  	s4 =	sld [smem:$0x3FA9]  }
0x2a: {  	p0 =	seq.s32 s5, $0x0;
	s5 =	sld [smem:$0x3FAA]  }
0x2b: {  	s6 =	sld [smem:$0x3FAB]  }
0x2c: {  	s7 =	sld [smem:$0x3FAC]  }
0x2d: {  	s3 =	simm.s32 $0x108;
	s8 =	sld [smem:$0x3FAD]  }
0x2e: {  	s3 =	simm.s32 @!p0 $0x1082;
	s9 =	sld [smem:$0x3FAE]  }
0x2f: {  	lr =	sadd.s32 s0, s3;
	s0 =	sld [smem:$0x3FA5]  }
0x30: {  	s3 =	sld [smem:$0x3FA8]  }
0x31: {  	[smem:$0x3FB1] =	sst s10  }
0x32: {  	s10 =	sld [smem:$0x3FAF];
	_ =	sdelay $0x3  }
0x33: {  	p0 =	seq.s32 s10, $0x1;
	s10 =	sld [smem:$0x3FB1];
	_ =	sdelay $0x3  }
0x34: {  	[smem:$0x3FB1] =	sst s10  }
0x35: {  	s10 =	sld [smem:$0x3FB0];
	_ =	sdelay $0x3  }
0x36: {  	p1 =	seq.s32 s10, $0x1;
	s10 =	sld [smem:$0x3FB1];
	_ =	sdelay $0x3  }
0x37: {  	[smem:$0x3FB1] =	sst s10  }
0x38: {  	s10 =	sld [smem:$0x3FB2]  }
0x39: {  	_ = 	snop;
	(pc) =	sbr.ind lr, $3  }
0x3a: {  	_ = 	snop  }
0x3b: {  	_ = 	snop  }
0x3c: {  	p2 =	seq.s32 s10, $0x1;
	s10 =	sld [smem:$0x3FB1]  }
0x3d: {  	_ =	shalt  }
0x3e: {  	_ =	shalt  }
0x3f: {  	_ =	shalt  }
0x40: {  	_ =	shalt  }
0x41: {  	_ =	shalt  }
0x42: {  	_ =	shalt  }
0x43: {  	_ =	shalt  }
0x44: {  	_ =	shalt  }
0x45: {  	_ =	shalt  }
0x46: {  	_ =	shalt  }
0x47: {  	_ =	shalt  }
0x48: {  	_ =	shalt  }
0x49: {  	_ =	shalt  }
0x4a: {  	_ =	shalt  }
0x4b: {  	_ =	shalt  }
0x4c: {  	_ =	shalt  }
0x4d: {  	_ =	shalt  }
0x4e: {  	_ =	shalt  }
0x4f: {  	_ =	shalt  }
0x50: {  	_ =	shalt  }
0x51: {  	_ =	shalt  }
0x52: {  	_ =	shalt  }
0x53: {  	_ =	shalt  }
0x54: {  	_ =	shalt  }
0x55: {  	_ =	shalt  }
0x56: {  	_ =	shalt  }
0x57: {  	_ =	shalt  }
0x58: {  	_ =	shalt  }
0x59: {  	_ =	shalt  }
0x5a: {  	_ =	shalt  }
0x5b: {  	_ =	shalt  }
0x5c: {  	_ =	shalt  }
0x5d: {  	_ =	shalt  }
0x5e: {  	_ =	shalt  }
0x5f: {  	_ =	shalt  }
0x60: {  	_ =	shalt  }
0x61: {  	_ =	shalt  }
0x62: {  	_ =	shalt  }
0x63: {  	_ =	shalt  }
0x64: {  	_ =	shalt  }
0x65: {  	_ =	shalt  }
0x66: {  	_ =	shalt  }
0x67: {  	_ =	shalt  }
0x68: {  	_ =	shalt  }
0x69: {  	_ =	shalt  }
0x6a: {  	_ =	shalt  }
0x6b: {  	_ =	shalt  }
0x6c: {  	_ =	shalt  }
0x6d: {  	_ =	shalt  }
0x6e: {  	_ =	shalt  }
0x6f: {  	_ =	shalt  }
0x70: {  	_ =	shalt  }
0x71: {  	_ =	shalt  }
0x72: {  	_ =	shalt  }
0x73: {  	_ =	shalt  }
0x74: {  	_ =	shalt  }
0x75: {  	_ =	shalt  }
0x76: {  	_ =	shalt  }
0x77: {  	_ =	shalt  }
0x78: {  	_ =	shalt  }
0x79: {  	_ =	shalt  }
0x7a: {  	_ =	shalt  }
0x7b: {  	_ =	shalt  }
0x7c: {  	_ =	shalt  }
0x7d: {  	_ =	shalt  }
0x7e: {  	_ =	shalt  }
0x7f: {  	_ =	shalt  }
0x80: {  	_ =	shalt  }
0x81: {  	_ =	shalt  }
0x82: {  	_ =	shalt  }
0x83: {  	_ =	shalt  }
0x84: {  	_ =	shalt  }
0x85: {  	_ =	shalt  }
0x86: {  	_ =	shalt  }
0x87: {  	_ =	shalt  }
.Lfunc_end0:
.L_simem_size_0:
called_computation_lowered:
.L_overlay_start_0:
0x88: {  	s2 =	sld [smem:$0x3FD9]  }
0x89: {  	s3 =	sld [smem:$0x3FFE];
	_ =	sdelay $0x1  }
0x8a: {  	s1 =	srdreg.scid  }
0x8b: {  	s0 =	sand.u32 $0x1, s1  }
0x8c: {  	s17 =	sshll.u32 s0, $0xA;
	s2 =	sadd.s32 s3, s2  }
0x8d: {  	s2 =	sadd.s32 s2, s17  }
0x8e: {  	[smem:$0x3FBD] =	sst s2  }
0x8f: {  	_ = 	snop  }
0x90: {  	s2 =	sld [smem:$0x3FD0];
	(tm) =	ssettm $0x1  }
0x91: {  	s18 =	sld [smem:$0x3FFB];
	_ =	sdelay $0x3  }
0x92: {  	_ =	strace s18  }
0x93: {  	s3 =	sld [smem:$0x3FFC];
	_ =	sdelay $0x3  }
0x94: {  	_ =	strace s3  }
0x95: {  	s3 =	sld [smem:$0x3FFD];
	_ =	sdelay $0x3  }
0x96: {  	_ =	strace s3  }
0x97: {  	_ =	strace $0x8FFFFFFF  }
0x98: {  	s19 =	sld [smem:$0x3FDB];
	_ =	sdelay $0x1  }
0x99: {  	s4 =	simm.s32 $_scs_section_size  }
0x9a: {  	s5 =	simm.s32 $_size__tile_overlayer_lowered;
	s6 =	simm.s32 $_tile_overlayer_lowered  }
0x9b: {  	s22 =	simm.s32 $0x1BFF;
	s21 =	sshll.u32 s6, $0x1;
	s3 =	sadd.s32 s4, s19  }
0x9c: {  	s7 =	simm.s32 $0x0;
	s20 =	sshll.u32 s5, $0x1;
	s5 =	sadd.s32 s21, s3  }
0x9d: {  	[timem:s7], [sflag:s22] =	dma.local [hbm:s5], s20  }
0x9e: {  	_ =	swait.ge [sflag:s22], s20  }
0x9f: {  	s4 =	ssub.s32 $0x0, s20;
	[sflag:s22] =	ssyncset.done $0x0  }
0xa0: {  	[sflag:s22] =	ssyncadd.s32 s4;
	_ =	sdelay $0x1  }
0xa1: {  	s23 =	simm.s32 $0x1B8B  }
0xa2: {  	_ =	swait.ge [sflag:s23], $0x1  }
0xa3: {  	[sflag:s23] =	ssyncset.done $0x0  }
0xa4: {  	s25 =	simm.s32 $0x1B8E;
	s24 =	sld [smem:$0x3FFE];
	[sflag:s23] =	ssyncadd.s32 $0xFFFFFFFF  }
0xa5: {  	s26 =	simm.s32 $execute0_lowered;
	[smem:$0x3FD2] =	sst s25  }
0xa6: {  	s5 =	sshll.u32 s26, $0x1;
	_ =	strace $0x80000046;
	[dreg:$0x1] =	wrdreg $0xFFFFFFFF  }
0xa7: {  	s28 =	simm.s32 $_size_execute0_lowered;
	s3 =	sadd.s32 s3, s5;
	[dreg:$0x0] =	wrdreg $0x0  }
0xa8: {  	s5 =	sshll.u32 s28, $0x1;
	[dreg:$0x2] =	wrdreg s3  }
0xa9: {  	[dreg:$0x3] =	wrdreg s5  }
0xaa: {  	[dreg:$0x4] =	wrdreg $0xC0  }
0xab: {  	_ =	task [dreg:s7], $0x5FFFF  }
0xac: {  	[dreg:$0x1] =	wrdreg $0xFFFFFFFF  }
0xad: {  	[dreg:$0x0] =	wrdreg $0x60  }
0xae: {  	[dreg:$0x2] =	wrdreg s2  }
0xaf: {  	[dreg:$0x3] =	wrdreg s24  }
0xb0: {  	[dreg:$0x4] =	wrdreg $0x80000  }
0xb1: {  	[dreg:$0x5] =	wrdreg $0x9  }
0xb2: {  	_ =	task.clear_ibuf [dreg:s7], $0x6FFFF;
	_ =	strace $0x90000046  }
0xb3: {  	s29 =	simm.s32 $0x9;
	_ =	strace $0x80000048  }
0xb4: {  	_ =	swait.ge [sflag:s29], $0x1  }
0xb5: {  	[sflag:s29] =	ssyncadd.s32 $0xFFFFFFFF  }
0xb6: {  	_ =	strace $0x90000048  }
0xb7: {  	_ =	sfence  }
0xb8: {  	s30 =	sld [smem:$0x0];
	_ =	sdelay $0x2  }
0xb9: {  	s31 =	sshll.u32 s1, $0xD;
	s1 =	sshrl.u32 s1, $0x2  }
0xba: {  	s3 =	sand.u32 $0x4000, s31;
	s1 =	sadd.s32 s1, s30  }
0xbb: {  	s0 =	sor.u32 s3, s0;
	s1 =	sshll.u32 s1, $0x11  }
0xbc: {  	s0 =	sor.u32 s1, s0  }
0xbd: {  	s0 =	sadd.s32 $0x8F2B, s0  }
0xbe: {  	[sflag:s0] =	ssyncadd.remote.s32 $0x1  }
0xbf: {  	_ =	sfence.sel $0xFFFF  }
0xc0: {  	[dreg:$0x0] =	wrdreg $0xFFFFFFFF;
	(pc) =	sbr.abs _section_cstart, $3  }
0xc1: {  	[dreg:$0x1] =	wrdreg $0xFFFFFFFF  }
0xc2: {  	_ =	task.clear_ibuf [dreg:s7], $0x2FFFF;
	_ =	strace $0x9FFFFFFF  }
0xc3: {  	(tm) =	ssettm $0x7FFFFFFF  }
tec
execute0_lowered:
.L_overlay_start_1:
0x0: {  	(tag) =	ssettag $0x1  }
0x1: {  	s10 =	rddreg [dreg:$0x0]  }
0x2: {  	s7 =	rddreg [dreg:$0x1]  }
0x3: {  	s1 =	rddreg [dreg:$0x2]  }
0x4: {  	s2 =	simm.s32 $0x0;
	s3 =	srdreg.scid;
	s0 =	stileid.u32  }
0x5: {  	s19 =	simm.s32 $0x1800;
	s20 =	simm.s32 $0x2;
	s21 =	simm.s32 $0x1580  }
0x6: {  	s22 =	simm.s32 $0x4C00;
	s23 =	simm.s32 $0x0;
	[smem:$0x7FF] =	sst s2  }
0x7: {  	s8 =	sand.u32 $0x1, s3;
	s4 =	sadd.s32 $0x1CA00, s7;
	s12 =	smul.u32 $0x270, s0  }
0x8: {  	s5 =	sadd.s32 $0xDA00, s7;
	s6 =	sadd.s32 $0x6200, s7;
	s14 =	smul.u32 $0x4E000, s0  }
0x9: {  	s15 =	sadd.s32 $0x1A3400, s7;
	s30 =	sshll.u32 s0, $0x6;
	s9 =	smul.u32 $0x2710, s8  }
0xa: {  	s18 =	sadd.s32 $0x138000, s1;
	p0 =	sne.s32 s0, $0xF;
	s26 =	smul.u32 $0x138800, s8  }
0xb: {  	_ =	strace $0x80000047;
	s11 =	ssub.s32 $0x2, s8;
	s29 =	smul.u32 $0x3C000, s8  }
0xc: {  	s8 =	smul.u32 $0x3C00, s0;
	s13 =	sshrl.u32 s11, $0x1;
	s25 =	sshrl.u32 s14, $0x2  }
0xd: {  	s16 =	ssub.s32 s11, s13;
	s24 =	sadd.s32 s12, s9;
	s17 =	sadd.s32 s25, s1  }
0xe: {  	s11 =	sshrl.u32 s26, $0x3;
	s9 =	sor.u32 $0x1C03, s30;
	s12 =	sshll.u32 s24, $0x4  }
0xf: {  	s31 =	sadd.s32 $0x27000, s11;
	s11 =	sadd.s32 s29, s8;
	s14 =	smax.u32 s16, $0x1  }
0x10: {  	s16 =	simm.s32 $0x3;
	s28 =	sadd.s32 s10, s12;
	s10 =	sadd.s32 s10, s31  }
0x11: {  	s12 =	sadd.s32 s15, s12;
	s13 =	sadd.s32 s15, s31;
	s15 =	sshrl.u32 s17, $0x3  }
0x12: {  	s17 =	sshrl.u32 @!p0 s18, $0x3;
	s18 =	simm.s32 $0x64;
	[dreg:$0x4] =	wrdreg s28  }
.LBB2_1:
0x13: {  	s0 =	rddreg [dreg:$0x4]  }
0x14: {  	[spmem:s15], [sflag:s9] =	dma.local [hbm:s0], $0x2700  }
0x15: {  	_ =	swait.ge [sflag:s16], $0x2700  }
0x16: {  	[sflag:s16] =	ssyncset.done $0x0  }
0x17: {  	s24 =	simm.s32 @!p0 $0x3;
	[sflag:s16] =	ssyncadd.s32 $0xFFFFD900  }
0x18: {  	[spmem:s17], [sflag:s9] =	dma.local @!p0 [hbm:s10], $0x100  }
0x19: {  	_ =	swait.ge @!p0 [sflag:s24], $0x100  }
0x1a: {  	[sflag:s24] =	ssyncset.done @!p0 $0x0  }
0x1b: {  	[sflag:s24] =	ssyncadd.s32 @!p0 $0xFFFFFF00  }
0x1c: {  	s24 =	simm.s32 $0x0;
	[bflag:$0x0] =	sbarrier.arrive $0xFFFF  }
.LBB2_2:
0x1d: {  	s25 =	smul.u32 $0xC00, s24;
	_ =	sdelay $0x1  }
0x1e: {  	s26 =	sadd.s32 s11, s25  }
0x1f: {  	s26 =	sshrl.u32 s26, $0x3  }
0x20: {  	s25 =	sadd.s32 s8, s25;
	s26 =	sadd.s32 s5, s26  }
0x21: {  	[tilespmem:s2], [sflag:$0x3] =	stream.linear.gather [hbm4b:s26+s2], $0xA00, $0x38;
	[tilespmem:$0x1B880] =	vst v63  }
0x22: {  	s25 =	sshrl.u32 s25, $0x3;
	_ =	swait.ge [sflag:s16], $0xA00  }
0x23: {  	s3 =	simm.s32 $0x1;
	s0 =	sadd.s32 s6, s25;
	[sflag:s16] =	ssyncset.done $0x0  }
0x24: {  	s25 =	simm.s32 $0xC00;
	s26 =	sand.u32 $0x1, s3;
	[sflag:s16] =	ssyncadd.s32 $0xFFFFF600  }
0x25: {  	[tilespmem:s25], [sflag:$0x3] =	stream.linear.gather [hbm4b:s0+s2], $0xA00, $0x38;
	[tilespmem:$0x1B880] =	vst v63  }
0x26: {  	s29 =	simm.s32 $0x0;
	s28 =	smul.u32 $0xD000, s26;
	_ =	swait.ge [sflag:s16], $0xA00  }
0x27: {  	s30 =	simm.s32 $0x80;
	s29 =	sand.u32 $0x1, s29;
	[sflag:s16] =	ssyncset.done $0x0  }
0x28: {  	s31 =	smul.u32 $0xD000, s29;
	s28 =	sshrl.u32 s28, $0x2;
	[sflag:s16] =	ssyncadd.s32 $0xFFFFF600  }
0x29: {  	[tilespmem:s19], [sflag:$0x1] =	stream.indirect.gather [hbm4b:s4+s18], $0x80, s2, s18, $0xb8;
	[tilespmem:$0x1B880] =	vst v63  }
0x2a: {  	s26 =	sadd.s32 $0x1, s26;
	s28 =	sadd.s32 $0x1800, s28;
	s0 =	sadd.s32 $0x1, s29  }
0x2b: {  	[tilespmem:s28], [sflag:s26] =	stream.indirect.gather [hbm4b:s4+s18], $0x80, s30, s18, $0xb8;
	[tilespmem:$0x1B880] =	vst v63  }
0x2c: {  	s7 =	sshrl.u32 s31, $0x2;
	_ =	swait.ge [sflag:s0], $0x3200  }
0x2d: {  	s29 =	simm.s32 $0x2;
	s26 =	sadd.s32 $0x1800, s7;
	[sflag:s0] =	ssyncset.done $0x0  }
0x2e: {  	s30 =	simm.s32 $0x3;
	s28 =	sand.u32 $0x1, s29;
	[sflag:s0] =	ssyncadd.s32 $0xFFFFCE00  }
0x2f: {  	[spmem:s1] =	stream.indirect.scatter.add.f32 [tilespmem:s26], [sflag:$0x3], $0x80, s25, s18, $0xb8;
	[tilespmem:$0x1B880] =	vst v63  }
0x30: {  	s31 =	smul.u32 $0xD000, s28;
	s26 =	simm.s32 $0x100;
	_ =	swait.ge [sflag:s16], $0x3200  }
.LBB2_3:
0x31: {  	[sflag:s16] =	ssyncset.done $0x0  }
0x32: {  	s25 =	sadd.s32 $0x80, s25;
	s0 =	smov.u32 s30;
	s3 =	sadd.s32 $0x1, s30  }
0x33: {  	s29 =	sadd.s32 $0xFFFFFFFF, s29;
	s31 =	sshrl.u32 s31, $0x2;
	[sflag:s16] =	ssyncadd.s32 $0xFFFFCE00  }
0x34: {  	s28 =	sadd.s32 $0x1, s28;
	s29 =	sand.u32 $0x1, s29;
	s31 =	sadd.s32 $0x1800, s31  }
0x35: {  	p1 =	sne.s32 s30, $0x13;
	s30 =	smul.u32 $0xD000, s29;
	s7 =	sadd.s32 $0x1, s29  }
0x36: {  	[tilespmem:s31], [sflag:s28] =	stream.indirect.gather [hbm4b:s4+s18], $0x80, s26, s18, $0xb8;
	[tilespmem:$0x1B880] =	vst v63  }
.Ltmp0:
0x37: {  	s28 =	sshrl.u32 s30, $0x2;
	_ =	swait.ge [sflag:s7], $0x3200;
	(pc) =	sbr.rel @p1 .LBB2_3-.Ltmp0, $4  }
0x38: {  	s29 =	smov.u32 s0;
	s30 =	sadd.s32 $0x1800, s28;
	[sflag:s7] =	ssyncset.done $0x0  }
0x39: {  	s26 =	sadd.s32 $0x80, s26;
	s28 =	sand.u32 $0x1, s29;
	[sflag:s7] =	ssyncadd.s32 $0xFFFFCE00  }
0x3a: {  	[spmem:s1] =	stream.indirect.scatter.add.f32 [tilespmem:s30], [sflag:$0x3], $0x80, s25, s18, $0xb8;
	[tilespmem:$0x1B880] =	vst v63  }
0x3b: {  	s31 =	smul.u32 $0xD000, s28;
	s30 =	smov.u32 s3;
	_ =	swait.ge [sflag:s16], $0x3200  }
0x3c: {  	[sflag:s16] =	ssyncset.done $0x0;
	s0 =	sadd.s32 $0xFFFFFFFF, s29;
	s7 =	sadd.s32 $0x1, s28  }
0x3d: {  	s3 =	sshrl.u32 s31, $0x2;
	[sflag:s16] =	ssyncadd.s32 $0xFFFFCE00;
	s0 =	sand.u32 $0x1, s0  }
0x3e: {  	s3 =	sadd.s32 $0x1800, s3;
	s29 =	smul.u32 $0xD000, s0;
	s0 =	sadd.s32 $0x1, s0  }
0x3f: {  	[tilespmem:s3], [sflag:s7] =	stream.indirect.gather [hbm4b:s4+s18], $0x80, s26, s18, $0xb8;
	[tilespmem:$0x1B880] =	vst v63  }
0x40: {  	_ =	swait.ge [sflag:s0], $0x3200  }
0x41: {  	s30 =	sshrl.u32 s29, $0x2;
	[sflag:s0] =	ssyncset.done $0x0  }
0x42: {  	s31 =	sadd.s32 $0x80, s25;
	s3 =	sadd.s32 $0x1800, s30;
	[sflag:s0] =	ssyncadd.s32 $0xFFFFCE00  }
0x43: {  	[spmem:s1] =	stream.indirect.scatter.add.f32 [tilespmem:s3], [sflag:$0x3], $0x80, s31, s18, $0xb8;
	[tilespmem:$0x1B880] =	vst v63  }
0x44: {  	_ =	swait.ge [sflag:s16], $0x3200  }
0x45: {  	[sflag:s16] =	ssyncset.done $0x0  }
0x46: {  	[sflag:s16] =	ssyncadd.s32 $0xFFFFCE00  }
0x47: {  	s24 =	sadd.s32 $0x1, s24;
	_ =	swait.ge [sflag:s20], $0x3200  }
0x48: {  	p1 =	sne.s32 s24, $0x5;
	[sflag:s20] =	ssyncset.done $0x0  }
.Ltmp1:
0x49: {  	[sflag:s20] =	ssyncadd.s32 $0xFFFFCE00;
	(pc) =	sbr.rel @p1 .LBB2_2-.Ltmp1, $4  }
0x4a: {  	[spmem:s1] =	stream.indirect.scatter.add.f32 [tilespmem:s22], [sflag:$0x3], $0x80, s21, s18, $0xb8;
	[tilespmem:$0x1B880] =	vst v63  }
0x4b: {  	_ =	swait.ge [sflag:s16], $0x3200  }
0x4c: {  	[sflag:s16] =	ssyncset.done $0x0  }
0x4d: {  	[sflag:s16] =	ssyncadd.s32 $0xFFFFCE00  }
0x4e: {  	[bflag:$0x0] =	sbarrier.arrive $0xFFFF  }
0x4f: {  	[hbm:s12], [sflag:s9] =	dma.local [spmem:s15], $0x2700  }
0x50: {  	s23 =	sadd.s32 $0x1, s23;
	_ =	swait.ge [sflag:s16], $0x2700  }
0x51: {  	p1 =	sne.s32 s23, s14;
	[sflag:s16] =	ssyncset.done $0x0  }
.Ltmp2:
0x52: {  	s0 =	simm.s32 @!p0 $0x3;
	[sflag:s16] =	ssyncadd.s32 $0xFFFFD900;
	(pc) =	sbr.rel @p1 .LBB2_1-.Ltmp2, $4  }
0x53: {  	[hbm:s13], [sflag:s9] =	dma.local @!p0 [spmem:s17], $0x100  }
0x54: {  	_ =	swait.ge @!p0 [sflag:s0], $0x100  }
0x55: {  	[sflag:s0] =	ssyncset.done @!p0 $0x0  }
0x56: {  	[sflag:s0] =	ssyncadd.s32 @!p0 $0xFFFFFF00  }
0x57: {  	_ =	sfence.sel $0x180000  }
0x58: {  	[bflag:$0x0] =	sbarrier.arrive $0xFFFF  }
0x59: {  	_ =	strace $0x90000047  }
0x5a: {  	s0 =	stileid.u32;
	[bflag:$0x2] =	sbarrier.arrive $0xFFFF  }
0x5b: {  	p0 =	sne.s32 s0, $0x0;
	s0 =	rddreg [dreg:$0x3]  }
0x5c: {  	s0 =	sadd.s32 @!p0 $0x100000, s0  }
0x5d: {  	[sflag:s0] =	ssyncadd.tile.s32 @!p0 $0x1;
	_ =	shalt  }
.Lfunc_end2:
_tile_overlayer_lowered:
.L_overlay_start_2:
0x5e: {  	(tag) =	ssettag $0x2  }
0x5f: {  	s0 =	rddreg [dreg:$0x0];
	s2 =	stileid.u32  }
0x60: {  	s1 =	rddreg [dreg:$0x1];
	p0 =	sne.s32 s2, $0x0  }
0x61: {  	s3 =	rddreg [dreg:$0x2];
	[bflag:$0x3] =	sbarrier.arrive $0xFFFF;
	s2 =	simm.s32 @!p0 $0x1C03  }
0x62: {  	[timem:s3], [sflag:s2] =	dma.local @!p0 [hbm:s0], s1  }
0x63: {  	s0 =	simm.s32 @!p0 $0x3  }
0x64: {  	_ =	swait.ge @!p0 [sflag:s0], s1  }
0x65: {  	s1 =	ssub.s32 @!p0 $0x0, s1;
	[sflag:s0] =	ssyncset.done @!p0 $0x0  }
0x66: {  	[sflag:s0] =	ssyncadd.s32 @!p0 s1  }
0x67: {  	[bflag:$0x3] =	sbarrier.arrive $0xFFFF  }
0x68: {  	_ =	shalt  }

// kernel: kernel.18.cloned.1.call-start
scs
__scs_entry_jumppad:
0x0: {  	(pc) =	sbr.rel $0x88, $3  }
0x1: {  	(tag) =	ssettag $0x0;
	lr =	simm.s32 $0x1  }
0x2: {  	[smem:$0x3F96] =	sst lr;
	_ =	strace $0xD0000000  }
0x3: {  	_ = 	snop  }
0x4: {  	_ = 	snop  }
0x5: {  	_ = 	snop  }
0x6: {  	_ = 	snop  }
0x7: {  	_ = 	snop  }
__scs_overlays_trampoline_lowered:
0x8: {  	[smem:$0x3FA5] =	sst s0  }
0x9: {  	[smem:$0x3FA6] =	sst s1  }
0xa: {  	[smem:$0x3FA7] =	sst s2  }
0xb: {  	[smem:$0x3FA8] =	sst s3  }
0xc: {  	[smem:$0x3FA9] =	sst s4  }
0xd: {  	[smem:$0x3FAA] =	sst s5  }
0xe: {  	[smem:$0x3FAB] =	sst s6  }
0xf: {  	[smem:$0x3FAC] =	sst s7  }
0x10: {  	[smem:$0x3FAD] =	sst s8  }
0x11: {  	[smem:$0x3FAE] =	sst s9;
	s0 =	simm.s32 @!p0 $0x0  }
0x12: {  	s1 =	sld [smem:$0x3F94];
	s0 =	simm.s32 @p0 $0x1  }
0x13: {  	[smem:$0x3FAF] =	sst s0;
	s0 =	simm.s32 @!p1 $0x0  }
0x14: {  	s2 =	sld [smem:$0x3F93];
	s0 =	simm.s32 @p1 $0x1  }
0x15: {  	[smem:$0x3FB0] =	sst s0;
	s0 =	simm.s32 @!p2 $0x0  }
0x16: {  	s3 =	sld [smem:$0x3FDB];
	s0 =	simm.s32 @p2 $0x1  }
0x17: {  	s4 =	simm.s32 $0x1BF5;
	[smem:$0x3FB2] =	sst s0  }
0x18: {  	s0 =	sld [smem:$0x3F95];
	_ =	swait.ge [sflag:s4], $0x0  }
0x19: {  	s7 =	sld [smem:$0x3F96]  }
0x1a: {  	s8 =	sadd.s32 $0xFFFFE003, lr  }
0x1b: {  	s9 =	sadd.s32 $0xFFFFFEF7, lr;
	s5 =	simm.s32 $0xFFFFFFFF;
	p2 =	slt.u32 s8, $0xFFFFF086  }
0x1c: {  	p1 =	slt.u32 s9, $0xF7A;
	s5 =	simm.s32 @!p2 $0x0  }
0x1d: {  	s5 =	simm.s32 @p1 $0x1;
	p0 =	seq.s32 s7, s2  }
0x1e: {  	s7 =	smul.u32 @!p0 $0xF7A, s2;
	p2 =	seq.s32 @!p0 s5, $0x0  }
0x1f: {  	s9 =	smul.u32 $0xF7A, s1;
	s8 =	simm.s32 @!p0 $0x1BF5;
	p2 =	por !p2, p0  }
0x20: {  	[sflag:s8] =	ssyncset.s32 @!p0 $0xFFFFF086;
	s6 =	sadd.s32 @!p0 s3, s7;
	s7 =	simm.s32 @!p0 $0x108  }
0x21: {  	s3 =	sadd.s32 s3, s9;
	s6 =	sadd.s32 @!p0 $0x88, s6;
	s7 =	simm.s32 @p2 $0x1082  }
0x22: {  	[simem:s7], [sflag:s8] =	dma.local @!p0 [hbm:s6], $0xF7A  }
0x23: {  	s9 =	sor.u32 $0xD0000000, s2;
	s6 =	simm.s32 $0x108;
	_ =	swait.ge @!p0 [sflag:s8], $0x0  }
0x24: {  	s3 =	sadd.s32 $0x88, s3;
	s6 =	simm.s32 @!p1 $0x1082;
	[sflag:s4] =	ssyncset.s32 $0xFFFFF086  }
0x25: {  	[simem:s6], [sflag:s4] =	dma.local [hbm:s3], $0xF7A  }
0x26: {  	[smem:$0x3F96] =	sst s1;
	(tag) =	ssettag s2;
	_ =	strace s9  }
0x27: {  	s1 =	sld [smem:$0x3FA6]  }
0x28: {  	s2 =	sld [smem:$0x3FA7]  }
0x29: {  	s4 =	sld [smem:$0x3FA9]  }
0x2a: {  	p0 =	seq.s32 s5, $0x0;
	s5 =	sld [smem:$0x3FAA]  }
0x2b: {  	s6 =	sld [smem:$0x3FAB]  }
0x2c: {  	s7 =	sld [smem:$0x3FAC]  }
0x2d: {  	s3 =	simm.s32 $0x108;
	s8 =	sld [smem:$0x3FAD]  }
0x2e: {  	s3 =	simm.s32 @!p0 $0x1082;
	s9 =	sld [smem:$0x3FAE]  }
0x2f: {  	lr =	sadd.s32 s0, s3;
	s0 =	sld [smem:$0x3FA5]  }
0x30: {  	s3 =	sld [smem:$0x3FA8]  }
0x31: {  	[smem:$0x3FB1] =	sst s10  }
0x32: {  	s10 =	sld [smem:$0x3FAF];
	_ =	sdelay $0x3  }
0x33: {  	p0 =	seq.s32 s10, $0x1;
	s10 =	sld [smem:$0x3FB1];
	_ =	sdelay $0x3  }
0x34: {  	[smem:$0x3FB1] =	sst s10  }
0x35: {  	s10 =	sld [smem:$0x3FB0];
	_ =	sdelay $0x3  }
0x36: {  	p1 =	seq.s32 s10, $0x1;
	s10 =	sld [smem:$0x3FB1];
	_ =	sdelay $0x3  }
0x37: {  	[smem:$0x3FB1] =	sst s10  }
0x38: {  	s10 =	sld [smem:$0x3FB2]  }
0x39: {  	_ = 	snop;
	(pc) =	sbr.ind lr, $3  }
0x3a: {  	_ = 	snop  }
0x3b: {  	_ = 	snop  }
0x3c: {  	p2 =	seq.s32 s10, $0x1;
	s10 =	sld [smem:$0x3FB1]  }
0x3d: {  	_ =	shalt  }
0x3e: {  	_ =	shalt  }
0x3f: {  	_ =	shalt  }
0x40: {  	_ =	shalt  }
0x41: {  	_ =	shalt  }
0x42: {  	_ =	shalt  }
0x43: {  	_ =	shalt  }
0x44: {  	_ =	shalt  }
0x45: {  	_ =	shalt  }
0x46: {  	_ =	shalt  }
0x47: {  	_ =	shalt  }
0x48: {  	_ =	shalt  }
0x49: {  	_ =	shalt  }
0x4a: {  	_ =	shalt  }
0x4b: {  	_ =	shalt  }
0x4c: {  	_ =	shalt  }
0x4d: {  	_ =	shalt  }
0x4e: {  	_ =	shalt  }
0x4f: {  	_ =	shalt  }
0x50: {  	_ =	shalt  }
0x51: {  	_ =	shalt  }
0x52: {  	_ =	shalt  }
0x53: {  	_ =	shalt  }
0x54: {  	_ =	shalt  }
0x55: {  	_ =	shalt  }
0x56: {  	_ =	shalt  }
0x57: {  	_ =	shalt  }
0x58: {  	_ =	shalt  }
0x59: {  	_ =	shalt  }
0x5a: {  	_ =	shalt  }
0x5b: {  	_ =	shalt  }
0x5c: {  	_ =	shalt  }
0x5d: {  	_ =	shalt  }
0x5e: {  	_ =	shalt  }
0x5f: {  	_ =	shalt  }
0x60: {  	_ =	shalt  }
0x61: {  	_ =	shalt  }
0x62: {  	_ =	shalt  }
0x63: {  	_ =	shalt  }
0x64: {  	_ =	shalt  }
0x65: {  	_ =	shalt  }
0x66: {  	_ =	shalt  }
0x67: {  	_ =	shalt  }
0x68: {  	_ =	shalt  }
0x69: {  	_ =	shalt  }
0x6a: {  	_ =	shalt  }
0x6b: {  	_ =	shalt  }
0x6c: {  	_ =	shalt  }
0x6d: {  	_ =	shalt  }
0x6e: {  	_ =	shalt  }
0x6f: {  	_ =	shalt  }
0x70: {  	_ =	shalt  }
0x71: {  	_ =	shalt  }
0x72: {  	_ =	shalt  }
0x73: {  	_ =	shalt  }
0x74: {  	_ =	shalt  }
0x75: {  	_ =	shalt  }
0x76: {  	_ =	shalt  }
0x77: {  	_ =	shalt  }
0x78: {  	_ =	shalt  }
0x79: {  	_ =	shalt  }
0x7a: {  	_ =	shalt  }
0x7b: {  	_ =	shalt  }
0x7c: {  	_ =	shalt  }
0x7d: {  	_ =	shalt  }
0x7e: {  	_ =	shalt  }
0x7f: {  	_ =	shalt  }
0x80: {  	_ =	shalt  }
0x81: {  	_ =	shalt  }
0x82: {  	_ =	shalt  }
0x83: {  	_ =	shalt  }
0x84: {  	_ =	shalt  }
0x85: {  	_ =	shalt  }
0x86: {  	_ =	shalt  }
0x87: {  	_ =	shalt  }
.Lfunc_end0:
.L_simem_size_0:
called_computation.1_lowered:
.L_overlay_start_0:
0x88: {  	s2 =	sld [smem:$0x3FD9]  }
0x89: {  	s3 =	sld [smem:$0x3FFE];
	_ =	sdelay $0x1  }
0x8a: {  	s1 =	srdreg.scid  }
0x8b: {  	s0 =	sand.u32 $0x1, s1  }
0x8c: {  	s17 =	sshll.u32 s0, $0xA;
	s2 =	sadd.s32 s3, s2  }
0x8d: {  	s2 =	sadd.s32 s2, s17  }
0x8e: {  	[smem:$0x3FBD] =	sst s2  }
0x8f: {  	_ = 	snop  }
0x90: {  	s2 =	sld [smem:$0x3FD0];
	(tm) =	ssettm $0x1  }
0x91: {  	s18 =	sld [smem:$0x3FFB];
	_ =	sdelay $0x3  }
0x92: {  	_ =	strace s18  }
0x93: {  	s3 =	sld [smem:$0x3FFC];
	_ =	sdelay $0x3  }
0x94: {  	_ =	strace s3  }
0x95: {  	s3 =	sld [smem:$0x3FFD];
	_ =	sdelay $0x3  }
0x96: {  	_ =	strace s3  }
0x97: {  	_ =	strace $0x8FFFFFFF  }
0x98: {  	s19 =	sld [smem:$0x3FDB];
	_ =	sdelay $0x1  }
0x99: {  	s4 =	simm.s32 $_scs_section_size  }
0x9a: {  	s5 =	simm.s32 $_size__tile_overlayer_lowered;
	s6 =	simm.s32 $_tile_overlayer_lowered  }
0x9b: {  	s22 =	simm.s32 $0x1BFF;
	s21 =	sshll.u32 s6, $0x1;
	s3 =	sadd.s32 s4, s19  }
0x9c: {  	s7 =	simm.s32 $0x0;
	s20 =	sshll.u32 s5, $0x1;
	s5 =	sadd.s32 s21, s3  }
0x9d: {  	[timem:s7], [sflag:s22] =	dma.local [hbm:s5], s20  }
0x9e: {  	_ =	swait.ge [sflag:s22], s20  }
0x9f: {  	s4 =	ssub.s32 $0x0, s20;
	[sflag:s22] =	ssyncset.done $0x0  }
0xa0: {  	[sflag:s22] =	ssyncadd.s32 s4;
	_ =	sdelay $0x1  }
0xa1: {  	s23 =	simm.s32 $0x1B8B  }
0xa2: {  	_ =	swait.ge [sflag:s23], $0x1  }
0xa3: {  	[sflag:s23] =	ssyncset.done $0x0  }
0xa4: {  	s25 =	simm.s32 $0x1B8E;
	s24 =	sld [smem:$0x3FFE];
	[sflag:s23] =	ssyncadd.s32 $0xFFFFFFFF  }
0xa5: {  	s26 =	simm.s32 $execute0_lowered;
	[smem:$0x3FD2] =	sst s25  }
0xa6: {  	s5 =	sshll.u32 s26, $0x1;
	_ =	strace $0x80000049;
	[dreg:$0x1] =	wrdreg $0xFFFFFFFF  }
0xa7: {  	s28 =	simm.s32 $_size_execute0_lowered;
	s3 =	sadd.s32 s3, s5;
	[dreg:$0x0] =	wrdreg $0x0  }
0xa8: {  	s5 =	sshll.u32 s28, $0x1;
	[dreg:$0x2] =	wrdreg s3  }
0xa9: {  	[dreg:$0x3] =	wrdreg s5  }
0xaa: {  	[dreg:$0x4] =	wrdreg $0xC0  }
0xab: {  	_ =	task [dreg:s7], $0x5FFFF  }
0xac: {  	[dreg:$0x1] =	wrdreg $0xFFFFFFFF  }
0xad: {  	[dreg:$0x0] =	wrdreg $0x60  }
0xae: {  	[dreg:$0x2] =	wrdreg s2  }
0xaf: {  	[dreg:$0x3] =	wrdreg s24  }
0xb0: {  	[dreg:$0x4] =	wrdreg $0x80000  }
0xb1: {  	[dreg:$0x5] =	wrdreg $0x9  }
0xb2: {  	_ =	task.clear_ibuf [dreg:s7], $0x6FFFF;
	_ =	strace $0x90000049  }
0xb3: {  	s29 =	simm.s32 $0x9;
	_ =	strace $0x8000004B  }
0xb4: {  	_ =	swait.ge [sflag:s29], $0x1  }
0xb5: {  	[sflag:s29] =	ssyncadd.s32 $0xFFFFFFFF  }
0xb6: {  	_ =	strace $0x9000004B  }
0xb7: {  	_ =	sfence  }
0xb8: {  	s30 =	sld [smem:$0x0];
	_ =	sdelay $0x2  }
0xb9: {  	s31 =	sshll.u32 s1, $0xD;
	s1 =	sshrl.u32 s1, $0x2  }
0xba: {  	s3 =	sand.u32 $0x4000, s31;
	s1 =	sadd.s32 s1, s30  }
0xbb: {  	s0 =	sor.u32 s3, s0;
	s1 =	sshll.u32 s1, $0x11  }
0xbc: {  	s0 =	sor.u32 s1, s0  }
0xbd: {  	s0 =	sadd.s32 $0x8F2B, s0  }
0xbe: {  	[sflag:s0] =	ssyncadd.remote.s32 $0x1  }
0xbf: {  	_ =	sfence.sel $0xFFFF  }
0xc0: {  	[dreg:$0x0] =	wrdreg $0xFFFFFFFF;
	(pc) =	sbr.abs _section_cstart, $3  }
0xc1: {  	[dreg:$0x1] =	wrdreg $0xFFFFFFFF  }
0xc2: {  	_ =	task.clear_ibuf [dreg:s7], $0x2FFFF;
	_ =	strace $0x9FFFFFFF  }
0xc3: {  	(tm) =	ssettm $0x7FFFFFFF  }
tec
execute0_lowered:
.L_overlay_start_1:
0x0: {  	(tag) =	ssettag $0x1  }
0x1: {  	s10 =	rddreg [dreg:$0x0]  }
0x2: {  	s7 =	rddreg [dreg:$0x1]  }
0x3: {  	s1 =	rddreg [dreg:$0x2]  }
0x4: {  	s2 =	simm.s32 $0x0;
	s3 =	srdreg.scid;
	s0 =	stileid.u32  }
0x5: {  	s19 =	simm.s32 $0x1800;
	s20 =	simm.s32 $0x2;
	s21 =	simm.s32 $0x1580  }
0x6: {  	s22 =	simm.s32 $0x4C00;
	s23 =	simm.s32 $0x0;
	[smem:$0x7FF] =	sst s2  }
0x7: {  	s8 =	sand.u32 $0x1, s3;
	s4 =	sadd.s32 $0x1CA00, s7;
	s12 =	smul.u32 $0x270, s0  }
0x8: {  	s5 =	sadd.s32 $0xDA00, s7;
	s6 =	sadd.s32 $0x6200, s7;
	s14 =	smul.u32 $0x4E000, s0  }
0x9: {  	s15 =	sadd.s32 $0x1A3400, s7;
	s30 =	sshll.u32 s0, $0x6;
	s9 =	smul.u32 $0x2710, s8  }
0xa: {  	s18 =	sadd.s32 $0x138000, s1;
	p0 =	sne.s32 s0, $0xF;
	s26 =	smul.u32 $0x138800, s8  }
0xb: {  	_ =	strace $0x8000004A;
	s11 =	ssub.s32 $0x2, s8;
	s29 =	smul.u32 $0x3C000, s8  }
0xc: {  	s8 =	smul.u32 $0x3C00, s0;
	s13 =	sshrl.u32 s11, $0x1;
	s25 =	sshrl.u32 s14, $0x2  }
0xd: {  	s16 =	ssub.s32 s11, s13;
	s24 =	sadd.s32 s12, s9;
	s17 =	sadd.s32 s25, s1  }
0xe: {  	s11 =	sshrl.u32 s26, $0x3;
	s9 =	sor.u32 $0x1C03, s30;
	s12 =	sshll.u32 s24, $0x4  }
0xf: {  	s31 =	sadd.s32 $0x27000, s11;
	s11 =	sadd.s32 s29, s8;
	s14 =	smax.u32 s16, $0x1  }
0x10: {  	s16 =	simm.s32 $0x3;
	s28 =	sadd.s32 s10, s12;
	s10 =	sadd.s32 s10, s31  }
0x11: {  	s12 =	sadd.s32 s15, s12;
	s13 =	sadd.s32 s15, s31;
	s15 =	sshrl.u32 s17, $0x3  }
0x12: {  	s17 =	sshrl.u32 @!p0 s18, $0x3;
	s18 =	simm.s32 $0x64;
	[dreg:$0x4] =	wrdreg s28  }
.LBB2_1:
0x13: {  	s0 =	rddreg [dreg:$0x4]  }
0x14: {  	[spmem:s15], [sflag:s9] =	dma.local [hbm:s0], $0x2700  }
0x15: {  	_ =	swait.ge [sflag:s16], $0x2700  }
0x16: {  	[sflag:s16] =	ssyncset.done $0x0  }
0x17: {  	s24 =	simm.s32 @!p0 $0x3;
	[sflag:s16] =	ssyncadd.s32 $0xFFFFD900  }
0x18: {  	[spmem:s17], [sflag:s9] =	dma.local @!p0 [hbm:s10], $0x100  }
0x19: {  	_ =	swait.ge @!p0 [sflag:s24], $0x100  }
0x1a: {  	[sflag:s24] =	ssyncset.done @!p0 $0x0  }
0x1b: {  	[sflag:s24] =	ssyncadd.s32 @!p0 $0xFFFFFF00  }
0x1c: {  	s24 =	simm.s32 $0x0;
	[bflag:$0x0] =	sbarrier.arrive $0xFFFF  }
.LBB2_2:
0x1d: {  	s25 =	smul.u32 $0xC00, s24;
	_ =	sdelay $0x1  }
0x1e: {  	s26 =	sadd.s32 s11, s25  }
0x1f: {  	s26 =	sshrl.u32 s26, $0x3  }
0x20: {  	s25 =	sadd.s32 s8, s25;
	s26 =	sadd.s32 s5, s26  }
0x21: {  	[tilespmem:s2], [sflag:$0x3] =	stream.linear.gather [hbm4b:s26+s2], $0xA00, $0x38;
	[tilespmem:$0x1B880] =	vst v63  }
0x22: {  	s25 =	sshrl.u32 s25, $0x3;
	_ =	swait.ge [sflag:s16], $0xA00  }
0x23: {  	s3 =	simm.s32 $0x1;
	s0 =	sadd.s32 s6, s25;
	[sflag:s16] =	ssyncset.done $0x0  }
0x24: {  	s25 =	simm.s32 $0xC00;
	s26 =	sand.u32 $0x1, s3;
	[sflag:s16] =	ssyncadd.s32 $0xFFFFF600  }
0x25: {  	[tilespmem:s25], [sflag:$0x3] =	stream.linear.gather [hbm4b:s0+s2], $0xA00, $0x38;
	[tilespmem:$0x1B880] =	vst v63  }
0x26: {  	s29 =	simm.s32 $0x0;
	s28 =	smul.u32 $0xD000, s26;
	_ =	swait.ge [sflag:s16], $0xA00  }
0x27: {  	s30 =	simm.s32 $0x80;
	s29 =	sand.u32 $0x1, s29;
	[sflag:s16] =	ssyncset.done $0x0  }
0x28: {  	s31 =	smul.u32 $0xD000, s29;
	s28 =	sshrl.u32 s28, $0x2;
	[sflag:s16] =	ssyncadd.s32 $0xFFFFF600  }
0x29: {  	[tilespmem:s19], [sflag:$0x1] =	stream.indirect.gather [hbm4b:s4+s18], $0x80, s2, s18, $0xb8;
	[tilespmem:$0x1B880] =	vst v63  }
0x2a: {  	s26 =	sadd.s32 $0x1, s26;
	s28 =	sadd.s32 $0x1800, s28;
	s0 =	sadd.s32 $0x1, s29  }
0x2b: {  	[tilespmem:s28], [sflag:s26] =	stream.indirect.gather [hbm4b:s4+s18], $0x80, s30, s18, $0xb8;
	[tilespmem:$0x1B880] =	vst v63  }
0x2c: {  	s7 =	sshrl.u32 s31, $0x2;
	_ =	swait.ge [sflag:s0], $0x3200  }
0x2d: {  	s29 =	simm.s32 $0x2;
	s26 =	sadd.s32 $0x1800, s7;
	[sflag:s0] =	ssyncset.done $0x0  }
0x2e: {  	s30 =	simm.s32 $0x3;
	s28 =	sand.u32 $0x1, s29;
	[sflag:s0] =	ssyncadd.s32 $0xFFFFCE00  }
0x2f: {  	[spmem:s1] =	stream.indirect.scatter.add.f32 [tilespmem:s26], [sflag:$0x3], $0x80, s25, s18, $0xb8;
	[tilespmem:$0x1B880] =	vst v63  }
0x30: {  	s31 =	smul.u32 $0xD000, s28;
	s26 =	simm.s32 $0x100;
	_ =	swait.ge [sflag:s16], $0x3200  }
.LBB2_3:
0x31: {  	[sflag:s16] =	ssyncset.done $0x0  }
0x32: {  	s25 =	sadd.s32 $0x80, s25;
	s0 =	smov.u32 s30;
	s3 =	sadd.s32 $0x1, s30  }
0x33: {  	s29 =	sadd.s32 $0xFFFFFFFF, s29;
	s31 =	sshrl.u32 s31, $0x2;
	[sflag:s16] =	ssyncadd.s32 $0xFFFFCE00  }
0x34: {  	s28 =	sadd.s32 $0x1, s28;
	s29 =	sand.u32 $0x1, s29;
	s31 =	sadd.s32 $0x1800, s31  }
0x35: {  	p1 =	sne.s32 s30, $0x13;
	s30 =	smul.u32 $0xD000, s29;
	s7 =	sadd.s32 $0x1, s29  }
0x36: {  	[tilespmem:s31], [sflag:s28] =	stream.indirect.gather [hbm4b:s4+s18], $0x80, s26, s18, $0xb8;
	[tilespmem:$0x1B880] =	vst v63  }
.Ltmp0:
0x37: {  	s28 =	sshrl.u32 s30, $0x2;
	_ =	swait.ge [sflag:s7], $0x3200;
	(pc) =	sbr.rel @p1 .LBB2_3-.Ltmp0, $4  }
0x38: {  	s29 =	smov.u32 s0;
	s30 =	sadd.s32 $0x1800, s28;
	[sflag:s7] =	ssyncset.done $0x0  }
0x39: {  	s26 =	sadd.s32 $0x80, s26;
	s28 =	sand.u32 $0x1, s29;
	[sflag:s7] =	ssyncadd.s32 $0xFFFFCE00  }
0x3a: {  	[spmem:s1] =	stream.indirect.scatter.add.f32 [tilespmem:s30], [sflag:$0x3], $0x80, s25, s18, $0xb8;
	[tilespmem:$0x1B880] =	vst v63  }
0x3b: {  	s31 =	smul.u32 $0xD000, s28;
	s30 =	smov.u32 s3;
	_ =	swait.ge [sflag:s16], $0x3200  }
0x3c: {  	[sflag:s16] =	ssyncset.done $0x0;
	s0 =	sadd.s32 $0xFFFFFFFF, s29;
	s7 =	sadd.s32 $0x1, s28  }
0x3d: {  	s3 =	sshrl.u32 s31, $0x2;
	[sflag:s16] =	ssyncadd.s32 $0xFFFFCE00;
	s0 =	sand.u32 $0x1, s0  }
0x3e: {  	s3 =	sadd.s32 $0x1800, s3;
	s29 =	smul.u32 $0xD000, s0;
	s0 =	sadd.s32 $0x1, s0  }
0x3f: {  	[tilespmem:s3], [sflag:s7] =	stream.indirect.gather [hbm4b:s4+s18], $0x80, s26, s18, $0xb8;
	[tilespmem:$0x1B880] =	vst v63  }
0x40: {  	_ =	swait.ge [sflag:s0], $0x3200  }
0x41: {  	s30 =	sshrl.u32 s29, $0x2;
	[sflag:s0] =	ssyncset.done $0x0  }
0x42: {  	s31 =	sadd.s32 $0x80, s25;
	s3 =	sadd.s32 $0x1800, s30;
	[sflag:s0] =	ssyncadd.s32 $0xFFFFCE00  }
0x43: {  	[spmem:s1] =	stream.indirect.scatter.add.f32 [tilespmem:s3], [sflag:$0x3], $0x80, s31, s18, $0xb8;
	[tilespmem:$0x1B880] =	vst v63  }
0x44: {  	_ =	swait.ge [sflag:s16], $0x3200  }
0x45: {  	[sflag:s16] =	ssyncset.done $0x0  }
0x46: {  	[sflag:s16] =	ssyncadd.s32 $0xFFFFCE00  }
0x47: {  	s24 =	sadd.s32 $0x1, s24;
	_ =	swait.ge [sflag:s20], $0x3200  }
0x48: {  	p1 =	sne.s32 s24, $0x5;
	[sflag:s20] =	ssyncset.done $0x0  }
.Ltmp1:
0x49: {  	[sflag:s20] =	ssyncadd.s32 $0xFFFFCE00;
	(pc) =	sbr.rel @p1 .LBB2_2-.Ltmp1, $4  }
0x4a: {  	[spmem:s1] =	stream.indirect.scatter.add.f32 [tilespmem:s22], [sflag:$0x3], $0x80, s21, s18, $0xb8;
	[tilespmem:$0x1B880] =	vst v63  }
0x4b: {  	_ =	swait.ge [sflag:s16], $0x3200  }
0x4c: {  	[sflag:s16] =	ssyncset.done $0x0  }
0x4d: {  	[sflag:s16] =	ssyncadd.s32 $0xFFFFCE00  }
0x4e: {  	[bflag:$0x0] =	sbarrier.arrive $0xFFFF  }
0x4f: {  	[hbm:s12], [sflag:s9] =	dma.local [spmem:s15], $0x2700  }
0x50: {  	s23 =	sadd.s32 $0x1, s23;
	_ =	swait.ge [sflag:s16], $0x2700  }
0x51: {  	p1 =	sne.s32 s23, s14;
	[sflag:s16] =	ssyncset.done $0x0  }
.Ltmp2:
0x52: {  	s0 =	simm.s32 @!p0 $0x3;
	[sflag:s16] =	ssyncadd.s32 $0xFFFFD900;
	(pc) =	sbr.rel @p1 .LBB2_1-.Ltmp2, $4  }
0x53: {  	[hbm:s13], [sflag:s9] =	dma.local @!p0 [spmem:s17], $0x100  }
0x54: {  	_ =	swait.ge @!p0 [sflag:s0], $0x100  }
0x55: {  	[sflag:s0] =	ssyncset.done @!p0 $0x0  }
0x56: {  	[sflag:s0] =	ssyncadd.s32 @!p0 $0xFFFFFF00  }
0x57: {  	_ =	sfence.sel $0x180000  }
0x58: {  	[bflag:$0x0] =	sbarrier.arrive $0xFFFF  }
0x59: {  	_ =	strace $0x9000004A  }
0x5a: {  	s0 =	stileid.u32;
	[bflag:$0x2] =	sbarrier.arrive $0xFFFF  }
0x5b: {  	p0 =	sne.s32 s0, $0x0;
	s0 =	rddreg [dreg:$0x3]  }
0x5c: {  	s0 =	sadd.s32 @!p0 $0x100000, s0  }
0x5d: {  	[sflag:s0] =	ssyncadd.tile.s32 @!p0 $0x1;
	_ =	shalt  }
.Lfunc_end2:
_tile_overlayer_lowered:
.L_overlay_start_2:
0x5e: {  	(tag) =	ssettag $0x2  }
0x5f: {  	s0 =	rddreg [dreg:$0x0];
	s2 =	stileid.u32  }
0x60: {  	s1 =	rddreg [dreg:$0x1];
	p0 =	sne.s32 s2, $0x0  }
0x61: {  	s3 =	rddreg [dreg:$0x2];
	[bflag:$0x3] =	sbarrier.arrive $0xFFFF;
	s2 =	simm.s32 @!p0 $0x1C03  }
0x62: {  	[timem:s3], [sflag:s2] =	dma.local @!p0 [hbm:s0], s1  }
0x63: {  	s0 =	simm.s32 @!p0 $0x3  }
0x64: {  	_ =	swait.ge @!p0 [sflag:s0], s1  }
0x65: {  	s1 =	ssub.s32 @!p0 $0x0, s1;
	[sflag:s0] =	ssyncset.done @!p0 $0x0  }
0x66: {  	[sflag:s0] =	ssyncadd.s32 @!p0 s1  }
0x67: {  	[bflag:$0x3] =	sbarrier.arrive $0xFFFF  }
0x68: {  	_ =	shalt  }

// kernel: kernel.21.cloned.1.call-start
scs
__scs_entry_jumppad:
0x0: {  	(pc) =	sbr.rel $0x88, $3  }
0x1: {  	(tag) =	ssettag $0x0;
	lr =	simm.s32 $0x1  }
0x2: {  	[smem:$0x3F96] =	sst lr;
	_ =	strace $0xD0000000  }
0x3: {  	_ = 	snop  }
0x4: {  	_ = 	snop  }
0x5: {  	_ = 	snop  }
0x6: {  	_ = 	snop  }
0x7: {  	_ = 	snop  }
__scs_overlays_trampoline_lowered:
0x8: {  	[smem:$0x3FA5] =	sst s0  }
0x9: {  	[smem:$0x3FA6] =	sst s1  }
0xa: {  	[smem:$0x3FA7] =	sst s2  }
0xb: {  	[smem:$0x3FA8] =	sst s3  }
0xc: {  	[smem:$0x3FA9] =	sst s4  }
0xd: {  	[smem:$0x3FAA] =	sst s5  }
0xe: {  	[smem:$0x3FAB] =	sst s6  }
0xf: {  	[smem:$0x3FAC] =	sst s7  }
0x10: {  	[smem:$0x3FAD] =	sst s8  }
0x11: {  	[smem:$0x3FAE] =	sst s9;
	s0 =	simm.s32 @!p0 $0x0  }
0x12: {  	s1 =	sld [smem:$0x3F94];
	s0 =	simm.s32 @p0 $0x1  }
0x13: {  	[smem:$0x3FAF] =	sst s0;
	s0 =	simm.s32 @!p1 $0x0  }
0x14: {  	s2 =	sld [smem:$0x3F93];
	s0 =	simm.s32 @p1 $0x1  }
0x15: {  	[smem:$0x3FB0] =	sst s0;
	s0 =	simm.s32 @!p2 $0x0  }
0x16: {  	s3 =	sld [smem:$0x3FDB];
	s0 =	simm.s32 @p2 $0x1  }
0x17: {  	s4 =	simm.s32 $0x1BF5;
	[smem:$0x3FB2] =	sst s0  }
0x18: {  	s0 =	sld [smem:$0x3F95];
	_ =	swait.ge [sflag:s4], $0x0  }
0x19: {  	s7 =	sld [smem:$0x3F96]  }
0x1a: {  	s8 =	sadd.s32 $0xFFFFE003, lr  }
0x1b: {  	s9 =	sadd.s32 $0xFFFFFEF7, lr;
	s5 =	simm.s32 $0xFFFFFFFF;
	p2 =	slt.u32 s8, $0xFFFFF086  }
0x1c: {  	p1 =	slt.u32 s9, $0xF7A;
	s5 =	simm.s32 @!p2 $0x0  }
0x1d: {  	s5 =	simm.s32 @p1 $0x1;
	p0 =	seq.s32 s7, s2  }
0x1e: {  	s7 =	smul.u32 @!p0 $0xF7A, s2;
	p2 =	seq.s32 @!p0 s5, $0x0  }
0x1f: {  	s9 =	smul.u32 $0xF7A, s1;
	s8 =	simm.s32 @!p0 $0x1BF5;
	p2 =	por !p2, p0  }
0x20: {  	[sflag:s8] =	ssyncset.s32 @!p0 $0xFFFFF086;
	s6 =	sadd.s32 @!p0 s3, s7;
	s7 =	simm.s32 @!p0 $0x108  }
0x21: {  	s3 =	sadd.s32 s3, s9;
	s6 =	sadd.s32 @!p0 $0x88, s6;
	s7 =	simm.s32 @p2 $0x1082  }
0x22: {  	[simem:s7], [sflag:s8] =	dma.local @!p0 [hbm:s6], $0xF7A  }
0x23: {  	s9 =	sor.u32 $0xD0000000, s2;
	s6 =	simm.s32 $0x108;
	_ =	swait.ge @!p0 [sflag:s8], $0x0  }
0x24: {  	s3 =	sadd.s32 $0x88, s3;
	s6 =	simm.s32 @!p1 $0x1082;
	[sflag:s4] =	ssyncset.s32 $0xFFFFF086  }
0x25: {  	[simem:s6], [sflag:s4] =	dma.local [hbm:s3], $0xF7A  }
0x26: {  	[smem:$0x3F96] =	sst s1;
	(tag) =	ssettag s2;
	_ =	strace s9  }
0x27: {  	s1 =	sld [smem:$0x3FA6]  }
0x28: {  	s2 =	sld [smem:$0x3FA7]  }
0x29: {  	s4 =	sld [smem:$0x3FA9]  }
0x2a: {  	p0 =	seq.s32 s5, $0x0;
	s5 =	sld [smem:$0x3FAA]  }
0x2b: {  	s6 =	sld [smem:$0x3FAB]  }
0x2c: {  	s7 =	sld [smem:$0x3FAC]  }
0x2d: {  	s3 =	simm.s32 $0x108;
	s8 =	sld [smem:$0x3FAD]  }
0x2e: {  	s3 =	simm.s32 @!p0 $0x1082;
	s9 =	sld [smem:$0x3FAE]  }
0x2f: {  	lr =	sadd.s32 s0, s3;
	s0 =	sld [smem:$0x3FA5]  }
0x30: {  	s3 =	sld [smem:$0x3FA8]  }
0x31: {  	[smem:$0x3FB1] =	sst s10  }
0x32: {  	s10 =	sld [smem:$0x3FAF];
	_ =	sdelay $0x3  }
0x33: {  	p0 =	seq.s32 s10, $0x1;
	s10 =	sld [smem:$0x3FB1];
	_ =	sdelay $0x3  }
0x34: {  	[smem:$0x3FB1] =	sst s10  }
0x35: {  	s10 =	sld [smem:$0x3FB0];
	_ =	sdelay $0x3  }
0x36: {  	p1 =	seq.s32 s10, $0x1;
	s10 =	sld [smem:$0x3FB1];
	_ =	sdelay $0x3  }
0x37: {  	[smem:$0x3FB1] =	sst s10  }
0x38: {  	s10 =	sld [smem:$0x3FB2]  }
0x39: {  	_ = 	snop;
	(pc) =	sbr.ind lr, $3  }
0x3a: {  	_ = 	snop  }
0x3b: {  	_ = 	snop  }
0x3c: {  	p2 =	seq.s32 s10, $0x1;
	s10 =	sld [smem:$0x3FB1]  }
0x3d: {  	_ =	shalt  }
0x3e: {  	_ =	shalt  }
0x3f: {  	_ =	shalt  }
0x40: {  	_ =	shalt  }
0x41: {  	_ =	shalt  }
0x42: {  	_ =	shalt  }
0x43: {  	_ =	shalt  }
0x44: {  	_ =	shalt  }
0x45: {  	_ =	shalt  }
0x46: {  	_ =	shalt  }
0x47: {  	_ =	shalt  }
0x48: {  	_ =	shalt  }
0x49: {  	_ =	shalt  }
0x4a: {  	_ =	shalt  }
0x4b: {  	_ =	shalt  }
0x4c: {  	_ =	shalt  }
0x4d: {  	_ =	shalt  }
0x4e: {  	_ =	shalt  }
0x4f: {  	_ =	shalt  }
0x50: {  	_ =	shalt  }
0x51: {  	_ =	shalt  }
0x52: {  	_ =	shalt  }
0x53: {  	_ =	shalt  }
0x54: {  	_ =	shalt  }
0x55: {  	_ =	shalt  }
0x56: {  	_ =	shalt  }
0x57: {  	_ =	shalt  }
0x58: {  	_ =	shalt  }
0x59: {  	_ =	shalt  }
0x5a: {  	_ =	shalt  }
0x5b: {  	_ =	shalt  }
0x5c: {  	_ =	shalt  }
0x5d: {  	_ =	shalt  }
0x5e: {  	_ =	shalt  }
0x5f: {  	_ =	shalt  }
0x60: {  	_ =	shalt  }
0x61: {  	_ =	shalt  }
0x62: {  	_ =	shalt  }
0x63: {  	_ =	shalt  }
0x64: {  	_ =	shalt  }
0x65: {  	_ =	shalt  }
0x66: {  	_ =	shalt  }
0x67: {  	_ =	shalt  }
0x68: {  	_ =	shalt  }
0x69: {  	_ =	shalt  }
0x6a: {  	_ =	shalt  }
0x6b: {  	_ =	shalt  }
0x6c: {  	_ =	shalt  }
0x6d: {  	_ =	shalt  }
0x6e: {  	_ =	shalt  }
0x6f: {  	_ =	shalt  }
0x70: {  	_ =	shalt  }
0x71: {  	_ =	shalt  }
0x72: {  	_ =	shalt  }
0x73: {  	_ =	shalt  }
0x74: {  	_ =	shalt  }
0x75: {  	_ =	shalt  }
0x76: {  	_ =	shalt  }
0x77: {  	_ =	shalt  }
0x78: {  	_ =	shalt  }
0x79: {  	_ =	shalt  }
0x7a: {  	_ =	shalt  }
0x7b: {  	_ =	shalt  }
0x7c: {  	_ =	shalt  }
0x7d: {  	_ =	shalt  }
0x7e: {  	_ =	shalt  }
0x7f: {  	_ =	shalt  }
0x80: {  	_ =	shalt  }
0x81: {  	_ =	shalt  }
0x82: {  	_ =	shalt  }
0x83: {  	_ =	shalt  }
0x84: {  	_ =	shalt  }
0x85: {  	_ =	shalt  }
0x86: {  	_ =	shalt  }
0x87: {  	_ =	shalt  }
.Lfunc_end0:
.L_simem_size_0:
called_computation.2_lowered:
.L_overlay_start_0:
0x88: {  	s2 =	sld [smem:$0x3FD9]  }
0x89: {  	s3 =	sld [smem:$0x3FFE];
	_ =	sdelay $0x1  }
0x8a: {  	s1 =	srdreg.scid  }
0x8b: {  	s0 =	sand.u32 $0x1, s1  }
0x8c: {  	s17 =	sshll.u32 s0, $0xA;
	s2 =	sadd.s32 s3, s2  }
0x8d: {  	s2 =	sadd.s32 s2, s17  }
0x8e: {  	[smem:$0x3FBD] =	sst s2  }
0x8f: {  	_ = 	snop  }
0x90: {  	s2 =	sld [smem:$0x3FD0];
	(tm) =	ssettm $0x1  }
0x91: {  	s18 =	sld [smem:$0x3FFB];
	_ =	sdelay $0x3  }
0x92: {  	_ =	strace s18  }
0x93: {  	s3 =	sld [smem:$0x3FFC];
	_ =	sdelay $0x3  }
0x94: {  	_ =	strace s3  }
0x95: {  	s3 =	sld [smem:$0x3FFD];
	_ =	sdelay $0x3  }
0x96: {  	_ =	strace s3  }
0x97: {  	_ =	strace $0x8FFFFFFF  }
0x98: {  	s19 =	sld [smem:$0x3FDB];
	_ =	sdelay $0x1  }
0x99: {  	s4 =	simm.s32 $_scs_section_size  }
0x9a: {  	s5 =	simm.s32 $_size__tile_overlayer_lowered;
	s6 =	simm.s32 $_tile_overlayer_lowered  }
0x9b: {  	s22 =	simm.s32 $0x1BFF;
	s21 =	sshll.u32 s6, $0x1;
	s3 =	sadd.s32 s4, s19  }
0x9c: {  	s7 =	simm.s32 $0x0;
	s20 =	sshll.u32 s5, $0x1;
	s5 =	sadd.s32 s21, s3  }
0x9d: {  	[timem:s7], [sflag:s22] =	dma.local [hbm:s5], s20  }
0x9e: {  	_ =	swait.ge [sflag:s22], s20  }
0x9f: {  	s4 =	ssub.s32 $0x0, s20;
	[sflag:s22] =	ssyncset.done $0x0  }
0xa0: {  	[sflag:s22] =	ssyncadd.s32 s4;
	_ =	sdelay $0x1  }
0xa1: {  	s23 =	simm.s32 $0x1B8B  }
0xa2: {  	_ =	swait.ge [sflag:s23], $0x1  }
0xa3: {  	[sflag:s23] =	ssyncset.done $0x0  }
0xa4: {  	s25 =	simm.s32 $0x1B8E;
	s24 =	sld [smem:$0x3FFE];
	[sflag:s23] =	ssyncadd.s32 $0xFFFFFFFF  }
0xa5: {  	s26 =	simm.s32 $execute0_lowered;
	[smem:$0x3FD2] =	sst s25  }
0xa6: {  	s5 =	sshll.u32 s26, $0x1;
	_ =	strace $0x8000004C;
	[dreg:$0x1] =	wrdreg $0xFFFFFFFF  }
0xa7: {  	s28 =	simm.s32 $_size_execute0_lowered;
	s3 =	sadd.s32 s3, s5;
	[dreg:$0x0] =	wrdreg $0x0  }
0xa8: {  	s5 =	sshll.u32 s28, $0x1;
	[dreg:$0x2] =	wrdreg s3  }
0xa9: {  	[dreg:$0x3] =	wrdreg s5  }
0xaa: {  	[dreg:$0x4] =	wrdreg $0xC0  }
0xab: {  	_ =	task [dreg:s7], $0x5FFFF  }
0xac: {  	[dreg:$0x1] =	wrdreg $0xFFFFFFFF  }
0xad: {  	[dreg:$0x0] =	wrdreg $0x60  }
0xae: {  	[dreg:$0x2] =	wrdreg s2  }
0xaf: {  	[dreg:$0x3] =	wrdreg s24  }
0xb0: {  	[dreg:$0x4] =	wrdreg $0x80000  }
0xb1: {  	[dreg:$0x5] =	wrdreg $0x9  }
0xb2: {  	_ =	task.clear_ibuf [dreg:s7], $0x6FFFF;
	_ =	strace $0x9000004C  }
0xb3: {  	s29 =	simm.s32 $0x9;
	_ =	strace $0x8000004E  }
0xb4: {  	_ =	swait.ge [sflag:s29], $0x1  }
0xb5: {  	[sflag:s29] =	ssyncadd.s32 $0xFFFFFFFF  }
0xb6: {  	_ =	strace $0x9000004E  }
0xb7: {  	_ =	sfence  }
0xb8: {  	s30 =	sld [smem:$0x0];
	_ =	sdelay $0x2  }
0xb9: {  	s31 =	sshll.u32 s1, $0xD;
	s1 =	sshrl.u32 s1, $0x2  }
0xba: {  	s3 =	sand.u32 $0x4000, s31;
	s1 =	sadd.s32 s1, s30  }
0xbb: {  	s0 =	sor.u32 s3, s0;
	s1 =	sshll.u32 s1, $0x11  }
0xbc: {  	s0 =	sor.u32 s1, s0  }
0xbd: {  	s0 =	sadd.s32 $0x8F2B, s0  }
0xbe: {  	[sflag:s0] =	ssyncadd.remote.s32 $0x1  }
0xbf: {  	_ =	sfence.sel $0xFFFF  }
0xc0: {  	[dreg:$0x0] =	wrdreg $0xFFFFFFFF;
	(pc) =	sbr.abs _section_cstart, $3  }
0xc1: {  	[dreg:$0x1] =	wrdreg $0xFFFFFFFF  }
0xc2: {  	_ =	task.clear_ibuf [dreg:s7], $0x2FFFF;
	_ =	strace $0x9FFFFFFF  }
0xc3: {  	(tm) =	ssettm $0x7FFFFFFF  }
tec
execute0_lowered:
.L_overlay_start_1:
0x0: {  	(tag) =	ssettag $0x1  }
0x1: {  	s10 =	rddreg [dreg:$0x0]  }
0x2: {  	s7 =	rddreg [dreg:$0x1]  }
0x3: {  	s1 =	rddreg [dreg:$0x2]  }
0x4: {  	s2 =	simm.s32 $0x0;
	s3 =	srdreg.scid;
	s0 =	stileid.u32  }
0x5: {  	s19 =	simm.s32 $0x1800;
	s20 =	simm.s32 $0x2;
	s21 =	simm.s32 $0x1580  }
0x6: {  	s22 =	simm.s32 $0x4C00;
	s23 =	simm.s32 $0x0;
	[smem:$0x7FF] =	sst s2  }
0x7: {  	s8 =	sand.u32 $0x1, s3;
	s4 =	sadd.s32 $0x1CA00, s7;
	s12 =	smul.u32 $0x270, s0  }
0x8: {  	s5 =	sadd.s32 $0xDA00, s7;
	s6 =	sadd.s32 $0x6200, s7;
	s14 =	smul.u32 $0x4E000, s0  }
0x9: {  	s15 =	sadd.s32 $0x1A3400, s7;
	s30 =	sshll.u32 s0, $0x6;
	s9 =	smul.u32 $0x2710, s8  }
0xa: {  	s18 =	sadd.s32 $0x138000, s1;
	p0 =	sne.s32 s0, $0xF;
	s26 =	smul.u32 $0x138800, s8  }
0xb: {  	_ =	strace $0x8000004D;
	s11 =	ssub.s32 $0x2, s8;
	s29 =	smul.u32 $0x3C000, s8  }
0xc: {  	s8 =	smul.u32 $0x3C00, s0;
	s13 =	sshrl.u32 s11, $0x1;
	s25 =	sshrl.u32 s14, $0x2  }
0xd: {  	s16 =	ssub.s32 s11, s13;
	s24 =	sadd.s32 s12, s9;
	s17 =	sadd.s32 s25, s1  }
0xe: {  	s11 =	sshrl.u32 s26, $0x3;
	s9 =	sor.u32 $0x1C03, s30;
	s12 =	sshll.u32 s24, $0x4  }
0xf: {  	s31 =	sadd.s32 $0x27000, s11;
	s11 =	sadd.s32 s29, s8;
	s14 =	smax.u32 s16, $0x1  }
0x10: {  	s16 =	simm.s32 $0x3;
	s28 =	sadd.s32 s10, s12;
	s10 =	sadd.s32 s10, s31  }
0x11: {  	s12 =	sadd.s32 s15, s12;
	s13 =	sadd.s32 s15, s31;
	s15 =	sshrl.u32 s17, $0x3  }
0x12: {  	s17 =	sshrl.u32 @!p0 s18, $0x3;
	s18 =	simm.s32 $0x64;
	[dreg:$0x4] =	wrdreg s28  }
.LBB2_1:
0x13: {  	s0 =	rddreg [dreg:$0x4]  }
0x14: {  	[spmem:s15], [sflag:s9] =	dma.local [hbm:s0], $0x2700  }
0x15: {  	_ =	swait.ge [sflag:s16], $0x2700  }
0x16: {  	[sflag:s16] =	ssyncset.done $0x0  }
0x17: {  	s24 =	simm.s32 @!p0 $0x3;
	[sflag:s16] =	ssyncadd.s32 $0xFFFFD900  }
0x18: {  	[spmem:s17], [sflag:s9] =	dma.local @!p0 [hbm:s10], $0x100  }
0x19: {  	_ =	swait.ge @!p0 [sflag:s24], $0x100  }
0x1a: {  	[sflag:s24] =	ssyncset.done @!p0 $0x0  }
0x1b: {  	[sflag:s24] =	ssyncadd.s32 @!p0 $0xFFFFFF00  }
0x1c: {  	s24 =	simm.s32 $0x0;
	[bflag:$0x0] =	sbarrier.arrive $0xFFFF  }
.LBB2_2:
0x1d: {  	s25 =	smul.u32 $0xC00, s24;
	_ =	sdelay $0x1  }
0x1e: {  	s26 =	sadd.s32 s11, s25  }
0x1f: {  	s26 =	sshrl.u32 s26, $0x3  }
0x20: {  	s25 =	sadd.s32 s8, s25;
	s26 =	sadd.s32 s5, s26  }
0x21: {  	[tilespmem:s2], [sflag:$0x3] =	stream.linear.gather [hbm4b:s26+s2], $0xA00, $0x38;
	[tilespmem:$0x1B880] =	vst v63  }
0x22: {  	s25 =	sshrl.u32 s25, $0x3;
	_ =	swait.ge [sflag:s16], $0xA00  }
0x23: {  	s3 =	simm.s32 $0x1;
	s0 =	sadd.s32 s6, s25;
	[sflag:s16] =	ssyncset.done $0x0  }
0x24: {  	s25 =	simm.s32 $0xC00;
	s26 =	sand.u32 $0x1, s3;
	[sflag:s16] =	ssyncadd.s32 $0xFFFFF600  }
0x25: {  	[tilespmem:s25], [sflag:$0x3] =	stream.linear.gather [hbm4b:s0+s2], $0xA00, $0x38;
	[tilespmem:$0x1B880] =	vst v63  }
0x26: {  	s29 =	simm.s32 $0x0;
	s28 =	smul.u32 $0xD000, s26;
	_ =	swait.ge [sflag:s16], $0xA00  }
0x27: {  	s30 =	simm.s32 $0x80;
	s29 =	sand.u32 $0x1, s29;
	[sflag:s16] =	ssyncset.done $0x0  }
0x28: {  	s31 =	smul.u32 $0xD000, s29;
	s28 =	sshrl.u32 s28, $0x2;
	[sflag:s16] =	ssyncadd.s32 $0xFFFFF600  }
0x29: {  	[tilespmem:s19], [sflag:$0x1] =	stream.indirect.gather [hbm4b:s4+s18], $0x80, s2, s18, $0xb8;
	[tilespmem:$0x1B880] =	vst v63  }
0x2a: {  	s26 =	sadd.s32 $0x1, s26;
	s28 =	sadd.s32 $0x1800, s28;
	s0 =	sadd.s32 $0x1, s29  }
0x2b: {  	[tilespmem:s28], [sflag:s26] =	stream.indirect.gather [hbm4b:s4+s18], $0x80, s30, s18, $0xb8;
	[tilespmem:$0x1B880] =	vst v63  }
0x2c: {  	s7 =	sshrl.u32 s31, $0x2;
	_ =	swait.ge [sflag:s0], $0x3200  }
0x2d: {  	s29 =	simm.s32 $0x2;
	s26 =	sadd.s32 $0x1800, s7;
	[sflag:s0] =	ssyncset.done $0x0  }
0x2e: {  	s30 =	simm.s32 $0x3;
	s28 =	sand.u32 $0x1, s29;
	[sflag:s0] =	ssyncadd.s32 $0xFFFFCE00  }
0x2f: {  	[spmem:s1] =	stream.indirect.scatter.add.f32 [tilespmem:s26], [sflag:$0x3], $0x80, s25, s18, $0xb8;
	[tilespmem:$0x1B880] =	vst v63  }
0x30: {  	s31 =	smul.u32 $0xD000, s28;
	s26 =	simm.s32 $0x100;
	_ =	swait.ge [sflag:s16], $0x3200  }
.LBB2_3:
0x31: {  	[sflag:s16] =	ssyncset.done $0x0  }
0x32: {  	s25 =	sadd.s32 $0x80, s25;
	s0 =	smov.u32 s30;
	s3 =	sadd.s32 $0x1, s30  }
0x33: {  	s29 =	sadd.s32 $0xFFFFFFFF, s29;
	s31 =	sshrl.u32 s31, $0x2;
	[sflag:s16] =	ssyncadd.s32 $0xFFFFCE00  }
0x34: {  	s28 =	sadd.s32 $0x1, s28;
	s29 =	sand.u32 $0x1, s29;
	s31 =	sadd.s32 $0x1800, s31  }
0x35: {  	p1 =	sne.s32 s30, $0x13;
	s30 =	smul.u32 $0xD000, s29;
	s7 =	sadd.s32 $0x1, s29  }
0x36: {  	[tilespmem:s31], [sflag:s28] =	stream.indirect.gather [hbm4b:s4+s18], $0x80, s26, s18, $0xb8;
	[tilespmem:$0x1B880] =	vst v63  }
.Ltmp0:
0x37: {  	s28 =	sshrl.u32 s30, $0x2;
	_ =	swait.ge [sflag:s7], $0x3200;
	(pc) =	sbr.rel @p1 .LBB2_3-.Ltmp0, $4  }
0x38: {  	s29 =	smov.u32 s0;
	s30 =	sadd.s32 $0x1800, s28;
	[sflag:s7] =	ssyncset.done $0x0  }
0x39: {  	s26 =	sadd.s32 $0x80, s26;
	s28 =	sand.u32 $0x1, s29;
	[sflag:s7] =	ssyncadd.s32 $0xFFFFCE00  }
0x3a: {  	[spmem:s1] =	stream.indirect.scatter.add.f32 [tilespmem:s30], [sflag:$0x3], $0x80, s25, s18, $0xb8;
	[tilespmem:$0x1B880] =	vst v63  }
0x3b: {  	s31 =	smul.u32 $0xD000, s28;
	s30 =	smov.u32 s3;
	_ =	swait.ge [sflag:s16], $0x3200  }
0x3c: {  	[sflag:s16] =	ssyncset.done $0x0;
	s0 =	sadd.s32 $0xFFFFFFFF, s29;
	s7 =	sadd.s32 $0x1, s28  }
0x3d: {  	s3 =	sshrl.u32 s31, $0x2;
	[sflag:s16] =	ssyncadd.s32 $0xFFFFCE00;
	s0 =	sand.u32 $0x1, s0  }
0x3e: {  	s3 =	sadd.s32 $0x1800, s3;
	s29 =	smul.u32 $0xD000, s0;
	s0 =	sadd.s32 $0x1, s0  }
0x3f: {  	[tilespmem:s3], [sflag:s7] =	stream.indirect.gather [hbm4b:s4+s18], $0x80, s26, s18, $0xb8;
	[tilespmem:$0x1B880] =	vst v63  }
0x40: {  	_ =	swait.ge [sflag:s0], $0x3200  }
0x41: {  	s30 =	sshrl.u32 s29, $0x2;
	[sflag:s0] =	ssyncset.done $0x0  }
0x42: {  	s31 =	sadd.s32 $0x80, s25;
	s3 =	sadd.s32 $0x1800, s30;
	[sflag:s0] =	ssyncadd.s32 $0xFFFFCE00  }
0x43: {  	[spmem:s1] =	stream.indirect.scatter.add.f32 [tilespmem:s3], [sflag:$0x3], $0x80, s31, s18, $0xb8;
	[tilespmem:$0x1B880] =	vst v63  }
0x44: {  	_ =	swait.ge [sflag:s16], $0x3200  }
0x45: {  	[sflag:s16] =	ssyncset.done $0x0  }
0x46: {  	[sflag:s16] =	ssyncadd.s32 $0xFFFFCE00  }
0x47: {  	s24 =	sadd.s32 $0x1, s24;
	_ =	swait.ge [sflag:s20], $0x3200  }
0x48: {  	p1 =	sne.s32 s24, $0x5;
	[sflag:s20] =	ssyncset.done $0x0  }
.Ltmp1:
0x49: {  	[sflag:s20] =	ssyncadd.s32 $0xFFFFCE00;
	(pc) =	sbr.rel @p1 .LBB2_2-.Ltmp1, $4  }
0x4a: {  	[spmem:s1] =	stream.indirect.scatter.add.f32 [tilespmem:s22], [sflag:$0x3], $0x80, s21, s18, $0xb8;
	[tilespmem:$0x1B880] =	vst v63  }
0x4b: {  	_ =	swait.ge [sflag:s16], $0x3200  }
0x4c: {  	[sflag:s16] =	ssyncset.done $0x0  }
0x4d: {  	[sflag:s16] =	ssyncadd.s32 $0xFFFFCE00  }
0x4e: {  	[bflag:$0x0] =	sbarrier.arrive $0xFFFF  }
0x4f: {  	[hbm:s12], [sflag:s9] =	dma.local [spmem:s15], $0x2700  }
0x50: {  	s23 =	sadd.s32 $0x1, s23;
	_ =	swait.ge [sflag:s16], $0x2700  }
0x51: {  	p1 =	sne.s32 s23, s14;
	[sflag:s16] =	ssyncset.done $0x0  }
.Ltmp2:
0x52: {  	s0 =	simm.s32 @!p0 $0x3;
	[sflag:s16] =	ssyncadd.s32 $0xFFFFD900;
	(pc) =	sbr.rel @p1 .LBB2_1-.Ltmp2, $4  }
0x53: {  	[hbm:s13], [sflag:s9] =	dma.local @!p0 [spmem:s17], $0x100  }
0x54: {  	_ =	swait.ge @!p0 [sflag:s0], $0x100  }
0x55: {  	[sflag:s0] =	ssyncset.done @!p0 $0x0  }
0x56: {  	[sflag:s0] =	ssyncadd.s32 @!p0 $0xFFFFFF00  }
0x57: {  	_ =	sfence.sel $0x180000  }
0x58: {  	[bflag:$0x0] =	sbarrier.arrive $0xFFFF  }
0x59: {  	_ =	strace $0x9000004D  }
0x5a: {  	s0 =	stileid.u32;
	[bflag:$0x2] =	sbarrier.arrive $0xFFFF  }
0x5b: {  	p0 =	sne.s32 s0, $0x0;
	s0 =	rddreg [dreg:$0x3]  }
0x5c: {  	s0 =	sadd.s32 @!p0 $0x100000, s0  }
0x5d: {  	[sflag:s0] =	ssyncadd.tile.s32 @!p0 $0x1;
	_ =	shalt  }
.Lfunc_end2:
_tile_overlayer_lowered:
.L_overlay_start_2:
0x5e: {  	(tag) =	ssettag $0x2  }
0x5f: {  	s0 =	rddreg [dreg:$0x0];
	s2 =	stileid.u32  }
0x60: {  	s1 =	rddreg [dreg:$0x1];
	p0 =	sne.s32 s2, $0x0  }
0x61: {  	s3 =	rddreg [dreg:$0x2];
	[bflag:$0x3] =	sbarrier.arrive $0xFFFF;
	s2 =	simm.s32 @!p0 $0x1C03  }
0x62: {  	[timem:s3], [sflag:s2] =	dma.local @!p0 [hbm:s0], s1  }
0x63: {  	s0 =	simm.s32 @!p0 $0x3  }
0x64: {  	_ =	swait.ge @!p0 [sflag:s0], s1  }
0x65: {  	s1 =	ssub.s32 @!p0 $0x0, s1;
	[sflag:s0] =	ssyncset.done @!p0 $0x0  }
0x66: {  	[sflag:s0] =	ssyncadd.s32 @!p0 s1  }
0x67: {  	[bflag:$0x3] =	sbarrier.arrive $0xFFFF  }
0x68: {  	_ =	shalt  }

// kernel: kernel.24.cloned.1.call-start
scs
__scs_entry_jumppad:
0x0: {  	(pc) =	sbr.rel $0x88, $3  }
0x1: {  	(tag) =	ssettag $0x0;
	lr =	simm.s32 $0x1  }
0x2: {  	[smem:$0x3F96] =	sst lr;
	_ =	strace $0xD0000000  }
0x3: {  	_ = 	snop  }
0x4: {  	_ = 	snop  }
0x5: {  	_ = 	snop  }
0x6: {  	_ = 	snop  }
0x7: {  	_ = 	snop  }
__scs_overlays_trampoline_lowered:
0x8: {  	[smem:$0x3FA5] =	sst s0  }
0x9: {  	[smem:$0x3FA6] =	sst s1  }
0xa: {  	[smem:$0x3FA7] =	sst s2  }
0xb: {  	[smem:$0x3FA8] =	sst s3  }
0xc: {  	[smem:$0x3FA9] =	sst s4  }
0xd: {  	[smem:$0x3FAA] =	sst s5  }
0xe: {  	[smem:$0x3FAB] =	sst s6  }
0xf: {  	[smem:$0x3FAC] =	sst s7  }
0x10: {  	[smem:$0x3FAD] =	sst s8  }
0x11: {  	[smem:$0x3FAE] =	sst s9;
	s0 =	simm.s32 @!p0 $0x0  }
0x12: {  	s1 =	sld [smem:$0x3F94];
	s0 =	simm.s32 @p0 $0x1  }
0x13: {  	[smem:$0x3FAF] =	sst s0;
	s0 =	simm.s32 @!p1 $0x0  }
0x14: {  	s2 =	sld [smem:$0x3F93];
	s0 =	simm.s32 @p1 $0x1  }
0x15: {  	[smem:$0x3FB0] =	sst s0;
	s0 =	simm.s32 @!p2 $0x0  }
0x16: {  	s3 =	sld [smem:$0x3FDB];
	s0 =	simm.s32 @p2 $0x1  }
0x17: {  	s4 =	simm.s32 $0x1BF5;
	[smem:$0x3FB2] =	sst s0  }
0x18: {  	s0 =	sld [smem:$0x3F95];
	_ =	swait.ge [sflag:s4], $0x0  }
0x19: {  	s7 =	sld [smem:$0x3F96]  }
0x1a: {  	s8 =	sadd.s32 $0xFFFFE003, lr  }
0x1b: {  	s9 =	sadd.s32 $0xFFFFFEF7, lr;
	s5 =	simm.s32 $0xFFFFFFFF;
	p2 =	slt.u32 s8, $0xFFFFF086  }
0x1c: {  	p1 =	slt.u32 s9, $0xF7A;
	s5 =	simm.s32 @!p2 $0x0  }
0x1d: {  	s5 =	simm.s32 @p1 $0x1;
	p0 =	seq.s32 s7, s2  }
0x1e: {  	s7 =	smul.u32 @!p0 $0xF7A, s2;
	p2 =	seq.s32 @!p0 s5, $0x0  }
0x1f: {  	s9 =	smul.u32 $0xF7A, s1;
	s8 =	simm.s32 @!p0 $0x1BF5;
	p2 =	por !p2, p0  }
0x20: {  	[sflag:s8] =	ssyncset.s32 @!p0 $0xFFFFF086;
	s6 =	sadd.s32 @!p0 s3, s7;
	s7 =	simm.s32 @!p0 $0x108  }
0x21: {  	s3 =	sadd.s32 s3, s9;
	s6 =	sadd.s32 @!p0 $0x88, s6;
	s7 =	simm.s32 @p2 $0x1082  }
0x22: {  	[simem:s7], [sflag:s8] =	dma.local @!p0 [hbm:s6], $0xF7A  }
0x23: {  	s9 =	sor.u32 $0xD0000000, s2;
	s6 =	simm.s32 $0x108;
	_ =	swait.ge @!p0 [sflag:s8], $0x0  }
0x24: {  	s3 =	sadd.s32 $0x88, s3;
	s6 =	simm.s32 @!p1 $0x1082;
	[sflag:s4] =	ssyncset.s32 $0xFFFFF086  }
0x25: {  	[simem:s6], [sflag:s4] =	dma.local [hbm:s3], $0xF7A  }
0x26: {  	[smem:$0x3F96] =	sst s1;
	(tag) =	ssettag s2;
	_ =	strace s9  }
0x27: {  	s1 =	sld [smem:$0x3FA6]  }
0x28: {  	s2 =	sld [smem:$0x3FA7]  }
0x29: {  	s4 =	sld [smem:$0x3FA9]  }
0x2a: {  	p0 =	seq.s32 s5, $0x0;
	s5 =	sld [smem:$0x3FAA]  }
0x2b: {  	s6 =	sld [smem:$0x3FAB]  }
0x2c: {  	s7 =	sld [smem:$0x3FAC]  }
0x2d: {  	s3 =	simm.s32 $0x108;
	s8 =	sld [smem:$0x3FAD]  }
0x2e: {  	s3 =	simm.s32 @!p0 $0x1082;
	s9 =	sld [smem:$0x3FAE]  }
0x2f: {  	lr =	sadd.s32 s0, s3;
	s0 =	sld [smem:$0x3FA5]  }
0x30: {  	s3 =	sld [smem:$0x3FA8]  }
0x31: {  	[smem:$0x3FB1] =	sst s10  }
0x32: {  	s10 =	sld [smem:$0x3FAF];
	_ =	sdelay $0x3  }
0x33: {  	p0 =	seq.s32 s10, $0x1;
	s10 =	sld [smem:$0x3FB1];
	_ =	sdelay $0x3  }
0x34: {  	[smem:$0x3FB1] =	sst s10  }
0x35: {  	s10 =	sld [smem:$0x3FB0];
	_ =	sdelay $0x3  }
0x36: {  	p1 =	seq.s32 s10, $0x1;
	s10 =	sld [smem:$0x3FB1];
	_ =	sdelay $0x3  }
0x37: {  	[smem:$0x3FB1] =	sst s10  }
0x38: {  	s10 =	sld [smem:$0x3FB2]  }
0x39: {  	_ = 	snop;
	(pc) =	sbr.ind lr, $3  }
0x3a: {  	_ = 	snop  }
0x3b: {  	_ = 	snop  }
0x3c: {  	p2 =	seq.s32 s10, $0x1;
	s10 =	sld [smem:$0x3FB1]  }
0x3d: {  	_ =	shalt  }
0x3e: {  	_ =	shalt  }
0x3f: {  	_ =	shalt  }
0x40: {  	_ =	shalt  }
0x41: {  	_ =	shalt  }
0x42: {  	_ =	shalt  }
0x43: {  	_ =	shalt  }
0x44: {  	_ =	shalt  }
0x45: {  	_ =	shalt  }
0x46: {  	_ =	shalt  }
0x47: {  	_ =	shalt  }
0x48: {  	_ =	shalt  }
0x49: {  	_ =	shalt  }
0x4a: {  	_ =	shalt  }
0x4b: {  	_ =	shalt  }
0x4c: {  	_ =	shalt  }
0x4d: {  	_ =	shalt  }
0x4e: {  	_ =	shalt  }
0x4f: {  	_ =	shalt  }
0x50: {  	_ =	shalt  }
0x51: {  	_ =	shalt  }
0x52: {  	_ =	shalt  }
0x53: {  	_ =	shalt  }
0x54: {  	_ =	shalt  }
0x55: {  	_ =	shalt  }
0x56: {  	_ =	shalt  }
0x57: {  	_ =	shalt  }
0x58: {  	_ =	shalt  }
0x59: {  	_ =	shalt  }
0x5a: {  	_ =	shalt  }
0x5b: {  	_ =	shalt  }
0x5c: {  	_ =	shalt  }
0x5d: {  	_ =	shalt  }
0x5e: {  	_ =	shalt  }
0x5f: {  	_ =	shalt  }
0x60: {  	_ =	shalt  }
0x61: {  	_ =	shalt  }
0x62: {  	_ =	shalt  }
0x63: {  	_ =	shalt  }
0x64: {  	_ =	shalt  }
0x65: {  	_ =	shalt  }
0x66: {  	_ =	shalt  }
0x67: {  	_ =	shalt  }
0x68: {  	_ =	shalt  }
0x69: {  	_ =	shalt  }
0x6a: {  	_ =	shalt  }
0x6b: {  	_ =	shalt  }
0x6c: {  	_ =	shalt  }
0x6d: {  	_ =	shalt  }
0x6e: {  	_ =	shalt  }
0x6f: {  	_ =	shalt  }
0x70: {  	_ =	shalt  }
0x71: {  	_ =	shalt  }
0x72: {  	_ =	shalt  }
0x73: {  	_ =	shalt  }
0x74: {  	_ =	shalt  }
0x75: {  	_ =	shalt  }
0x76: {  	_ =	shalt  }
0x77: {  	_ =	shalt  }
0x78: {  	_ =	shalt  }
0x79: {  	_ =	shalt  }
0x7a: {  	_ =	shalt  }
0x7b: {  	_ =	shalt  }
0x7c: {  	_ =	shalt  }
0x7d: {  	_ =	shalt  }
0x7e: {  	_ =	shalt  }
0x7f: {  	_ =	shalt  }
0x80: {  	_ =	shalt  }
0x81: {  	_ =	shalt  }
0x82: {  	_ =	shalt  }
0x83: {  	_ =	shalt  }
0x84: {  	_ =	shalt  }
0x85: {  	_ =	shalt  }
0x86: {  	_ =	shalt  }
0x87: {  	_ =	shalt  }
.Lfunc_end0:
.L_simem_size_0:
called_computation.3_lowered:
.L_overlay_start_0:
0x88: {  	s2 =	sld [smem:$0x3FD9]  }
0x89: {  	s3 =	sld [smem:$0x3FFE];
	_ =	sdelay $0x1  }
0x8a: {  	s1 =	srdreg.scid  }
0x8b: {  	s0 =	sand.u32 $0x1, s1  }
0x8c: {  	s17 =	sshll.u32 s0, $0xA;
	s2 =	sadd.s32 s3, s2  }
0x8d: {  	s2 =	sadd.s32 s2, s17  }
0x8e: {  	[smem:$0x3FBD] =	sst s2  }
0x8f: {  	_ = 	snop  }
0x90: {  	s2 =	sld [smem:$0x3FD0];
	(tm) =	ssettm $0x1  }
0x91: {  	s18 =	sld [smem:$0x3FFB];
	_ =	sdelay $0x3  }
0x92: {  	_ =	strace s18  }
0x93: {  	s3 =	sld [smem:$0x3FFC];
	_ =	sdelay $0x3  }
0x94: {  	_ =	strace s3  }
0x95: {  	s3 =	sld [smem:$0x3FFD];
	_ =	sdelay $0x3  }
0x96: {  	_ =	strace s3  }
0x97: {  	_ =	strace $0x8FFFFFFF  }
0x98: {  	s19 =	sld [smem:$0x3FDB];
	_ =	sdelay $0x1  }
0x99: {  	s4 =	simm.s32 $_scs_section_size  }
0x9a: {  	s5 =	simm.s32 $_size__tile_overlayer_lowered;
	s6 =	simm.s32 $_tile_overlayer_lowered  }
0x9b: {  	s22 =	simm.s32 $0x1BFF;
	s21 =	sshll.u32 s6, $0x1;
	s3 =	sadd.s32 s4, s19  }
0x9c: {  	s7 =	simm.s32 $0x0;
	s20 =	sshll.u32 s5, $0x1;
	s5 =	sadd.s32 s21, s3  }
0x9d: {  	[timem:s7], [sflag:s22] =	dma.local [hbm:s5], s20  }
0x9e: {  	_ =	swait.ge [sflag:s22], s20  }
0x9f: {  	s4 =	ssub.s32 $0x0, s20;
	[sflag:s22] =	ssyncset.done $0x0  }
0xa0: {  	[sflag:s22] =	ssyncadd.s32 s4;
	_ =	sdelay $0x1  }
0xa1: {  	s23 =	simm.s32 $0x1B8B  }
0xa2: {  	_ =	swait.ge [sflag:s23], $0x1  }
0xa3: {  	[sflag:s23] =	ssyncset.done $0x0  }
0xa4: {  	s25 =	simm.s32 $0x1B8E;
	s24 =	sld [smem:$0x3FFE];
	[sflag:s23] =	ssyncadd.s32 $0xFFFFFFFF  }
0xa5: {  	s26 =	simm.s32 $execute0_lowered;
	[smem:$0x3FD2] =	sst s25  }
0xa6: {  	s5 =	sshll.u32 s26, $0x1;
	_ =	strace $0x8000004F;
	[dreg:$0x1] =	wrdreg $0xFFFFFFFF  }
0xa7: {  	s28 =	simm.s32 $_size_execute0_lowered;
	s3 =	sadd.s32 s3, s5;
	[dreg:$0x0] =	wrdreg $0x0  }
0xa8: {  	s5 =	sshll.u32 s28, $0x1;
	[dreg:$0x2] =	wrdreg s3  }
0xa9: {  	[dreg:$0x3] =	wrdreg s5  }
0xaa: {  	[dreg:$0x4] =	wrdreg $0xC0  }
0xab: {  	_ =	task [dreg:s7], $0x5FFFF  }
0xac: {  	[dreg:$0x1] =	wrdreg $0xFFFFFFFF  }
0xad: {  	[dreg:$0x0] =	wrdreg $0x60  }
0xae: {  	[dreg:$0x2] =	wrdreg s2  }
0xaf: {  	[dreg:$0x3] =	wrdreg s24  }
0xb0: {  	[dreg:$0x4] =	wrdreg $0x80000  }
0xb1: {  	[dreg:$0x5] =	wrdreg $0x9  }
0xb2: {  	_ =	task.clear_ibuf [dreg:s7], $0x6FFFF;
	_ =	strace $0x9000004F  }
0xb3: {  	s29 =	simm.s32 $0x9;
	_ =	strace $0x80000051  }
0xb4: {  	_ =	swait.ge [sflag:s29], $0x1  }
0xb5: {  	[sflag:s29] =	ssyncadd.s32 $0xFFFFFFFF  }
0xb6: {  	_ =	strace $0x90000051  }
0xb7: {  	_ =	sfence  }
0xb8: {  	s30 =	sld [smem:$0x0];
	_ =	sdelay $0x2  }
0xb9: {  	s31 =	sshll.u32 s1, $0xD;
	s1 =	sshrl.u32 s1, $0x2  }
0xba: {  	s3 =	sand.u32 $0x4000, s31;
	s1 =	sadd.s32 s1, s30  }
0xbb: {  	s0 =	sor.u32 s3, s0;
	s1 =	sshll.u32 s1, $0x11  }
0xbc: {  	s0 =	sor.u32 s1, s0  }
0xbd: {  	s0 =	sadd.s32 $0x8F2B, s0  }
0xbe: {  	[sflag:s0] =	ssyncadd.remote.s32 $0x1  }
0xbf: {  	_ =	sfence.sel $0xFFFF  }
0xc0: {  	[dreg:$0x0] =	wrdreg $0xFFFFFFFF;
	(pc) =	sbr.abs _section_cstart, $3  }
0xc1: {  	[dreg:$0x1] =	wrdreg $0xFFFFFFFF  }
0xc2: {  	_ =	task.clear_ibuf [dreg:s7], $0x2FFFF;
	_ =	strace $0x9FFFFFFF  }
0xc3: {  	(tm) =	ssettm $0x7FFFFFFF  }
tec
execute0_lowered:
.L_overlay_start_1:
0x0: {  	(tag) =	ssettag $0x1  }
0x1: {  	s10 =	rddreg [dreg:$0x0]  }
0x2: {  	s7 =	rddreg [dreg:$0x1]  }
0x3: {  	s1 =	rddreg [dreg:$0x2]  }
0x4: {  	s2 =	simm.s32 $0x0;
	s3 =	srdreg.scid;
	s0 =	stileid.u32  }
0x5: {  	s19 =	simm.s32 $0x1800;
	s20 =	simm.s32 $0x2;
	s21 =	simm.s32 $0x1580  }
0x6: {  	s22 =	simm.s32 $0x4C00;
	s23 =	simm.s32 $0x0;
	[smem:$0x7FF] =	sst s2  }
0x7: {  	s8 =	sand.u32 $0x1, s3;
	s4 =	sadd.s32 $0x1CA00, s7;
	s12 =	smul.u32 $0x270, s0  }
0x8: {  	s5 =	sadd.s32 $0xDA00, s7;
	s6 =	sadd.s32 $0x6200, s7;
	s14 =	smul.u32 $0x4E000, s0  }
0x9: {  	s15 =	sadd.s32 $0x1A3400, s7;
	s30 =	sshll.u32 s0, $0x6;
	s9 =	smul.u32 $0x2710, s8  }
0xa: {  	s18 =	sadd.s32 $0x138000, s1;
	p0 =	sne.s32 s0, $0xF;
	s26 =	smul.u32 $0x138800, s8  }
0xb: {  	_ =	strace $0x80000050;
	s11 =	ssub.s32 $0x2, s8;
	s29 =	smul.u32 $0x3C000, s8  }
0xc: {  	s8 =	smul.u32 $0x3C00, s0;
	s13 =	sshrl.u32 s11, $0x1;
	s25 =	sshrl.u32 s14, $0x2  }
0xd: {  	s16 =	ssub.s32 s11, s13;
	s24 =	sadd.s32 s12, s9;
	s17 =	sadd.s32 s25, s1  }
0xe: {  	s11 =	sshrl.u32 s26, $0x3;
	s9 =	sor.u32 $0x1C03, s30;
	s12 =	sshll.u32 s24, $0x4  }
0xf: {  	s31 =	sadd.s32 $0x27000, s11;
	s11 =	sadd.s32 s29, s8;
	s14 =	smax.u32 s16, $0x1  }
0x10: {  	s16 =	simm.s32 $0x3;
	s28 =	sadd.s32 s10, s12;
	s10 =	sadd.s32 s10, s31  }
0x11: {  	s12 =	sadd.s32 s15, s12;
	s13 =	sadd.s32 s15, s31;
	s15 =	sshrl.u32 s17, $0x3  }
0x12: {  	s17 =	sshrl.u32 @!p0 s18, $0x3;
	s18 =	simm.s32 $0x64;
	[dreg:$0x4] =	wrdreg s28  }
.LBB2_1:
0x13: {  	s0 =	rddreg [dreg:$0x4]  }
0x14: {  	[spmem:s15], [sflag:s9] =	dma.local [hbm:s0], $0x2700  }
0x15: {  	_ =	swait.ge [sflag:s16], $0x2700  }
0x16: {  	[sflag:s16] =	ssyncset.done $0x0  }
0x17: {  	s24 =	simm.s32 @!p0 $0x3;
	[sflag:s16] =	ssyncadd.s32 $0xFFFFD900  }
0x18: {  	[spmem:s17], [sflag:s9] =	dma.local @!p0 [hbm:s10], $0x100  }
0x19: {  	_ =	swait.ge @!p0 [sflag:s24], $0x100  }
0x1a: {  	[sflag:s24] =	ssyncset.done @!p0 $0x0  }
0x1b: {  	[sflag:s24] =	ssyncadd.s32 @!p0 $0xFFFFFF00  }
0x1c: {  	s24 =	simm.s32 $0x0;
	[bflag:$0x0] =	sbarrier.arrive $0xFFFF  }
.LBB2_2:
0x1d: {  	s25 =	smul.u32 $0xC00, s24;
	_ =	sdelay $0x1  }
0x1e: {  	s26 =	sadd.s32 s11, s25  }
0x1f: {  	s26 =	sshrl.u32 s26, $0x3  }
0x20: {  	s25 =	sadd.s32 s8, s25;
	s26 =	sadd.s32 s5, s26  }
0x21: {  	[tilespmem:s2], [sflag:$0x3] =	stream.linear.gather [hbm4b:s26+s2], $0xA00, $0x38;
	[tilespmem:$0x1B880] =	vst v63  }
0x22: {  	s25 =	sshrl.u32 s25, $0x3;
	_ =	swait.ge [sflag:s16], $0xA00  }
0x23: {  	s3 =	simm.s32 $0x1;
	s0 =	sadd.s32 s6, s25;
	[sflag:s16] =	ssyncset.done $0x0  }
0x24: {  	s25 =	simm.s32 $0xC00;
	s26 =	sand.u32 $0x1, s3;
	[sflag:s16] =	ssyncadd.s32 $0xFFFFF600  }
0x25: {  	[tilespmem:s25], [sflag:$0x3] =	stream.linear.gather [hbm4b:s0+s2], $0xA00, $0x38;
	[tilespmem:$0x1B880] =	vst v63  }
0x26: {  	s29 =	simm.s32 $0x0;
	s28 =	smul.u32 $0xD000, s26;
	_ =	swait.ge [sflag:s16], $0xA00  }
0x27: {  	s30 =	simm.s32 $0x80;
	s29 =	sand.u32 $0x1, s29;
	[sflag:s16] =	ssyncset.done $0x0  }
0x28: {  	s31 =	smul.u32 $0xD000, s29;
	s28 =	sshrl.u32 s28, $0x2;
	[sflag:s16] =	ssyncadd.s32 $0xFFFFF600  }
0x29: {  	[tilespmem:s19], [sflag:$0x1] =	stream.indirect.gather [hbm4b:s4+s18], $0x80, s2, s18, $0xb8;
	[tilespmem:$0x1B880] =	vst v63  }
0x2a: {  	s26 =	sadd.s32 $0x1, s26;
	s28 =	sadd.s32 $0x1800, s28;
	s0 =	sadd.s32 $0x1, s29  }
0x2b: {  	[tilespmem:s28], [sflag:s26] =	stream.indirect.gather [hbm4b:s4+s18], $0x80, s30, s18, $0xb8;
	[tilespmem:$0x1B880] =	vst v63  }
0x2c: {  	s7 =	sshrl.u32 s31, $0x2;
	_ =	swait.ge [sflag:s0], $0x3200  }
0x2d: {  	s29 =	simm.s32 $0x2;
	s26 =	sadd.s32 $0x1800, s7;
	[sflag:s0] =	ssyncset.done $0x0  }
0x2e: {  	s30 =	simm.s32 $0x3;
	s28 =	sand.u32 $0x1, s29;
	[sflag:s0] =	ssyncadd.s32 $0xFFFFCE00  }
0x2f: {  	[spmem:s1] =	stream.indirect.scatter.add.f32 [tilespmem:s26], [sflag:$0x3], $0x80, s25, s18, $0xb8;
	[tilespmem:$0x1B880] =	vst v63  }
0x30: {  	s31 =	smul.u32 $0xD000, s28;
	s26 =	simm.s32 $0x100;
	_ =	swait.ge [sflag:s16], $0x3200  }
.LBB2_3:
0x31: {  	[sflag:s16] =	ssyncset.done $0x0  }
0x32: {  	s25 =	sadd.s32 $0x80, s25;
	s0 =	smov.u32 s30;
	s3 =	sadd.s32 $0x1, s30  }
0x33: {  	s29 =	sadd.s32 $0xFFFFFFFF, s29;
	s31 =	sshrl.u32 s31, $0x2;
	[sflag:s16] =	ssyncadd.s32 $0xFFFFCE00  }
0x34: {  	s28 =	sadd.s32 $0x1, s28;
	s29 =	sand.u32 $0x1, s29;
	s31 =	sadd.s32 $0x1800, s31  }
0x35: {  	p1 =	sne.s32 s30, $0x13;
	s30 =	smul.u32 $0xD000, s29;
	s7 =	sadd.s32 $0x1, s29  }
0x36: {  	[tilespmem:s31], [sflag:s28] =	stream.indirect.gather [hbm4b:s4+s18], $0x80, s26, s18, $0xb8;
	[tilespmem:$0x1B880] =	vst v63  }
.Ltmp0:
0x37: {  	s28 =	sshrl.u32 s30, $0x2;
	_ =	swait.ge [sflag:s7], $0x3200;
	(pc) =	sbr.rel @p1 .LBB2_3-.Ltmp0, $4  }
0x38: {  	s29 =	smov.u32 s0;
	s30 =	sadd.s32 $0x1800, s28;
	[sflag:s7] =	ssyncset.done $0x0  }
0x39: {  	s26 =	sadd.s32 $0x80, s26;
	s28 =	sand.u32 $0x1, s29;
	[sflag:s7] =	ssyncadd.s32 $0xFFFFCE00  }
0x3a: {  	[spmem:s1] =	stream.indirect.scatter.add.f32 [tilespmem:s30], [sflag:$0x3], $0x80, s25, s18, $0xb8;
	[tilespmem:$0x1B880] =	vst v63  }
0x3b: {  	s31 =	smul.u32 $0xD000, s28;
	s30 =	smov.u32 s3;
	_ =	swait.ge [sflag:s16], $0x3200  }
0x3c: {  	[sflag:s16] =	ssyncset.done $0x0;
	s0 =	sadd.s32 $0xFFFFFFFF, s29;
	s7 =	sadd.s32 $0x1, s28  }
0x3d: {  	s3 =	sshrl.u32 s31, $0x2;
	[sflag:s16] =	ssyncadd.s32 $0xFFFFCE00;
	s0 =	sand.u32 $0x1, s0  }
0x3e: {  	s3 =	sadd.s32 $0x1800, s3;
	s29 =	smul.u32 $0xD000, s0;
	s0 =	sadd.s32 $0x1, s0  }
0x3f: {  	[tilespmem:s3], [sflag:s7] =	stream.indirect.gather [hbm4b:s4+s18], $0x80, s26, s18, $0xb8;
	[tilespmem:$0x1B880] =	vst v63  }
0x40: {  	_ =	swait.ge [sflag:s0], $0x3200  }
0x41: {  	s30 =	sshrl.u32 s29, $0x2;
	[sflag:s0] =	ssyncset.done $0x0  }
0x42: {  	s31 =	sadd.s32 $0x80, s25;
	s3 =	sadd.s32 $0x1800, s30;
	[sflag:s0] =	ssyncadd.s32 $0xFFFFCE00  }
0x43: {  	[spmem:s1] =	stream.indirect.scatter.add.f32 [tilespmem:s3], [sflag:$0x3], $0x80, s31, s18, $0xb8;
	[tilespmem:$0x1B880] =	vst v63  }
0x44: {  	_ =	swait.ge [sflag:s16], $0x3200  }
0x45: {  	[sflag:s16] =	ssyncset.done $0x0  }
0x46: {  	[sflag:s16] =	ssyncadd.s32 $0xFFFFCE00  }
0x47: {  	s24 =	sadd.s32 $0x1, s24;
	_ =	swait.ge [sflag:s20], $0x3200  }
0x48: {  	p1 =	sne.s32 s24, $0x5;
	[sflag:s20] =	ssyncset.done $0x0  }
.Ltmp1:
0x49: {  	[sflag:s20] =	ssyncadd.s32 $0xFFFFCE00;
	(pc) =	sbr.rel @p1 .LBB2_2-.Ltmp1, $4  }
0x4a: {  	[spmem:s1] =	stream.indirect.scatter.add.f32 [tilespmem:s22], [sflag:$0x3], $0x80, s21, s18, $0xb8;
	[tilespmem:$0x1B880] =	vst v63  }
0x4b: {  	_ =	swait.ge [sflag:s16], $0x3200  }
0x4c: {  	[sflag:s16] =	ssyncset.done $0x0  }
0x4d: {  	[sflag:s16] =	ssyncadd.s32 $0xFFFFCE00  }
0x4e: {  	[bflag:$0x0] =	sbarrier.arrive $0xFFFF  }
0x4f: {  	[hbm:s12], [sflag:s9] =	dma.local [spmem:s15], $0x2700  }
0x50: {  	s23 =	sadd.s32 $0x1, s23;
	_ =	swait.ge [sflag:s16], $0x2700  }
0x51: {  	p1 =	sne.s32 s23, s14;
	[sflag:s16] =	ssyncset.done $0x0  }
.Ltmp2:
0x52: {  	s0 =	simm.s32 @!p0 $0x3;
	[sflag:s16] =	ssyncadd.s32 $0xFFFFD900;
	(pc) =	sbr.rel @p1 .LBB2_1-.Ltmp2, $4  }
0x53: {  	[hbm:s13], [sflag:s9] =	dma.local @!p0 [spmem:s17], $0x100  }
0x54: {  	_ =	swait.ge @!p0 [sflag:s0], $0x100  }
0x55: {  	[sflag:s0] =	ssyncset.done @!p0 $0x0  }
0x56: {  	[sflag:s0] =	ssyncadd.s32 @!p0 $0xFFFFFF00  }
0x57: {  	_ =	sfence.sel $0x180000  }
0x58: {  	[bflag:$0x0] =	sbarrier.arrive $0xFFFF  }
0x59: {  	_ =	strace $0x90000050  }
0x5a: {  	s0 =	stileid.u32;
	[bflag:$0x2] =	sbarrier.arrive $0xFFFF  }
0x5b: {  	p0 =	sne.s32 s0, $0x0;
	s0 =	rddreg [dreg:$0x3]  }
0x5c: {  	s0 =	sadd.s32 @!p0 $0x100000, s0  }
0x5d: {  	[sflag:s0] =	ssyncadd.tile.s32 @!p0 $0x1;
	_ =	shalt  }
.Lfunc_end2:
_tile_overlayer_lowered:
.L_overlay_start_2:
0x5e: {  	(tag) =	ssettag $0x2  }
0x5f: {  	s0 =	rddreg [dreg:$0x0];
	s2 =	stileid.u32  }
0x60: {  	s1 =	rddreg [dreg:$0x1];
	p0 =	sne.s32 s2, $0x0  }
0x61: {  	s3 =	rddreg [dreg:$0x2];
	[bflag:$0x3] =	sbarrier.arrive $0xFFFF;
	s2 =	simm.s32 @!p0 $0x1C03  }
0x62: {  	[timem:s3], [sflag:s2] =	dma.local @!p0 [hbm:s0], s1  }
0x63: {  	s0 =	simm.s32 @!p0 $0x3  }
0x64: {  	_ =	swait.ge @!p0 [sflag:s0], s1  }
0x65: {  	s1 =	ssub.s32 @!p0 $0x0, s1;
	[sflag:s0] =	ssyncset.done @!p0 $0x0  }
0x66: {  	[sflag:s0] =	ssyncadd.s32 @!p0 s1  }
0x67: {  	[bflag:$0x3] =	sbarrier.arrive $0xFFFF  }
0x68: {  	_ =	shalt  }

</sc_bundles>
